<compile_context>
chip_gen: v7x
topology: tpu7x:2x2x1
jax: 0.10.2.dev20260603
libtpu: 0.0.44.dev20260713+nightly
codegen_flags: <defaults>
</compile_context>

<pallas_src>
import functools

import jax
import jax.numpy as jnp
from jax import lax
from jax.experimental import pallas as pl
from jax.experimental.pallas import tpu as pltpu
from jax.experimental.pallas import tpu_sc as plsc

NN = 10000
D = 128
E = 320000
NC = 2
NS = 16
GPT = 80
E_PAD = NC * NS * GPT * 128
ACC_ROWS = 10112
ROWS_PER_TILE_ZERO = ACC_ROWS // NS
ROWS_PER_TILE_OUT = 624
CHUNK = 2
IDX_HALF = GPT // 2
N_CHUNKS = IDX_HALF // CHUNK



def _sc_segsum_body(h_hbm, src_hbm, dst_hbm, zeros_hbm, out_hbm,
                    src_v, dst_v, rows_v, acc_sh, sems):
    c = lax.axis_index("c")
    s = lax.axis_index("s")
    tid = c * NS + s

    pltpu.sync_copy(zeros_hbm.at[pl.ds(s * ROWS_PER_TILE_ZERO, ROWS_PER_TILE_ZERO)],
                    acc_sh.at[pl.ds(s * ROWS_PER_TILE_ZERO, ROWS_PER_TILE_ZERO)])
    plsc.subcore_barrier()

    for half in range(2):
        pltpu.sync_copy(src_hbm.at[pl.ds(tid * GPT + half * IDX_HALF, IDX_HALF)],
                        src_v)
        pltpu.sync_copy(dst_hbm.at[pl.ds(tid * GPT + half * IDX_HALF, IDX_HALF)],
                        dst_v)

        for b in range(CHUNK):
            pltpu.async_copy(h_hbm.at[src_v.at[b]], rows_v.at[b], sems.at[b])

        def steady(i, carry):
            for b in range(CHUNK):
                g = i * CHUNK + b
                pltpu.make_async_copy(h_hbm.at[src_v.at[g]], rows_v.at[b],
                                      sems.at[b]).wait()
                pltpu.sync_copy(rows_v.at[b], acc_sh.at[dst_v.at[g]],
                                add=True)
                pltpu.async_copy(h_hbm.at[src_v.at[g + CHUNK]], rows_v.at[b],
                                 sems.at[b])
            return carry

        lax.fori_loop(0, N_CHUNKS - 1, steady, 0)
        for b in range(CHUNK):
            g = IDX_HALF - CHUNK + b
            pltpu.make_async_copy(h_hbm.at[src_v.at[g]], rows_v.at[b],
                                  sems.at[b]).wait()
            pltpu.sync_copy(rows_v.at[b], acc_sh.at[dst_v.at[g]], add=True)
    plsc.subcore_barrier()
    pltpu.sync_copy(acc_sh.at[pl.ds(s * ROWS_PER_TILE_OUT, ROWS_PER_TILE_OUT)],
                    out_hbm.at[c, pl.ds(s * ROWS_PER_TILE_OUT, ROWS_PER_TILE_OUT)])

    @pl.when(s == NS - 1)
    def _copy_tail():
        base = NS * ROWS_PER_TILE_OUT
        pltpu.sync_copy(acc_sh.at[pl.ds(base, NN - base)],
                        out_hbm.at[c, pl.ds(base, NN - base)])


@functools.cache
def _sc_segsum():
    return pl.kernel(
        _sc_segsum_body,
        out_type=jax.ShapeDtypeStruct((NC, NN, D), jnp.float32),
        mesh=plsc.VectorSubcoreMesh(core_axis_name="c", subcore_axis_name="s",
                                    num_cores=NC, num_subcores=NS),
        scratch_types=[
            pltpu.VMEM((IDX_HALF, 128), jnp.int32),
            pltpu.VMEM((IDX_HALF, 128), jnp.int32),
            pltpu.VMEM((CHUNK, 128, D), jnp.float32),
            pltpu.VMEM_SHARED((ACC_ROWS, D), jnp.float32),
            pltpu.SemaphoreType.DMA((CHUNK,)),
        ],
    )



def _linear_body(x_ref, w_ref, b_ref, o_ref):
    o_ref[...] = jnp.dot(x_ref[...], w_ref[...],
                         preferred_element_type=jnp.float32) + b_ref[...]


_linear = pl.pallas_call(
    _linear_body,
    out_shape=jax.ShapeDtypeStruct((NN, D), jnp.float32),
)


def _gin_mlp_body(h_ref, ma_ref, mb_ref, w1_ref, b1_ref, w2_ref, b2_ref, o_ref):
    z = h_ref[...] + ma_ref[...] + mb_ref[...]
    t = jnp.maximum(jnp.dot(z, w1_ref[...], preferred_element_type=jnp.float32)
                    + b1_ref[...], 0.0)
    o_ref[...] = jnp.dot(t, w2_ref[...],
                         preferred_element_type=jnp.float32) + b2_ref[...]


_gin_mlp = pl.pallas_call(
    _gin_mlp_body,
    out_shape=jax.ShapeDtypeStruct((NN, D), jnp.float32),
)


def _final_body(h0_ref, h1_ref, ma_ref, mb_ref, w1_ref, b1_ref, w2_ref, b2_ref,
                wo0_ref, wo1_ref, wo2_ref, bo_ref, o_ref):
    z = h1_ref[...] + ma_ref[...] + mb_ref[...]
    t = jnp.maximum(jnp.dot(z, w1_ref[...], preferred_element_type=jnp.float32)
                    + b1_ref[...], 0.0)
    h2 = jnp.dot(t, w2_ref[...], preferred_element_type=jnp.float32) + b2_ref[...]
    o_ref[...] = (jnp.dot(h0_ref[...], wo0_ref[...], preferred_element_type=jnp.float32)
                  + jnp.dot(h1_ref[...], wo1_ref[...], preferred_element_type=jnp.float32)
                  + jnp.dot(h2, wo2_ref[...], preferred_element_type=jnp.float32)
                  + bo_ref[...])


_final = pl.pallas_call(
    _final_body,
    out_shape=jax.ShapeDtypeStruct((NN, D), jnp.float32),
)



def kernel(x, adj, W_in, b_in, W1_0, b1_0, W2_0, b2_0,
           W1_1, b1_1, W2_1, b2_1, W_out, b_out):
    src = adj[0]
    dst = adj[1]
    src_p = jnp.concatenate(
        [src, jnp.zeros((E_PAD - E,), jnp.int32)]).reshape(-1, 128)
    dst_p = jnp.concatenate(
        [dst, jnp.full((E_PAD - E,), NN, jnp.int32)]).reshape(-1, 128)
    zeros_acc = jnp.zeros((ACC_ROWS, D), jnp.float32)

    b_in2 = b_in.reshape(1, D)
    b1_02 = b1_0.reshape(1, D)
    b2_02 = b2_0.reshape(1, D)
    b1_12 = b1_1.reshape(1, D)
    b2_12 = b2_1.reshape(1, D)
    b_out2 = b_out.reshape(1, D)
    wo0 = W_out[0:D]
    wo1 = W_out[D:2 * D]
    wo2 = W_out[2 * D:3 * D]

    segsum = _sc_segsum()
    h0 = _linear(x, W_in, b_in2)
    msg1 = segsum(h0, src_p, dst_p, zeros_acc)
    h1 = _gin_mlp(h0, msg1[0], msg1[1], W1_0, b1_02, W2_0, b2_02)
    msg2 = segsum(h1, src_p, dst_p, zeros_acc)
    out = _final(h0, h1, msg2[0], msg2[1], W1_1, b1_12, W2_1, b2_12,
                 wo0, wo1, wo2, b_out2)
    return out

# --- scband reference (transcript-rebuilt; emitter-appended) ---
"""Pipeline reference for scband-tgae-encoder-19963007992406 (READ-ONLY COPY).

The authoritative reference and input builder live on the scoring server;
editing this copy changes nothing except your own understanding.
"""

import jax, jax.numpy as jnp
import numpy as np

N_NODES = 10000
N_EDGES = 320000
D = 128


def _init_linear(key, fan_in, fan_out):
    k1, k2 = jax.random.split(key)
    bound = 1.0 / np.sqrt(fan_in)
    W = jax.random.uniform(k1, (fan_in, fan_out), minval=-bound, maxval=bound, dtype=jnp.float32)
    b = jax.random.uniform(k2, (fan_out,), minval=-bound, maxval=bound, dtype=jnp.float32)
    return W, b


def setup_inputs(seed: int = 0):
    key = jax.random.key(seed)
    ks = jax.random.split(key, 10)
    x = jax.random.normal(ks[0], (N_NODES, D), dtype=jnp.float32)
    adj = jax.random.randint(ks[1], (2, N_EDGES), 0, N_NODES, dtype=jnp.int32)
    W_in, b_in = _init_linear(ks[2], D, D)
    W1_0, b1_0 = _init_linear(ks[3], D, D)
    W2_0, b2_0 = _init_linear(ks[4], D, D)
    W1_1, b1_1 = _init_linear(ks[5], D, D)
    W2_1, b2_1 = _init_linear(ks[6], D, D)
    W_out, b_out = _init_linear(ks[7], 3 * D, D)
    return {
        'x': x, 'adj': adj,
        'W_in': W_in, 'b_in': b_in,
        'W1_0': W1_0, 'b1_0': b1_0, 'W2_0': W2_0, 'b2_0': b2_0,
        'W1_1': W1_1, 'b1_1': b1_1, 'W2_1': W2_1, 'b2_1': b2_1,
        'W_out': W_out, 'b_out': b_out,
    }


def reference(x, adj, W_in, b_in, W1_0, b1_0, W2_0, b2_0, W1_1, b1_1, W2_1, b2_1, W_out, b_out):
    # in_proj
    h = x @ W_in + b_in
    hidden_states = [h]
    src = adj[0]
    dst = adj[1]
    convs = [(W1_0, b1_0, W2_0, b2_0), (W1_1, b1_1, W2_1, b2_1)]
    for (W1, b1, W2, b2) in convs:
        # GINConv (eps=0): z_i = (1+eps)*h_i + sum_{j->i} h_j, then MLP
        msg = jax.ops.segment_sum(h[src], dst, num_segments=N_NODES)
        z = h + msg
        h = jnp.maximum(z @ W1 + b1, 0.0) @ W2 + b2
        hidden_states.append(h)
    cat = jnp.concatenate(hidden_states, axis=1)
    out = cat @ W_out + b_out
    return out

if __name__ == "__main__":
    import jax
    _d = setup_inputs()
    print(jax.jit(kernel)(*tuple(_d.values())))

</pallas_src>

<mosaic_0001>
#map = affine_map<(d0, d1) -> (0, 0)>
#map1 = affine_map<(d0, d1) -> (0, 0, 0)>
module attributes {stable_mosaic.version = 14 : i64} {
  func.func @_sc_segsum_body(%arg0: i32, %arg1: i32, %arg2: memref<10000x128xf32, #tpu.memory_space<hbm>>, %arg3: memref<2560x128xi32, #tpu.memory_space<hbm>>, %arg4: memref<2560x128xi32, #tpu.memory_space<hbm>>, %arg5: memref<10112x128xf32, #tpu.memory_space<hbm>>, %arg6: memref<2x10000x128xf32, #tpu.memory_space<hbm>>, %arg7: memref<40x128xi32, #tpu.memory_space<vmem>>, %arg8: memref<40x128xi32, #tpu.memory_space<vmem>>, %arg9: memref<2x128x128xf32, #tpu.memory_space<vmem>>, %arg10: memref<10112x128xf32, #tpu.memory_space<vmem_shared>>, %arg11: memref<2x!tpu.dma_semaphore, #tpu.memory_space<semaphore_mem>>) attributes {dimension_semantics = [#tpu.dimension_semantics<core_parallel>, #tpu.dimension_semantics<subcore_parallel>], iteration_bounds = array<i64: 2, 16>, scalar_prefetch = 0 : i64, scratch_operands = 5 : i64, tpu.core_type = #tpu.core_type<sc_vector_subcore>, window_params = [{transform_indices = #map}, {transform_indices = #map}, {transform_indices = #map}, {transform_indices = #map}, {transform_indices = #map1}]} {
    %mul3A = arith.constant 16 : i32
    %mul3A_0 = arith.muli %arg0, %mul3A : i32
    %add3A = arith.addi %mul3A_0, %arg1 : i32
    %mul3A_1 = arith.constant 632 : i32
    %mul3A_2 = arith.muli %arg1, %mul3A_1 : i32
    %mul3A_3 = arith.constant 632 : i32
    %mul3A_4 = arith.muli %arg1, %mul3A_3 : i32
    "tpu.region"() ({
      %run_scoped3A_164 = tpu.sem_alloc : memref<!tpu.dma_semaphore, #tpu.memory_space<semaphore_mem>>
      %dma_start3A_165 = arith.constant 0 : i32
      %dma_start3A_166 = tpu.memref_slice %arg10[%mul3A_4, %dma_start3A_165] : memref<10112x128xf32, #tpu.memory_space<vmem_shared>> -> memref<632x128xf32, #tpu.memory_space<vmem_shared>>
      %dma_start3A_167 = arith.constant 0 : i32
      %dma_start3A_168 = tpu.memref_slice %arg5[%mul3A_2, %dma_start3A_167] : memref<10112x128xf32, #tpu.memory_space<hbm>> -> memref<632x128xf32, #tpu.memory_space<hbm>>
      tpu.enqueue_dma source(%dma_start3A_168 : memref<632x128xf32, #tpu.memory_space<hbm>>) target(%dma_start3A_166 : memref<632x128xf32, #tpu.memory_space<vmem_shared>>) target_semaphore(%run_scoped3A_164 : memref<!tpu.dma_semaphore, #tpu.memory_space<semaphore_mem>>)
      %dma_wait3A_169 = arith.constant 0 : i32
      %dma_wait3A_170 = tpu.memref_slice %arg10[%mul3A_4, %dma_wait3A_169] : memref<10112x128xf32, #tpu.memory_space<vmem_shared>> -> memref<632x128xf32, #tpu.memory_space<vmem_shared>>
      %dma_wait3A_171 = arith.constant 0 : i32
      %dma_wait3A_172 = tpu.memref_slice %arg5[%mul3A_2, %dma_wait3A_171] : memref<10112x128xf32, #tpu.memory_space<hbm>> -> memref<632x128xf32, #tpu.memory_space<hbm>>
      tpu.wait_dma2 semaphore(%run_scoped3A_164 : memref<!tpu.dma_semaphore, #tpu.memory_space<semaphore_mem>>) src(%dma_wait3A_172 : memref<632x128xf32, #tpu.memory_space<hbm>>) dst(%dma_wait3A_170 : memref<632x128xf32, #tpu.memory_space<vmem_shared>>)
      tpu.yield
    }) : () -> ()
    %barrier3A = arith.constant 0 : index
    tpu.barrier barrier_id(%barrier3A)
    %mul3A_5 = arith.constant 80 : i32
    %mul3A_6 = arith.muli %add3A, %mul3A_5 : i32
    %add3A_7 = arith.constant 0 : i32
    %add3A_8 = arith.addi %mul3A_6, %add3A_7 : i32
    "tpu.region"() ({
      %run_scoped3A_164 = tpu.sem_alloc : memref<!tpu.dma_semaphore, #tpu.memory_space<semaphore_mem>>
      %dma_start3A_165 = arith.constant 0 : i32
      %dma_start3A_166 = tpu.memref_slice %arg3[%add3A_8, %dma_start3A_165] : memref<2560x128xi32, #tpu.memory_space<hbm>> -> memref<40x128xi32, #tpu.memory_space<hbm>>
      %dma_start3A_167 = arith.constant 0 : i32
      %dma_start3A_168 = tpu.memref_slice %arg3[%add3A_8, %dma_start3A_167] : memref<2560x128xi32, #tpu.memory_space<hbm>> -> memref<40x128xi32, #tpu.memory_space<hbm>>
      tpu.enqueue_dma source(%dma_start3A_168 : memref<40x128xi32, #tpu.memory_space<hbm>>) target(%arg7 : memref<40x128xi32, #tpu.memory_space<vmem>>) target_semaphore(%run_scoped3A_164 : memref<!tpu.dma_semaphore, #tpu.memory_space<semaphore_mem>>)
      %dma_wait3A_169 = arith.constant 0 : i32
      %dma_wait3A_170 = tpu.memref_slice %arg3[%add3A_8, %dma_wait3A_169] : memref<2560x128xi32, #tpu.memory_space<hbm>> -> memref<40x128xi32, #tpu.memory_space<hbm>>
      %dma_wait3A_171 = arith.constant 0 : i32
      %dma_wait3A_172 = tpu.memref_slice %arg3[%add3A_8, %dma_wait3A_171] : memref<2560x128xi32, #tpu.memory_space<hbm>> -> memref<40x128xi32, #tpu.memory_space<hbm>>
      tpu.wait_dma2 semaphore(%run_scoped3A_164 : memref<!tpu.dma_semaphore, #tpu.memory_space<semaphore_mem>>) src(%dma_wait3A_172 : memref<40x128xi32, #tpu.memory_space<hbm>>) dst(%arg7 : memref<40x128xi32, #tpu.memory_space<vmem>>)
      tpu.yield
    }) : () -> ()
    %mul3A_9 = arith.constant 80 : i32
    %mul3A_10 = arith.muli %add3A, %mul3A_9 : i32
    %add3A_11 = arith.constant 0 : i32
    %add3A_12 = arith.addi %mul3A_10, %add3A_11 : i32
    "tpu.region"() ({
      %run_scoped3A_164 = tpu.sem_alloc : memref<!tpu.dma_semaphore, #tpu.memory_space<semaphore_mem>>
      %dma_start3A_165 = arith.constant 0 : i32
      %dma_start3A_166 = tpu.memref_slice %arg4[%add3A_12, %dma_start3A_165] : memref<2560x128xi32, #tpu.memory_space<hbm>> -> memref<40x128xi32, #tpu.memory_space<hbm>>
      %dma_start3A_167 = arith.constant 0 : i32
      %dma_start3A_168 = tpu.memref_slice %arg4[%add3A_12, %dma_start3A_167] : memref<2560x128xi32, #tpu.memory_space<hbm>> -> memref<40x128xi32, #tpu.memory_space<hbm>>
      tpu.enqueue_dma source(%dma_start3A_168 : memref<40x128xi32, #tpu.memory_space<hbm>>) target(%arg8 : memref<40x128xi32, #tpu.memory_space<vmem>>) target_semaphore(%run_scoped3A_164 : memref<!tpu.dma_semaphore, #tpu.memory_space<semaphore_mem>>)
      %dma_wait3A_169 = arith.constant 0 : i32
      %dma_wait3A_170 = tpu.memref_slice %arg4[%add3A_12, %dma_wait3A_169] : memref<2560x128xi32, #tpu.memory_space<hbm>> -> memref<40x128xi32, #tpu.memory_space<hbm>>
      %dma_wait3A_171 = arith.constant 0 : i32
      %dma_wait3A_172 = tpu.memref_slice %arg4[%add3A_12, %dma_wait3A_171] : memref<2560x128xi32, #tpu.memory_space<hbm>> -> memref<40x128xi32, #tpu.memory_space<hbm>>
      tpu.wait_dma2 semaphore(%run_scoped3A_164 : memref<!tpu.dma_semaphore, #tpu.memory_space<semaphore_mem>>) src(%dma_wait3A_172 : memref<40x128xi32, #tpu.memory_space<hbm>>) dst(%arg8 : memref<40x128xi32, #tpu.memory_space<vmem>>)
      tpu.yield
    }) : () -> ()
    %dma_start3A = arith.constant 0 : i32
    %dma_start3A_13 = arith.constant 0 : i32
    %dma_start3A_14 = arith.constant 0 : i32
    %dma_start3A_15 = arith.constant 0 : i32
    %dma_start3A_16 = arith.constant 0 : i32
    %dma_start3A_17 = tpu.memref_slice %arg9[%dma_start3A_13, %dma_start3A_15, %dma_start3A_16] : memref<2x128x128xf32, #tpu.memory_space<vmem>> -> memref<1x128x128xf32, #tpu.memory_space<vmem>>
    %dma_start3A_18 = tpu.memref_squeeze %dma_start3A_17 : memref<1x128x128xf32, #tpu.memory_space<vmem>> -> memref<128x128xf32, #tpu.memory_space<vmem>>
    %dma_start3A_19 = arith.constant 0 : i32
    %dma_start3A_20 = tpu.memref_slice %arg7[%dma_start3A, %dma_start3A_19] : memref<40x128xi32, #tpu.memory_space<vmem>> -> memref<1x128xi32, #tpu.memory_space<vmem>>
    %dma_start3A_21 = tpu.memref_squeeze %dma_start3A_20 : memref<1x128xi32, #tpu.memory_space<vmem>> -> memref<128xi32, #tpu.memory_space<vmem>>
    %dma_start3A_22 = arith.constant 0 : i32
    %dma_start3A_23 = arith.constant 0 : i32
    %dma_start3A_24 = tpu.memref_slice %arg2[%dma_start3A_22, %dma_start3A_23] : memref<10000x128xf32, #tpu.memory_space<hbm>> -> memref<10000x128xf32, #tpu.memory_space<hbm>>
    %dma_start3A_25 = tpu.memref_slice %arg11[%dma_start3A_14] : memref<2x!tpu.dma_semaphore, #tpu.memory_space<semaphore_mem>> -> memref<1x!tpu.dma_semaphore, #tpu.memory_space<semaphore_mem>>
    %dma_start3A_26 = tpu.memref_squeeze %dma_start3A_25 : memref<1x!tpu.dma_semaphore, #tpu.memory_space<semaphore_mem>> -> memref<!tpu.dma_semaphore, #tpu.memory_space<semaphore_mem>>
    tpu.enqueue_indirect_dma source(%dma_start3A_24 : memref<10000x128xf32, #tpu.memory_space<hbm>>) target(%dma_start3A_18 : memref<128x128xf32, #tpu.memory_space<vmem>>) offsets(%dma_start3A_21 : memref<128xi32, #tpu.memory_space<vmem>>) semaphore(%dma_start3A_26 : memref<!tpu.dma_semaphore, #tpu.memory_space<semaphore_mem>>)
    %dma_start3A_27 = arith.constant 1 : i32
    %dma_start3A_28 = arith.constant 1 : i32
    %dma_start3A_29 = arith.constant 1 : i32
    %dma_start3A_30 = arith.constant 0 : i32
    %dma_start3A_31 = arith.constant 0 : i32
    %dma_start3A_32 = tpu.memref_slice %arg9[%dma_start3A_28, %dma_start3A_30, %dma_start3A_31] : memref<2x128x128xf32, #tpu.memory_space<vmem>> -> memref<1x128x128xf32, #tpu.memory_space<vmem>>
    %dma_start3A_33 = tpu.memref_squeeze %dma_start3A_32 : memref<1x128x128xf32, #tpu.memory_space<vmem>> -> memref<128x128xf32, #tpu.memory_space<vmem>>
    %dma_start3A_34 = arith.constant 0 : i32
    %dma_start3A_35 = tpu.memref_slice %arg7[%dma_start3A_27, %dma_start3A_34] : memref<40x128xi32, #tpu.memory_space<vmem>> -> memref<1x128xi32, #tpu.memory_space<vmem>>
    %dma_start3A_36 = tpu.memref_squeeze %dma_start3A_35 : memref<1x128xi32, #tpu.memory_space<vmem>> -> memref<128xi32, #tpu.memory_space<vmem>>
    %dma_start3A_37 = arith.constant 0 : i32
    %dma_start3A_38 = arith.constant 0 : i32
    %dma_start3A_39 = tpu.memref_slice %arg2[%dma_start3A_37, %dma_start3A_38] : memref<10000x128xf32, #tpu.memory_space<hbm>> -> memref<10000x128xf32, #tpu.memory_space<hbm>>
    %dma_start3A_40 = tpu.memref_slice %arg11[%dma_start3A_29] : memref<2x!tpu.dma_semaphore, #tpu.memory_space<semaphore_mem>> -> memref<1x!tpu.dma_semaphore, #tpu.memory_space<semaphore_mem>>
    %dma_start3A_41 = tpu.memref_squeeze %dma_start3A_40 : memref<1x!tpu.dma_semaphore, #tpu.memory_space<semaphore_mem>> -> memref<!tpu.dma_semaphore, #tpu.memory_space<semaphore_mem>>
    tpu.enqueue_indirect_dma source(%dma_start3A_39 : memref<10000x128xf32, #tpu.memory_space<hbm>>) target(%dma_start3A_33 : memref<128x128xf32, #tpu.memory_space<vmem>>) offsets(%dma_start3A_36 : memref<128xi32, #tpu.memory_space<vmem>>) semaphore(%dma_start3A_41 : memref<!tpu.dma_semaphore, #tpu.memory_space<semaphore_mem>>)
    %scan3A = arith.constant 0 : i32
    %scan3A_42 = arith.constant 0 : i32
    %scan3A_43 = arith.constant 19 : i32
    %scan3A_44 = arith.addi %scan3A_42, %scan3A_43 : i32
    %scan3A_45 = arith.constant 1 : i32
    scf.for %scan3A_164 = %scan3A_42 to %scan3A_44 step %scan3A_45  : i32 {
      %mul3A_165 = arith.constant 2 : i32
      %mul3A_166 = arith.muli %scan3A_164, %mul3A_165 : i32
      %add3A_167 = arith.constant 0 : i32
      %add3A_168 = arith.addi %mul3A_166, %add3A_167 : i32
      %dma_wait3A_169 = arith.constant 0 : i32
      %dma_wait3A_170 = arith.constant 0 : i32
      %dma_wait3A_171 = arith.constant 0 : i32
      %dma_wait3A_172 = arith.constant 0 : i32
      %dma_wait3A_173 = tpu.memref_slice %arg9[%dma_wait3A_169, %dma_wait3A_171, %dma_wait3A_172] : memref<2x128x128xf32, #tpu.memory_space<vmem>> -> memref<1x128x128xf32, #tpu.memory_space<vmem>>
      %dma_wait3A_174 = tpu.memref_squeeze %dma_wait3A_173 : memref<1x128x128xf32, #tpu.memory_space<vmem>> -> memref<128x128xf32, #tpu.memory_space<vmem>>
      %dma_wait3A_175 = arith.constant 0 : i32
      %dma_wait3A_176 = tpu.memref_slice %arg7[%add3A_168, %dma_wait3A_175] : memref<40x128xi32, #tpu.memory_space<vmem>> -> memref<1x128xi32, #tpu.memory_space<vmem>>
      %dma_wait3A_177 = tpu.memref_squeeze %dma_wait3A_176 : memref<1x128xi32, #tpu.memory_space<vmem>> -> memref<128xi32, #tpu.memory_space<vmem>>
      %dma_wait3A_178 = arith.constant 0 : i32
      %dma_wait3A_179 = arith.constant 0 : i32
      %dma_wait3A_180 = tpu.memref_slice %arg2[%dma_wait3A_178, %dma_wait3A_179] : memref<10000x128xf32, #tpu.memory_space<hbm>> -> memref<10000x128xf32, #tpu.memory_space<hbm>>
      %dma_wait3A_181 = tpu.memref_slice %arg11[%dma_wait3A_170] : memref<2x!tpu.dma_semaphore, #tpu.memory_space<semaphore_mem>> -> memref<1x!tpu.dma_semaphore, #tpu.memory_space<semaphore_mem>>
      %dma_wait3A_182 = tpu.memref_squeeze %dma_wait3A_181 : memref<1x!tpu.dma_semaphore, #tpu.memory_space<semaphore_mem>> -> memref<!tpu.dma_semaphore, #tpu.memory_space<semaphore_mem>>
      tpu.wait_indirect_dma semaphore(%dma_wait3A_182 : memref<!tpu.dma_semaphore, #tpu.memory_space<semaphore_mem>>) src(%dma_wait3A_180 : memref<10000x128xf32, #tpu.memory_space<hbm>>) dst(%dma_wait3A_174 : memref<128x128xf32, #tpu.memory_space<vmem>>)
      %run_scoped3A_183 = arith.constant 0 : i32
      "tpu.region"() ({
        %run_scoped3A_235 = tpu.sem_alloc : memref<!tpu.dma_semaphore, #tpu.memory_space<semaphore_mem>>
        %dma_start3A_236 = arith.constant 0 : i32
        %dma_start3A_237 = arith.constant 0 : i32
        %dma_start3A_238 = tpu.memref_slice %arg9[%run_scoped3A_183, %dma_start3A_236, %dma_start3A_237] : memref<2x128x128xf32, #tpu.memory_space<vmem>> -> memref<1x128x128xf32, #tpu.memory_space<vmem>>
        %dma_start3A_239 = tpu.memref_squeeze %dma_start3A_238 : memref<1x128x128xf32, #tpu.memory_space<vmem>> -> memref<128x128xf32, #tpu.memory_space<vmem>>
        %dma_start3A_240 = arith.constant 0 : i32
        %dma_start3A_241 = tpu.memref_slice %arg8[%add3A_168, %dma_start3A_240] : memref<40x128xi32, #tpu.memory_space<vmem>> -> memref<1x128xi32, #tpu.memory_space<vmem>>
        %dma_start3A_242 = tpu.memref_squeeze %dma_start3A_241 : memref<1x128xi32, #tpu.memory_space<vmem>> -> memref<128xi32, #tpu.memory_space<vmem>>
        %dma_start3A_243 = arith.constant 0 : i32
        %dma_start3A_244 = arith.constant 0 : i32
        %dma_start3A_245 = tpu.memref_slice %arg10[%dma_start3A_243, %dma_start3A_244] : memref<10112x128xf32, #tpu.memory_space<vmem_shared>> -> memref<10112x128xf32, #tpu.memory_space<vmem_shared>>
        tpu.enqueue_indirect_dma source(%dma_start3A_239 : memref<128x128xf32, #tpu.memory_space<vmem>>) target(%dma_start3A_245 : memref<10112x128xf32, #tpu.memory_space<vmem_shared>>) offsets(%dma_start3A_242 : memref<128xi32, #tpu.memory_space<vmem>>) semaphore(%run_scoped3A_235 : memref<!tpu.dma_semaphore, #tpu.memory_space<semaphore_mem>>) {add = true}
        %dma_wait3A_246 = arith.constant 0 : i32
        %dma_wait3A_247 = arith.constant 0 : i32
        %dma_wait3A_248 = tpu.memref_slice %arg9[%run_scoped3A_183, %dma_wait3A_246, %dma_wait3A_247] : memref<2x128x128xf32, #tpu.memory_space<vmem>> -> memref<1x128x128xf32, #tpu.memory_space<vmem>>
        %dma_wait3A_249 = tpu.memref_squeeze %dma_wait3A_248 : memref<1x128x128xf32, #tpu.memory_space<vmem>> -> memref<128x128xf32, #tpu.memory_space<vmem>>
        %dma_wait3A_250 = arith.constant 0 : i32
        %dma_wait3A_251 = tpu.memref_slice %arg8[%add3A_168, %dma_wait3A_250] : memref<40x128xi32, #tpu.memory_space<vmem>> -> memref<1x128xi32, #tpu.memory_space<vmem>>
        %dma_wait3A_252 = tpu.memref_squeeze %dma_wait3A_251 : memref<1x128xi32, #tpu.memory_space<vmem>> -> memref<128xi32, #tpu.memory_space<vmem>>
        %dma_wait3A_253 = arith.constant 0 : i32
        %dma_wait3A_254 = arith.constant 0 : i32
        %dma_wait3A_255 = tpu.memref_slice %arg10[%dma_wait3A_253, %dma_wait3A_254] : memref<10112x128xf32, #tpu.memory_space<vmem_shared>> -> memref<10112x128xf32, #tpu.memory_space<vmem_shared>>
        tpu.wait_indirect_dma semaphore(%run_scoped3A_235 : memref<!tpu.dma_semaphore, #tpu.memory_space<semaphore_mem>>) src(%dma_wait3A_249 : memref<128x128xf32, #tpu.memory_space<vmem>>) dst(%dma_wait3A_255 : memref<10112x128xf32, #tpu.memory_space<vmem_shared>>)
        tpu.yield
      }) : () -> ()
      %add3A_184 = arith.constant 2 : i32
      %add3A_185 = arith.addi %add3A_168, %add3A_184 : i32
      %dma_start3A_186 = arith.constant 0 : i32
      %dma_start3A_187 = arith.constant 0 : i32
      %dma_start3A_188 = arith.constant 0 : i32
      %dma_start3A_189 = arith.constant 0 : i32
      %dma_start3A_190 = tpu.memref_slice %arg9[%dma_start3A_186, %dma_start3A_188, %dma_start3A_189] : memref<2x128x128xf32, #tpu.memory_space<vmem>> -> memref<1x128x128xf32, #tpu.memory_space<vmem>>
      %dma_start3A_191 = tpu.memref_squeeze %dma_start3A_190 : memref<1x128x128xf32, #tpu.memory_space<vmem>> -> memref<128x128xf32, #tpu.memory_space<vmem>>
      %dma_start3A_192 = arith.constant 0 : i32
      %dma_start3A_193 = tpu.memref_slice %arg7[%add3A_185, %dma_start3A_192] : memref<40x128xi32, #tpu.memory_space<vmem>> -> memref<1x128xi32, #tpu.memory_space<vmem>>
      %dma_start3A_194 = tpu.memref_squeeze %dma_start3A_193 : memref<1x128xi32, #tpu.memory_space<vmem>> -> memref<128xi32, #tpu.memory_space<vmem>>
      %dma_start3A_195 = arith.constant 0 : i32
      %dma_start3A_196 = arith.constant 0 : i32
      %dma_start3A_197 = tpu.memref_slice %arg2[%dma_start3A_195, %dma_start3A_196] : memref<10000x128xf32, #tpu.memory_space<hbm>> -> memref<10000x128xf32, #tpu.memory_space<hbm>>
      %dma_start3A_198 = tpu.memref_slice %arg11[%dma_start3A_187] : memref<2x!tpu.dma_semaphore, #tpu.memory_space<semaphore_mem>> -> memref<1x!tpu.dma_semaphore, #tpu.memory_space<semaphore_mem>>
      %dma_start3A_199 = tpu.memref_squeeze %dma_start3A_198 : memref<1x!tpu.dma_semaphore, #tpu.memory_space<semaphore_mem>> -> memref<!tpu.dma_semaphore, #tpu.memory_space<semaphore_mem>>
      tpu.enqueue_indirect_dma source(%dma_start3A_197 : memref<10000x128xf32, #tpu.memory_space<hbm>>) target(%dma_start3A_191 : memref<128x128xf32, #tpu.memory_space<vmem>>) offsets(%dma_start3A_194 : memref<128xi32, #tpu.memory_space<vmem>>) semaphore(%dma_start3A_199 : memref<!tpu.dma_semaphore, #tpu.memory_space<semaphore_mem>>)
      %mul3A_200 = arith.constant 2 : i32
      %mul3A_201 = arith.muli %scan3A_164, %mul3A_200 : i32
      %add3A_202 = arith.constant 1 : i32
      %add3A_203 = arith.addi %mul3A_201, %add3A_202 : i32
      %dma_wait3A_204 = arith.constant 1 : i32
      %dma_wait3A_205 = arith.constant 1 : i32
      %dma_wait3A_206 = arith.constant 0 : i32
      %dma_wait3A_207 = arith.constant 0 : i32
      %dma_wait3A_208 = tpu.memref_slice %arg9[%dma_wait3A_204, %dma_wait3A_206, %dma_wait3A_207] : memref<2x128x128xf32, #tpu.memory_space<vmem>> -> memref<1x128x128xf32, #tpu.memory_space<vmem>>
      %dma_wait3A_209 = tpu.memref_squeeze %dma_wait3A_208 : memref<1x128x128xf32, #tpu.memory_space<vmem>> -> memref<128x128xf32, #tpu.memory_space<vmem>>
      %dma_wait3A_210 = arith.constant 0 : i32
      %dma_wait3A_211 = tpu.memref_slice %arg7[%add3A_203, %dma_wait3A_210] : memref<40x128xi32, #tpu.memory_space<vmem>> -> memref<1x128xi32, #tpu.memory_space<vmem>>
      %dma_wait3A_212 = tpu.memref_squeeze %dma_wait3A_211 : memref<1x128xi32, #tpu.memory_space<vmem>> -> memref<128xi32, #tpu.memory_space<vmem>>
      %dma_wait3A_213 = arith.constant 0 : i32
      %dma_wait3A_214 = arith.constant 0 : i32
      %dma_wait3A_215 = tpu.memref_slice %arg2[%dma_wait3A_213, %dma_wait3A_214] : memref<10000x128xf32, #tpu.memory_space<hbm>> -> memref<10000x128xf32, #tpu.memory_space<hbm>>
      %dma_wait3A_216 = tpu.memref_slice %arg11[%dma_wait3A_205] : memref<2x!tpu.dma_semaphore, #tpu.memory_space<semaphore_mem>> -> memref<1x!tpu.dma_semaphore, #tpu.memory_space<semaphore_mem>>
      %dma_wait3A_217 = tpu.memref_squeeze %dma_wait3A_216 : memref<1x!tpu.dma_semaphore, #tpu.memory_space<semaphore_mem>> -> memref<!tpu.dma_semaphore, #tpu.memory_space<semaphore_mem>>
      tpu.wait_indirect_dma semaphore(%dma_wait3A_217 : memref<!tpu.dma_semaphore, #tpu.memory_space<semaphore_mem>>) src(%dma_wait3A_215 : memref<10000x128xf32, #tpu.memory_space<hbm>>) dst(%dma_wait3A_209 : memref<128x128xf32, #tpu.memory_space<vmem>>)
      %run_scoped3A_218 = arith.constant 1 : i32
      "tpu.region"() ({
        %run_scoped3A_235 = tpu.sem_alloc : memref<!tpu.dma_semaphore, #tpu.memory_space<semaphore_mem>>
        %dma_start3A_236 = arith.constant 0 : i32
        %dma_start3A_237 = arith.constant 0 : i32
        %dma_start3A_238 = tpu.memref_slice %arg9[%run_scoped3A_218, %dma_start3A_236, %dma_start3A_237] : memref<2x128x128xf32, #tpu.memory_space<vmem>> -> memref<1x128x128xf32, #tpu.memory_space<vmem>>
        %dma_start3A_239 = tpu.memref_squeeze %dma_start3A_238 : memref<1x128x128xf32, #tpu.memory_space<vmem>> -> memref<128x128xf32, #tpu.memory_space<vmem>>
        %dma_start3A_240 = arith.constant 0 : i32
        %dma_start3A_241 = tpu.memref_slice %arg8[%add3A_203, %dma_start3A_240] : memref<40x128xi32, #tpu.memory_space<vmem>> -> memref<1x128xi32, #tpu.memory_space<vmem>>
        %dma_start3A_242 = tpu.memref_squeeze %dma_start3A_241 : memref<1x128xi32, #tpu.memory_space<vmem>> -> memref<128xi32, #tpu.memory_space<vmem>>
        %dma_start3A_243 = arith.constant 0 : i32
        %dma_start3A_244 = arith.constant 0 : i32
        %dma_start3A_245 = tpu.memref_slice %arg10[%dma_start3A_243, %dma_start3A_244] : memref<10112x128xf32, #tpu.memory_space<vmem_shared>> -> memref<10112x128xf32, #tpu.memory_space<vmem_shared>>
        tpu.enqueue_indirect_dma source(%dma_start3A_239 : memref<128x128xf32, #tpu.memory_space<vmem>>) target(%dma_start3A_245 : memref<10112x128xf32, #tpu.memory_space<vmem_shared>>) offsets(%dma_start3A_242 : memref<128xi32, #tpu.memory_space<vmem>>) semaphore(%run_scoped3A_235 : memref<!tpu.dma_semaphore, #tpu.memory_space<semaphore_mem>>) {add = true}
        %dma_wait3A_246 = arith.constant 0 : i32
        %dma_wait3A_247 = arith.constant 0 : i32
        %dma_wait3A_248 = tpu.memref_slice %arg9[%run_scoped3A_218, %dma_wait3A_246, %dma_wait3A_247] : memref<2x128x128xf32, #tpu.memory_space<vmem>> -> memref<1x128x128xf32, #tpu.memory_space<vmem>>
        %dma_wait3A_249 = tpu.memref_squeeze %dma_wait3A_248 : memref<1x128x128xf32, #tpu.memory_space<vmem>> -> memref<128x128xf32, #tpu.memory_space<vmem>>
        %dma_wait3A_250 = arith.constant 0 : i32
        %dma_wait3A_251 = tpu.memref_slice %arg8[%add3A_203, %dma_wait3A_250] : memref<40x128xi32, #tpu.memory_space<vmem>> -> memref<1x128xi32, #tpu.memory_space<vmem>>
        %dma_wait3A_252 = tpu.memref_squeeze %dma_wait3A_251 : memref<1x128xi32, #tpu.memory_space<vmem>> -> memref<128xi32, #tpu.memory_space<vmem>>
        %dma_wait3A_253 = arith.constant 0 : i32
        %dma_wait3A_254 = arith.constant 0 : i32
        %dma_wait3A_255 = tpu.memref_slice %arg10[%dma_wait3A_253, %dma_wait3A_254] : memref<10112x128xf32, #tpu.memory_space<vmem_shared>> -> memref<10112x128xf32, #tpu.memory_space<vmem_shared>>
        tpu.wait_indirect_dma semaphore(%run_scoped3A_235 : memref<!tpu.dma_semaphore, #tpu.memory_space<semaphore_mem>>) src(%dma_wait3A_249 : memref<128x128xf32, #tpu.memory_space<vmem>>) dst(%dma_wait3A_255 : memref<10112x128xf32, #tpu.memory_space<vmem_shared>>)
        tpu.yield
      }) : () -> ()
      %add3A_219 = arith.constant 2 : i32
      %add3A_220 = arith.addi %add3A_203, %add3A_219 : i32
      %dma_start3A_221 = arith.constant 1 : i32
      %dma_start3A_222 = arith.constant 1 : i32
      %dma_start3A_223 = arith.constant 0 : i32
      %dma_start3A_224 = arith.constant 0 : i32
      %dma_start3A_225 = tpu.memref_slice %arg9[%dma_start3A_221, %dma_start3A_223, %dma_start3A_224] : memref<2x128x128xf32, #tpu.memory_space<vmem>> -> memref<1x128x128xf32, #tpu.memory_space<vmem>>
      %dma_start3A_226 = tpu.memref_squeeze %dma_start3A_225 : memref<1x128x128xf32, #tpu.memory_space<vmem>> -> memref<128x128xf32, #tpu.memory_space<vmem>>
      %dma_start3A_227 = arith.constant 0 : i32
      %dma_start3A_228 = tpu.memref_slice %arg7[%add3A_220, %dma_start3A_227] : memref<40x128xi32, #tpu.memory_space<vmem>> -> memref<1x128xi32, #tpu.memory_space<vmem>>
      %dma_start3A_229 = tpu.memref_squeeze %dma_start3A_228 : memref<1x128xi32, #tpu.memory_space<vmem>> -> memref<128xi32, #tpu.memory_space<vmem>>
      %dma_start3A_230 = arith.constant 0 : i32
      %dma_start3A_231 = arith.constant 0 : i32
      %dma_start3A_232 = tpu.memref_slice %arg2[%dma_start3A_230, %dma_start3A_231] : memref<10000x128xf32, #tpu.memory_space<hbm>> -> memref<10000x128xf32, #tpu.memory_space<hbm>>
      %dma_start3A_233 = tpu.memref_slice %arg11[%dma_start3A_222] : memref<2x!tpu.dma_semaphore, #tpu.memory_space<semaphore_mem>> -> memref<1x!tpu.dma_semaphore, #tpu.memory_space<semaphore_mem>>
      %dma_start3A_234 = tpu.memref_squeeze %dma_start3A_233 : memref<1x!tpu.dma_semaphore, #tpu.memory_space<semaphore_mem>> -> memref<!tpu.dma_semaphore, #tpu.memory_space<semaphore_mem>>
      tpu.enqueue_indirect_dma source(%dma_start3A_232 : memref<10000x128xf32, #tpu.memory_space<hbm>>) target(%dma_start3A_226 : memref<128x128xf32, #tpu.memory_space<vmem>>) offsets(%dma_start3A_229 : memref<128xi32, #tpu.memory_space<vmem>>) semaphore(%dma_start3A_234 : memref<!tpu.dma_semaphore, #tpu.memory_space<semaphore_mem>>)
    }
    %scan3A_46 = arith.constant 19 : i32
    %dma_wait3A = arith.constant 38 : i32
    %dma_wait3A_47 = arith.constant 0 : i32
    %dma_wait3A_48 = arith.constant 0 : i32
    %dma_wait3A_49 = arith.constant 0 : i32
    %dma_wait3A_50 = arith.constant 0 : i32
    %dma_wait3A_51 = tpu.memref_slice %arg9[%dma_wait3A_47, %dma_wait3A_49, %dma_wait3A_50] : memref<2x128x128xf32, #tpu.memory_space<vmem>> -> memref<1x128x128xf32, #tpu.memory_space<vmem>>
    %dma_wait3A_52 = tpu.memref_squeeze %dma_wait3A_51 : memref<1x128x128xf32, #tpu.memory_space<vmem>> -> memref<128x128xf32, #tpu.memory_space<vmem>>
    %dma_wait3A_53 = arith.constant 0 : i32
    %dma_wait3A_54 = tpu.memref_slice %arg7[%dma_wait3A, %dma_wait3A_53] : memref<40x128xi32, #tpu.memory_space<vmem>> -> memref<1x128xi32, #tpu.memory_space<vmem>>
    %dma_wait3A_55 = tpu.memref_squeeze %dma_wait3A_54 : memref<1x128xi32, #tpu.memory_space<vmem>> -> memref<128xi32, #tpu.memory_space<vmem>>
    %dma_wait3A_56 = arith.constant 0 : i32
    %dma_wait3A_57 = arith.constant 0 : i32
    %dma_wait3A_58 = tpu.memref_slice %arg2[%dma_wait3A_56, %dma_wait3A_57] : memref<10000x128xf32, #tpu.memory_space<hbm>> -> memref<10000x128xf32, #tpu.memory_space<hbm>>
    %dma_wait3A_59 = tpu.memref_slice %arg11[%dma_wait3A_48] : memref<2x!tpu.dma_semaphore, #tpu.memory_space<semaphore_mem>> -> memref<1x!tpu.dma_semaphore, #tpu.memory_space<semaphore_mem>>
    %dma_wait3A_60 = tpu.memref_squeeze %dma_wait3A_59 : memref<1x!tpu.dma_semaphore, #tpu.memory_space<semaphore_mem>> -> memref<!tpu.dma_semaphore, #tpu.memory_space<semaphore_mem>>
    tpu.wait_indirect_dma semaphore(%dma_wait3A_60 : memref<!tpu.dma_semaphore, #tpu.memory_space<semaphore_mem>>) src(%dma_wait3A_58 : memref<10000x128xf32, #tpu.memory_space<hbm>>) dst(%dma_wait3A_52 : memref<128x128xf32, #tpu.memory_space<vmem>>)
    %run_scoped3A = arith.constant 0 : i32
    %run_scoped3A_61 = arith.constant 38 : i32
    "tpu.region"() ({
      %run_scoped3A_164 = tpu.sem_alloc : memref<!tpu.dma_semaphore, #tpu.memory_space<semaphore_mem>>
      %dma_start3A_165 = arith.constant 0 : i32
      %dma_start3A_166 = arith.constant 0 : i32
      %dma_start3A_167 = tpu.memref_slice %arg9[%run_scoped3A, %dma_start3A_165, %dma_start3A_166] : memref<2x128x128xf32, #tpu.memory_space<vmem>> -> memref<1x128x128xf32, #tpu.memory_space<vmem>>
      %dma_start3A_168 = tpu.memref_squeeze %dma_start3A_167 : memref<1x128x128xf32, #tpu.memory_space<vmem>> -> memref<128x128xf32, #tpu.memory_space<vmem>>
      %dma_start3A_169 = arith.constant 0 : i32
      %dma_start3A_170 = tpu.memref_slice %arg8[%run_scoped3A_61, %dma_start3A_169] : memref<40x128xi32, #tpu.memory_space<vmem>> -> memref<1x128xi32, #tpu.memory_space<vmem>>
      %dma_start3A_171 = tpu.memref_squeeze %dma_start3A_170 : memref<1x128xi32, #tpu.memory_space<vmem>> -> memref<128xi32, #tpu.memory_space<vmem>>
      %dma_start3A_172 = arith.constant 0 : i32
      %dma_start3A_173 = arith.constant 0 : i32
      %dma_start3A_174 = tpu.memref_slice %arg10[%dma_start3A_172, %dma_start3A_173] : memref<10112x128xf32, #tpu.memory_space<vmem_shared>> -> memref<10112x128xf32, #tpu.memory_space<vmem_shared>>
      tpu.enqueue_indirect_dma source(%dma_start3A_168 : memref<128x128xf32, #tpu.memory_space<vmem>>) target(%dma_start3A_174 : memref<10112x128xf32, #tpu.memory_space<vmem_shared>>) offsets(%dma_start3A_171 : memref<128xi32, #tpu.memory_space<vmem>>) semaphore(%run_scoped3A_164 : memref<!tpu.dma_semaphore, #tpu.memory_space<semaphore_mem>>) {add = true}
      %dma_wait3A_175 = arith.constant 0 : i32
      %dma_wait3A_176 = arith.constant 0 : i32
      %dma_wait3A_177 = tpu.memref_slice %arg9[%run_scoped3A, %dma_wait3A_175, %dma_wait3A_176] : memref<2x128x128xf32, #tpu.memory_space<vmem>> -> memref<1x128x128xf32, #tpu.memory_space<vmem>>
      %dma_wait3A_178 = tpu.memref_squeeze %dma_wait3A_177 : memref<1x128x128xf32, #tpu.memory_space<vmem>> -> memref<128x128xf32, #tpu.memory_space<vmem>>
      %dma_wait3A_179 = arith.constant 0 : i32
      %dma_wait3A_180 = tpu.memref_slice %arg8[%run_scoped3A_61, %dma_wait3A_179] : memref<40x128xi32, #tpu.memory_space<vmem>> -> memref<1x128xi32, #tpu.memory_space<vmem>>
      %dma_wait3A_181 = tpu.memref_squeeze %dma_wait3A_180 : memref<1x128xi32, #tpu.memory_space<vmem>> -> memref<128xi32, #tpu.memory_space<vmem>>
      %dma_wait3A_182 = arith.constant 0 : i32
      %dma_wait3A_183 = arith.constant 0 : i32
      %dma_wait3A_184 = tpu.memref_slice %arg10[%dma_wait3A_182, %dma_wait3A_183] : memref<10112x128xf32, #tpu.memory_space<vmem_shared>> -> memref<10112x128xf32, #tpu.memory_space<vmem_shared>>
      tpu.wait_indirect_dma semaphore(%run_scoped3A_164 : memref<!tpu.dma_semaphore, #tpu.memory_space<semaphore_mem>>) src(%dma_wait3A_178 : memref<128x128xf32, #tpu.memory_space<vmem>>) dst(%dma_wait3A_184 : memref<10112x128xf32, #tpu.memory_space<vmem_shared>>)
      tpu.yield
    }) : () -> ()
    %dma_wait3A_62 = arith.constant 39 : i32
    %dma_wait3A_63 = arith.constant 1 : i32
    %dma_wait3A_64 = arith.constant 1 : i32
    %dma_wait3A_65 = arith.constant 0 : i32
    %dma_wait3A_66 = arith.constant 0 : i32
    %dma_wait3A_67 = tpu.memref_slice %arg9[%dma_wait3A_63, %dma_wait3A_65, %dma_wait3A_66] : memref<2x128x128xf32, #tpu.memory_space<vmem>> -> memref<1x128x128xf32, #tpu.memory_space<vmem>>
    %dma_wait3A_68 = tpu.memref_squeeze %dma_wait3A_67 : memref<1x128x128xf32, #tpu.memory_space<vmem>> -> memref<128x128xf32, #tpu.memory_space<vmem>>
    %dma_wait3A_69 = arith.constant 0 : i32
    %dma_wait3A_70 = tpu.memref_slice %arg7[%dma_wait3A_62, %dma_wait3A_69] : memref<40x128xi32, #tpu.memory_space<vmem>> -> memref<1x128xi32, #tpu.memory_space<vmem>>
    %dma_wait3A_71 = tpu.memref_squeeze %dma_wait3A_70 : memref<1x128xi32, #tpu.memory_space<vmem>> -> memref<128xi32, #tpu.memory_space<vmem>>
    %dma_wait3A_72 = arith.constant 0 : i32
    %dma_wait3A_73 = arith.constant 0 : i32
    %dma_wait3A_74 = tpu.memref_slice %arg2[%dma_wait3A_72, %dma_wait3A_73] : memref<10000x128xf32, #tpu.memory_space<hbm>> -> memref<10000x128xf32, #tpu.memory_space<hbm>>
    %dma_wait3A_75 = tpu.memref_slice %arg11[%dma_wait3A_64] : memref<2x!tpu.dma_semaphore, #tpu.memory_space<semaphore_mem>> -> memref<1x!tpu.dma_semaphore, #tpu.memory_space<semaphore_mem>>
    %dma_wait3A_76 = tpu.memref_squeeze %dma_wait3A_75 : memref<1x!tpu.dma_semaphore, #tpu.memory_space<semaphore_mem>> -> memref<!tpu.dma_semaphore, #tpu.memory_space<semaphore_mem>>
    tpu.wait_indirect_dma semaphore(%dma_wait3A_76 : memref<!tpu.dma_semaphore, #tpu.memory_space<semaphore_mem>>) src(%dma_wait3A_74 : memref<10000x128xf32, #tpu.memory_space<hbm>>) dst(%dma_wait3A_68 : memref<128x128xf32, #tpu.memory_space<vmem>>)
    %run_scoped3A_77 = arith.constant 1 : i32
    %run_scoped3A_78 = arith.constant 39 : i32
    "tpu.region"() ({
      %run_scoped3A_164 = tpu.sem_alloc : memref<!tpu.dma_semaphore, #tpu.memory_space<semaphore_mem>>
      %dma_start3A_165 = arith.constant 0 : i32
      %dma_start3A_166 = arith.constant 0 : i32
      %dma_start3A_167 = tpu.memref_slice %arg9[%run_scoped3A_77, %dma_start3A_165, %dma_start3A_166] : memref<2x128x128xf32, #tpu.memory_space<vmem>> -> memref<1x128x128xf32, #tpu.memory_space<vmem>>
      %dma_start3A_168 = tpu.memref_squeeze %dma_start3A_167 : memref<1x128x128xf32, #tpu.memory_space<vmem>> -> memref<128x128xf32, #tpu.memory_space<vmem>>
      %dma_start3A_169 = arith.constant 0 : i32
      %dma_start3A_170 = tpu.memref_slice %arg8[%run_scoped3A_78, %dma_start3A_169] : memref<40x128xi32, #tpu.memory_space<vmem>> -> memref<1x128xi32, #tpu.memory_space<vmem>>
      %dma_start3A_171 = tpu.memref_squeeze %dma_start3A_170 : memref<1x128xi32, #tpu.memory_space<vmem>> -> memref<128xi32, #tpu.memory_space<vmem>>
      %dma_start3A_172 = arith.constant 0 : i32
      %dma_start3A_173 = arith.constant 0 : i32
      %dma_start3A_174 = tpu.memref_slice %arg10[%dma_start3A_172, %dma_start3A_173] : memref<10112x128xf32, #tpu.memory_space<vmem_shared>> -> memref<10112x128xf32, #tpu.memory_space<vmem_shared>>
      tpu.enqueue_indirect_dma source(%dma_start3A_168 : memref<128x128xf32, #tpu.memory_space<vmem>>) target(%dma_start3A_174 : memref<10112x128xf32, #tpu.memory_space<vmem_shared>>) offsets(%dma_start3A_171 : memref<128xi32, #tpu.memory_space<vmem>>) semaphore(%run_scoped3A_164 : memref<!tpu.dma_semaphore, #tpu.memory_space<semaphore_mem>>) {add = true}
      %dma_wait3A_175 = arith.constant 0 : i32
      %dma_wait3A_176 = arith.constant 0 : i32
      %dma_wait3A_177 = tpu.memref_slice %arg9[%run_scoped3A_77, %dma_wait3A_175, %dma_wait3A_176] : memref<2x128x128xf32, #tpu.memory_space<vmem>> -> memref<1x128x128xf32, #tpu.memory_space<vmem>>
      %dma_wait3A_178 = tpu.memref_squeeze %dma_wait3A_177 : memref<1x128x128xf32, #tpu.memory_space<vmem>> -> memref<128x128xf32, #tpu.memory_space<vmem>>
      %dma_wait3A_179 = arith.constant 0 : i32
      %dma_wait3A_180 = tpu.memref_slice %arg8[%run_scoped3A_78, %dma_wait3A_179] : memref<40x128xi32, #tpu.memory_space<vmem>> -> memref<1x128xi32, #tpu.memory_space<vmem>>
      %dma_wait3A_181 = tpu.memref_squeeze %dma_wait3A_180 : memref<1x128xi32, #tpu.memory_space<vmem>> -> memref<128xi32, #tpu.memory_space<vmem>>
      %dma_wait3A_182 = arith.constant 0 : i32
      %dma_wait3A_183 = arith.constant 0 : i32
      %dma_wait3A_184 = tpu.memref_slice %arg10[%dma_wait3A_182, %dma_wait3A_183] : memref<10112x128xf32, #tpu.memory_space<vmem_shared>> -> memref<10112x128xf32, #tpu.memory_space<vmem_shared>>
      tpu.wait_indirect_dma semaphore(%run_scoped3A_164 : memref<!tpu.dma_semaphore, #tpu.memory_space<semaphore_mem>>) src(%dma_wait3A_178 : memref<128x128xf32, #tpu.memory_space<vmem>>) dst(%dma_wait3A_184 : memref<10112x128xf32, #tpu.memory_space<vmem_shared>>)
      tpu.yield
    }) : () -> ()
    %mul3A_79 = arith.constant 80 : i32
    %mul3A_80 = arith.muli %add3A, %mul3A_79 : i32
    %add3A_81 = arith.constant 40 : i32
    %add3A_82 = arith.addi %mul3A_80, %add3A_81 : i32
    "tpu.region"() ({
      %run_scoped3A_164 = tpu.sem_alloc : memref<!tpu.dma_semaphore, #tpu.memory_space<semaphore_mem>>
      %dma_start3A_165 = arith.constant 0 : i32
      %dma_start3A_166 = tpu.memref_slice %arg3[%add3A_82, %dma_start3A_165] : memref<2560x128xi32, #tpu.memory_space<hbm>> -> memref<40x128xi32, #tpu.memory_space<hbm>>
      %dma_start3A_167 = arith.constant 0 : i32
      %dma_start3A_168 = tpu.memref_slice %arg3[%add3A_82, %dma_start3A_167] : memref<2560x128xi32, #tpu.memory_space<hbm>> -> memref<40x128xi32, #tpu.memory_space<hbm>>
      tpu.enqueue_dma source(%dma_start3A_168 : memref<40x128xi32, #tpu.memory_space<hbm>>) target(%arg7 : memref<40x128xi32, #tpu.memory_space<vmem>>) target_semaphore(%run_scoped3A_164 : memref<!tpu.dma_semaphore, #tpu.memory_space<semaphore_mem>>)
      %dma_wait3A_169 = arith.constant 0 : i32
      %dma_wait3A_170 = tpu.memref_slice %arg3[%add3A_82, %dma_wait3A_169] : memref<2560x128xi32, #tpu.memory_space<hbm>> -> memref<40x128xi32, #tpu.memory_space<hbm>>
      %dma_wait3A_171 = arith.constant 0 : i32
      %dma_wait3A_172 = tpu.memref_slice %arg3[%add3A_82, %dma_wait3A_171] : memref<2560x128xi32, #tpu.memory_space<hbm>> -> memref<40x128xi32, #tpu.memory_space<hbm>>
      tpu.wait_dma2 semaphore(%run_scoped3A_164 : memref<!tpu.dma_semaphore, #tpu.memory_space<semaphore_mem>>) src(%dma_wait3A_172 : memref<40x128xi32, #tpu.memory_space<hbm>>) dst(%arg7 : memref<40x128xi32, #tpu.memory_space<vmem>>)
      tpu.yield
    }) : () -> ()
    %mul3A_83 = arith.constant 80 : i32
    %mul3A_84 = arith.muli %add3A, %mul3A_83 : i32
    %add3A_85 = arith.constant 40 : i32
    %add3A_86 = arith.addi %mul3A_84, %add3A_85 : i32
    "tpu.region"() ({
      %run_scoped3A_164 = tpu.sem_alloc : memref<!tpu.dma_semaphore, #tpu.memory_space<semaphore_mem>>
      %dma_start3A_165 = arith.constant 0 : i32
      %dma_start3A_166 = tpu.memref_slice %arg4[%add3A_86, %dma_start3A_165] : memref<2560x128xi32, #tpu.memory_space<hbm>> -> memref<40x128xi32, #tpu.memory_space<hbm>>
      %dma_start3A_167 = arith.constant 0 : i32
      %dma_start3A_168 = tpu.memref_slice %arg4[%add3A_86, %dma_start3A_167] : memref<2560x128xi32, #tpu.memory_space<hbm>> -> memref<40x128xi32, #tpu.memory_space<hbm>>
      tpu.enqueue_dma source(%dma_start3A_168 : memref<40x128xi32, #tpu.memory_space<hbm>>) target(%arg8 : memref<40x128xi32, #tpu.memory_space<vmem>>) target_semaphore(%run_scoped3A_164 : memref<!tpu.dma_semaphore, #tpu.memory_space<semaphore_mem>>)
      %dma_wait3A_169 = arith.constant 0 : i32
      %dma_wait3A_170 = tpu.memref_slice %arg4[%add3A_86, %dma_wait3A_169] : memref<2560x128xi32, #tpu.memory_space<hbm>> -> memref<40x128xi32, #tpu.memory_space<hbm>>
      %dma_wait3A_171 = arith.constant 0 : i32
      %dma_wait3A_172 = tpu.memref_slice %arg4[%add3A_86, %dma_wait3A_171] : memref<2560x128xi32, #tpu.memory_space<hbm>> -> memref<40x128xi32, #tpu.memory_space<hbm>>
      tpu.wait_dma2 semaphore(%run_scoped3A_164 : memref<!tpu.dma_semaphore, #tpu.memory_space<semaphore_mem>>) src(%dma_wait3A_172 : memref<40x128xi32, #tpu.memory_space<hbm>>) dst(%arg8 : memref<40x128xi32, #tpu.memory_space<vmem>>)
      tpu.yield
    }) : () -> ()
    %dma_start3A_87 = arith.constant 0 : i32
    %dma_start3A_88 = arith.constant 0 : i32
    %dma_start3A_89 = arith.constant 0 : i32
    %dma_start3A_90 = arith.constant 0 : i32
    %dma_start3A_91 = arith.constant 0 : i32
    %dma_start3A_92 = tpu.memref_slice %arg9[%dma_start3A_88, %dma_start3A_90, %dma_start3A_91] : memref<2x128x128xf32, #tpu.memory_space<vmem>> -> memref<1x128x128xf32, #tpu.memory_space<vmem>>
    %dma_start3A_93 = tpu.memref_squeeze %dma_start3A_92 : memref<1x128x128xf32, #tpu.memory_space<vmem>> -> memref<128x128xf32, #tpu.memory_space<vmem>>
    %dma_start3A_94 = arith.constant 0 : i32
    %dma_start3A_95 = tpu.memref_slice %arg7[%dma_start3A_87, %dma_start3A_94] : memref<40x128xi32, #tpu.memory_space<vmem>> -> memref<1x128xi32, #tpu.memory_space<vmem>>
    %dma_start3A_96 = tpu.memref_squeeze %dma_start3A_95 : memref<1x128xi32, #tpu.memory_space<vmem>> -> memref<128xi32, #tpu.memory_space<vmem>>
    %dma_start3A_97 = arith.constant 0 : i32
    %dma_start3A_98 = arith.constant 0 : i32
    %dma_start3A_99 = tpu.memref_slice %arg2[%dma_start3A_97, %dma_start3A_98] : memref<10000x128xf32, #tpu.memory_space<hbm>> -> memref<10000x128xf32, #tpu.memory_space<hbm>>
    %dma_start3A_100 = tpu.memref_slice %arg11[%dma_start3A_89] : memref<2x!tpu.dma_semaphore, #tpu.memory_space<semaphore_mem>> -> memref<1x!tpu.dma_semaphore, #tpu.memory_space<semaphore_mem>>
    %dma_start3A_101 = tpu.memref_squeeze %dma_start3A_100 : memref<1x!tpu.dma_semaphore, #tpu.memory_space<semaphore_mem>> -> memref<!tpu.dma_semaphore, #tpu.memory_space<semaphore_mem>>
    tpu.enqueue_indirect_dma source(%dma_start3A_99 : memref<10000x128xf32, #tpu.memory_space<hbm>>) target(%dma_start3A_93 : memref<128x128xf32, #tpu.memory_space<vmem>>) offsets(%dma_start3A_96 : memref<128xi32, #tpu.memory_space<vmem>>) semaphore(%dma_start3A_101 : memref<!tpu.dma_semaphore, #tpu.memory_space<semaphore_mem>>)
    %dma_start3A_102 = arith.constant 1 : i32
    %dma_start3A_103 = arith.constant 1 : i32
    %dma_start3A_104 = arith.constant 1 : i32
    %dma_start3A_105 = arith.constant 0 : i32
    %dma_start3A_106 = arith.constant 0 : i32
    %dma_start3A_107 = tpu.memref_slice %arg9[%dma_start3A_103, %dma_start3A_105, %dma_start3A_106] : memref<2x128x128xf32, #tpu.memory_space<vmem>> -> memref<1x128x128xf32, #tpu.memory_space<vmem>>
    %dma_start3A_108 = tpu.memref_squeeze %dma_start3A_107 : memref<1x128x128xf32, #tpu.memory_space<vmem>> -> memref<128x128xf32, #tpu.memory_space<vmem>>
    %dma_start3A_109 = arith.constant 0 : i32
    %dma_start3A_110 = tpu.memref_slice %arg7[%dma_start3A_102, %dma_start3A_109] : memref<40x128xi32, #tpu.memory_space<vmem>> -> memref<1x128xi32, #tpu.memory_space<vmem>>
    %dma_start3A_111 = tpu.memref_squeeze %dma_start3A_110 : memref<1x128xi32, #tpu.memory_space<vmem>> -> memref<128xi32, #tpu.memory_space<vmem>>
    %dma_start3A_112 = arith.constant 0 : i32
    %dma_start3A_113 = arith.constant 0 : i32
    %dma_start3A_114 = tpu.memref_slice %arg2[%dma_start3A_112, %dma_start3A_113] : memref<10000x128xf32, #tpu.memory_space<hbm>> -> memref<10000x128xf32, #tpu.memory_space<hbm>>
    %dma_start3A_115 = tpu.memref_slice %arg11[%dma_start3A_104] : memref<2x!tpu.dma_semaphore, #tpu.memory_space<semaphore_mem>> -> memref<1x!tpu.dma_semaphore, #tpu.memory_space<semaphore_mem>>
    %dma_start3A_116 = tpu.memref_squeeze %dma_start3A_115 : memref<1x!tpu.dma_semaphore, #tpu.memory_space<semaphore_mem>> -> memref<!tpu.dma_semaphore, #tpu.memory_space<semaphore_mem>>
    tpu.enqueue_indirect_dma source(%dma_start3A_114 : memref<10000x128xf32, #tpu.memory_space<hbm>>) target(%dma_start3A_108 : memref<128x128xf32, #tpu.memory_space<vmem>>) offsets(%dma_start3A_111 : memref<128xi32, #tpu.memory_space<vmem>>) semaphore(%dma_start3A_116 : memref<!tpu.dma_semaphore, #tpu.memory_space<semaphore_mem>>)
    %scan3A_117 = arith.constant 0 : i32
    %scan3A_118 = arith.constant 0 : i32
    %scan3A_119 = arith.constant 19 : i32
    %scan3A_120 = arith.addi %scan3A_118, %scan3A_119 : i32
    %scan3A_121 = arith.constant 1 : i32
    scf.for %scan3A_164 = %scan3A_118 to %scan3A_120 step %scan3A_121  : i32 {
      %mul3A_165 = arith.constant 2 : i32
      %mul3A_166 = arith.muli %scan3A_164, %mul3A_165 : i32
      %add3A_167 = arith.constant 0 : i32
      %add3A_168 = arith.addi %mul3A_166, %add3A_167 : i32
      %dma_wait3A_169 = arith.constant 0 : i32
      %dma_wait3A_170 = arith.constant 0 : i32
      %dma_wait3A_171 = arith.constant 0 : i32
      %dma_wait3A_172 = arith.constant 0 : i32
      %dma_wait3A_173 = tpu.memref_slice %arg9[%dma_wait3A_169, %dma_wait3A_171, %dma_wait3A_172] : memref<2x128x128xf32, #tpu.memory_space<vmem>> -> memref<1x128x128xf32, #tpu.memory_space<vmem>>
      %dma_wait3A_174 = tpu.memref_squeeze %dma_wait3A_173 : memref<1x128x128xf32, #tpu.memory_space<vmem>> -> memref<128x128xf32, #tpu.memory_space<vmem>>
      %dma_wait3A_175 = arith.constant 0 : i32
      %dma_wait3A_176 = tpu.memref_slice %arg7[%add3A_168, %dma_wait3A_175] : memref<40x128xi32, #tpu.memory_space<vmem>> -> memref<1x128xi32, #tpu.memory_space<vmem>>
      %dma_wait3A_177 = tpu.memref_squeeze %dma_wait3A_176 : memref<1x128xi32, #tpu.memory_space<vmem>> -> memref<128xi32, #tpu.memory_space<vmem>>
      %dma_wait3A_178 = arith.constant 0 : i32
      %dma_wait3A_179 = arith.constant 0 : i32
      %dma_wait3A_180 = tpu.memref_slice %arg2[%dma_wait3A_178, %dma_wait3A_179] : memref<10000x128xf32, #tpu.memory_space<hbm>> -> memref<10000x128xf32, #tpu.memory_space<hbm>>
      %dma_wait3A_181 = tpu.memref_slice %arg11[%dma_wait3A_170] : memref<2x!tpu.dma_semaphore, #tpu.memory_space<semaphore_mem>> -> memref<1x!tpu.dma_semaphore, #tpu.memory_space<semaphore_mem>>
      %dma_wait3A_182 = tpu.memref_squeeze %dma_wait3A_181 : memref<1x!tpu.dma_semaphore, #tpu.memory_space<semaphore_mem>> -> memref<!tpu.dma_semaphore, #tpu.memory_space<semaphore_mem>>
      tpu.wait_indirect_dma semaphore(%dma_wait3A_182 : memref<!tpu.dma_semaphore, #tpu.memory_space<semaphore_mem>>) src(%dma_wait3A_180 : memref<10000x128xf32, #tpu.memory_space<hbm>>) dst(%dma_wait3A_174 : memref<128x128xf32, #tpu.memory_space<vmem>>)
      %run_scoped3A_183 = arith.constant 0 : i32
      "tpu.region"() ({
        %run_scoped3A_235 = tpu.sem_alloc : memref<!tpu.dma_semaphore, #tpu.memory_space<semaphore_mem>>
        %dma_start3A_236 = arith.constant 0 : i32
        %dma_start3A_237 = arith.constant 0 : i32
        %dma_start3A_238 = tpu.memref_slice %arg9[%run_scoped3A_183, %dma_start3A_236, %dma_start3A_237] : memref<2x128x128xf32, #tpu.memory_space<vmem>> -> memref<1x128x128xf32, #tpu.memory_space<vmem>>
        %dma_start3A_239 = tpu.memref_squeeze %dma_start3A_238 : memref<1x128x128xf32, #tpu.memory_space<vmem>> -> memref<128x128xf32, #tpu.memory_space<vmem>>
        %dma_start3A_240 = arith.constant 0 : i32
        %dma_start3A_241 = tpu.memref_slice %arg8[%add3A_168, %dma_start3A_240] : memref<40x128xi32, #tpu.memory_space<vmem>> -> memref<1x128xi32, #tpu.memory_space<vmem>>
        %dma_start3A_242 = tpu.memref_squeeze %dma_start3A_241 : memref<1x128xi32, #tpu.memory_space<vmem>> -> memref<128xi32, #tpu.memory_space<vmem>>
        %dma_start3A_243 = arith.constant 0 : i32
        %dma_start3A_244 = arith.constant 0 : i32
        %dma_start3A_245 = tpu.memref_slice %arg10[%dma_start3A_243, %dma_start3A_244] : memref<10112x128xf32, #tpu.memory_space<vmem_shared>> -> memref<10112x128xf32, #tpu.memory_space<vmem_shared>>
        tpu.enqueue_indirect_dma source(%dma_start3A_239 : memref<128x128xf32, #tpu.memory_space<vmem>>) target(%dma_start3A_245 : memref<10112x128xf32, #tpu.memory_space<vmem_shared>>) offsets(%dma_start3A_242 : memref<128xi32, #tpu.memory_space<vmem>>) semaphore(%run_scoped3A_235 : memref<!tpu.dma_semaphore, #tpu.memory_space<semaphore_mem>>) {add = true}
        %dma_wait3A_246 = arith.constant 0 : i32
        %dma_wait3A_247 = arith.constant 0 : i32
        %dma_wait3A_248 = tpu.memref_slice %arg9[%run_scoped3A_183, %dma_wait3A_246, %dma_wait3A_247] : memref<2x128x128xf32, #tpu.memory_space<vmem>> -> memref<1x128x128xf32, #tpu.memory_space<vmem>>
        %dma_wait3A_249 = tpu.memref_squeeze %dma_wait3A_248 : memref<1x128x128xf32, #tpu.memory_space<vmem>> -> memref<128x128xf32, #tpu.memory_space<vmem>>
        %dma_wait3A_250 = arith.constant 0 : i32
        %dma_wait3A_251 = tpu.memref_slice %arg8[%add3A_168, %dma_wait3A_250] : memref<40x128xi32, #tpu.memory_space<vmem>> -> memref<1x128xi32, #tpu.memory_space<vmem>>
        %dma_wait3A_252 = tpu.memref_squeeze %dma_wait3A_251 : memref<1x128xi32, #tpu.memory_space<vmem>> -> memref<128xi32, #tpu.memory_space<vmem>>
        %dma_wait3A_253 = arith.constant 0 : i32
        %dma_wait3A_254 = arith.constant 0 : i32
        %dma_wait3A_255 = tpu.memref_slice %arg10[%dma_wait3A_253, %dma_wait3A_254] : memref<10112x128xf32, #tpu.memory_space<vmem_shared>> -> memref<10112x128xf32, #tpu.memory_space<vmem_shared>>
        tpu.wait_indirect_dma semaphore(%run_scoped3A_235 : memref<!tpu.dma_semaphore, #tpu.memory_space<semaphore_mem>>) src(%dma_wait3A_249 : memref<128x128xf32, #tpu.memory_space<vmem>>) dst(%dma_wait3A_255 : memref<10112x128xf32, #tpu.memory_space<vmem_shared>>)
        tpu.yield
      }) : () -> ()
      %add3A_184 = arith.constant 2 : i32
      %add3A_185 = arith.addi %add3A_168, %add3A_184 : i32
      %dma_start3A_186 = arith.constant 0 : i32
      %dma_start3A_187 = arith.constant 0 : i32
      %dma_start3A_188 = arith.constant 0 : i32
      %dma_start3A_189 = arith.constant 0 : i32
      %dma_start3A_190 = tpu.memref_slice %arg9[%dma_start3A_186, %dma_start3A_188, %dma_start3A_189] : memref<2x128x128xf32, #tpu.memory_space<vmem>> -> memref<1x128x128xf32, #tpu.memory_space<vmem>>
      %dma_start3A_191 = tpu.memref_squeeze %dma_start3A_190 : memref<1x128x128xf32, #tpu.memory_space<vmem>> -> memref<128x128xf32, #tpu.memory_space<vmem>>
      %dma_start3A_192 = arith.constant 0 : i32
      %dma_start3A_193 = tpu.memref_slice %arg7[%add3A_185, %dma_start3A_192] : memref<40x128xi32, #tpu.memory_space<vmem>> -> memref<1x128xi32, #tpu.memory_space<vmem>>
      %dma_start3A_194 = tpu.memref_squeeze %dma_start3A_193 : memref<1x128xi32, #tpu.memory_space<vmem>> -> memref<128xi32, #tpu.memory_space<vmem>>
      %dma_start3A_195 = arith.constant 0 : i32
      %dma_start3A_196 = arith.constant 0 : i32
      %dma_start3A_197 = tpu.memref_slice %arg2[%dma_start3A_195, %dma_start3A_196] : memref<10000x128xf32, #tpu.memory_space<hbm>> -> memref<10000x128xf32, #tpu.memory_space<hbm>>
      %dma_start3A_198 = tpu.memref_slice %arg11[%dma_start3A_187] : memref<2x!tpu.dma_semaphore, #tpu.memory_space<semaphore_mem>> -> memref<1x!tpu.dma_semaphore, #tpu.memory_space<semaphore_mem>>
      %dma_start3A_199 = tpu.memref_squeeze %dma_start3A_198 : memref<1x!tpu.dma_semaphore, #tpu.memory_space<semaphore_mem>> -> memref<!tpu.dma_semaphore, #tpu.memory_space<semaphore_mem>>
      tpu.enqueue_indirect_dma source(%dma_start3A_197 : memref<10000x128xf32, #tpu.memory_space<hbm>>) target(%dma_start3A_191 : memref<128x128xf32, #tpu.memory_space<vmem>>) offsets(%dma_start3A_194 : memref<128xi32, #tpu.memory_space<vmem>>) semaphore(%dma_start3A_199 : memref<!tpu.dma_semaphore, #tpu.memory_space<semaphore_mem>>)
      %mul3A_200 = arith.constant 2 : i32
      %mul3A_201 = arith.muli %scan3A_164, %mul3A_200 : i32
      %add3A_202 = arith.constant 1 : i32
      %add3A_203 = arith.addi %mul3A_201, %add3A_202 : i32
      %dma_wait3A_204 = arith.constant 1 : i32
      %dma_wait3A_205 = arith.constant 1 : i32
      %dma_wait3A_206 = arith.constant 0 : i32
      %dma_wait3A_207 = arith.constant 0 : i32
      %dma_wait3A_208 = tpu.memref_slice %arg9[%dma_wait3A_204, %dma_wait3A_206, %dma_wait3A_207] : memref<2x128x128xf32, #tpu.memory_space<vmem>> -> memref<1x128x128xf32, #tpu.memory_space<vmem>>
      %dma_wait3A_209 = tpu.memref_squeeze %dma_wait3A_208 : memref<1x128x128xf32, #tpu.memory_space<vmem>> -> memref<128x128xf32, #tpu.memory_space<vmem>>
      %dma_wait3A_210 = arith.constant 0 : i32
      %dma_wait3A_211 = tpu.memref_slice %arg7[%add3A_203, %dma_wait3A_210] : memref<40x128xi32, #tpu.memory_space<vmem>> -> memref<1x128xi32, #tpu.memory_space<vmem>>
      %dma_wait3A_212 = tpu.memref_squeeze %dma_wait3A_211 : memref<1x128xi32, #tpu.memory_space<vmem>> -> memref<128xi32, #tpu.memory_space<vmem>>
      %dma_wait3A_213 = arith.constant 0 : i32
      %dma_wait3A_214 = arith.constant 0 : i32
      %dma_wait3A_215 = tpu.memref_slice %arg2[%dma_wait3A_213, %dma_wait3A_214] : memref<10000x128xf32, #tpu.memory_space<hbm>> -> memref<10000x128xf32, #tpu.memory_space<hbm>>
      %dma_wait3A_216 = tpu.memref_slice %arg11[%dma_wait3A_205] : memref<2x!tpu.dma_semaphore, #tpu.memory_space<semaphore_mem>> -> memref<1x!tpu.dma_semaphore, #tpu.memory_space<semaphore_mem>>
      %dma_wait3A_217 = tpu.memref_squeeze %dma_wait3A_216 : memref<1x!tpu.dma_semaphore, #tpu.memory_space<semaphore_mem>> -> memref<!tpu.dma_semaphore, #tpu.memory_space<semaphore_mem>>
      tpu.wait_indirect_dma semaphore(%dma_wait3A_217 : memref<!tpu.dma_semaphore, #tpu.memory_space<semaphore_mem>>) src(%dma_wait3A_215 : memref<10000x128xf32, #tpu.memory_space<hbm>>) dst(%dma_wait3A_209 : memref<128x128xf32, #tpu.memory_space<vmem>>)
      %run_scoped3A_218 = arith.constant 1 : i32
      "tpu.region"() ({
        %run_scoped3A_235 = tpu.sem_alloc : memref<!tpu.dma_semaphore, #tpu.memory_space<semaphore_mem>>
        %dma_start3A_236 = arith.constant 0 : i32
        %dma_start3A_237 = arith.constant 0 : i32
        %dma_start3A_238 = tpu.memref_slice %arg9[%run_scoped3A_218, %dma_start3A_236, %dma_start3A_237] : memref<2x128x128xf32, #tpu.memory_space<vmem>> -> memref<1x128x128xf32, #tpu.memory_space<vmem>>
        %dma_start3A_239 = tpu.memref_squeeze %dma_start3A_238 : memref<1x128x128xf32, #tpu.memory_space<vmem>> -> memref<128x128xf32, #tpu.memory_space<vmem>>
        %dma_start3A_240 = arith.constant 0 : i32
        %dma_start3A_241 = tpu.memref_slice %arg8[%add3A_203, %dma_start3A_240] : memref<40x128xi32, #tpu.memory_space<vmem>> -> memref<1x128xi32, #tpu.memory_space<vmem>>
        %dma_start3A_242 = tpu.memref_squeeze %dma_start3A_241 : memref<1x128xi32, #tpu.memory_space<vmem>> -> memref<128xi32, #tpu.memory_space<vmem>>
        %dma_start3A_243 = arith.constant 0 : i32
        %dma_start3A_244 = arith.constant 0 : i32
        %dma_start3A_245 = tpu.memref_slice %arg10[%dma_start3A_243, %dma_start3A_244] : memref<10112x128xf32, #tpu.memory_space<vmem_shared>> -> memref<10112x128xf32, #tpu.memory_space<vmem_shared>>
        tpu.enqueue_indirect_dma source(%dma_start3A_239 : memref<128x128xf32, #tpu.memory_space<vmem>>) target(%dma_start3A_245 : memref<10112x128xf32, #tpu.memory_space<vmem_shared>>) offsets(%dma_start3A_242 : memref<128xi32, #tpu.memory_space<vmem>>) semaphore(%run_scoped3A_235 : memref<!tpu.dma_semaphore, #tpu.memory_space<semaphore_mem>>) {add = true}
        %dma_wait3A_246 = arith.constant 0 : i32
        %dma_wait3A_247 = arith.constant 0 : i32
        %dma_wait3A_248 = tpu.memref_slice %arg9[%run_scoped3A_218, %dma_wait3A_246, %dma_wait3A_247] : memref<2x128x128xf32, #tpu.memory_space<vmem>> -> memref<1x128x128xf32, #tpu.memory_space<vmem>>
        %dma_wait3A_249 = tpu.memref_squeeze %dma_wait3A_248 : memref<1x128x128xf32, #tpu.memory_space<vmem>> -> memref<128x128xf32, #tpu.memory_space<vmem>>
        %dma_wait3A_250 = arith.constant 0 : i32
        %dma_wait3A_251 = tpu.memref_slice %arg8[%add3A_203, %dma_wait3A_250] : memref<40x128xi32, #tpu.memory_space<vmem>> -> memref<1x128xi32, #tpu.memory_space<vmem>>
        %dma_wait3A_252 = tpu.memref_squeeze %dma_wait3A_251 : memref<1x128xi32, #tpu.memory_space<vmem>> -> memref<128xi32, #tpu.memory_space<vmem>>
        %dma_wait3A_253 = arith.constant 0 : i32
        %dma_wait3A_254 = arith.constant 0 : i32
        %dma_wait3A_255 = tpu.memref_slice %arg10[%dma_wait3A_253, %dma_wait3A_254] : memref<10112x128xf32, #tpu.memory_space<vmem_shared>> -> memref<10112x128xf32, #tpu.memory_space<vmem_shared>>
        tpu.wait_indirect_dma semaphore(%run_scoped3A_235 : memref<!tpu.dma_semaphore, #tpu.memory_space<semaphore_mem>>) src(%dma_wait3A_249 : memref<128x128xf32, #tpu.memory_space<vmem>>) dst(%dma_wait3A_255 : memref<10112x128xf32, #tpu.memory_space<vmem_shared>>)
        tpu.yield
      }) : () -> ()
      %add3A_219 = arith.constant 2 : i32
      %add3A_220 = arith.addi %add3A_203, %add3A_219 : i32
      %dma_start3A_221 = arith.constant 1 : i32
      %dma_start3A_222 = arith.constant 1 : i32
      %dma_start3A_223 = arith.constant 0 : i32
      %dma_start3A_224 = arith.constant 0 : i32
      %dma_start3A_225 = tpu.memref_slice %arg9[%dma_start3A_221, %dma_start3A_223, %dma_start3A_224] : memref<2x128x128xf32, #tpu.memory_space<vmem>> -> memref<1x128x128xf32, #tpu.memory_space<vmem>>
      %dma_start3A_226 = tpu.memref_squeeze %dma_start3A_225 : memref<1x128x128xf32, #tpu.memory_space<vmem>> -> memref<128x128xf32, #tpu.memory_space<vmem>>
      %dma_start3A_227 = arith.constant 0 : i32
      %dma_start3A_228 = tpu.memref_slice %arg7[%add3A_220, %dma_start3A_227] : memref<40x128xi32, #tpu.memory_space<vmem>> -> memref<1x128xi32, #tpu.memory_space<vmem>>
      %dma_start3A_229 = tpu.memref_squeeze %dma_start3A_228 : memref<1x128xi32, #tpu.memory_space<vmem>> -> memref<128xi32, #tpu.memory_space<vmem>>
      %dma_start3A_230 = arith.constant 0 : i32
      %dma_start3A_231 = arith.constant 0 : i32
      %dma_start3A_232 = tpu.memref_slice %arg2[%dma_start3A_230, %dma_start3A_231] : memref<10000x128xf32, #tpu.memory_space<hbm>> -> memref<10000x128xf32, #tpu.memory_space<hbm>>
      %dma_start3A_233 = tpu.memref_slice %arg11[%dma_start3A_222] : memref<2x!tpu.dma_semaphore, #tpu.memory_space<semaphore_mem>> -> memref<1x!tpu.dma_semaphore, #tpu.memory_space<semaphore_mem>>
      %dma_start3A_234 = tpu.memref_squeeze %dma_start3A_233 : memref<1x!tpu.dma_semaphore, #tpu.memory_space<semaphore_mem>> -> memref<!tpu.dma_semaphore, #tpu.memory_space<semaphore_mem>>
      tpu.enqueue_indirect_dma source(%dma_start3A_232 : memref<10000x128xf32, #tpu.memory_space<hbm>>) target(%dma_start3A_226 : memref<128x128xf32, #tpu.memory_space<vmem>>) offsets(%dma_start3A_229 : memref<128xi32, #tpu.memory_space<vmem>>) semaphore(%dma_start3A_234 : memref<!tpu.dma_semaphore, #tpu.memory_space<semaphore_mem>>)
    }
    %scan3A_122 = arith.constant 19 : i32
    %dma_wait3A_123 = arith.constant 38 : i32
    %dma_wait3A_124 = arith.constant 0 : i32
    %dma_wait3A_125 = arith.constant 0 : i32
    %dma_wait3A_126 = arith.constant 0 : i32
    %dma_wait3A_127 = arith.constant 0 : i32
    %dma_wait3A_128 = tpu.memref_slice %arg9[%dma_wait3A_124, %dma_wait3A_126, %dma_wait3A_127] : memref<2x128x128xf32, #tpu.memory_space<vmem>> -> memref<1x128x128xf32, #tpu.memory_space<vmem>>
    %dma_wait3A_129 = tpu.memref_squeeze %dma_wait3A_128 : memref<1x128x128xf32, #tpu.memory_space<vmem>> -> memref<128x128xf32, #tpu.memory_space<vmem>>
    %dma_wait3A_130 = arith.constant 0 : i32
    %dma_wait3A_131 = tpu.memref_slice %arg7[%dma_wait3A_123, %dma_wait3A_130] : memref<40x128xi32, #tpu.memory_space<vmem>> -> memref<1x128xi32, #tpu.memory_space<vmem>>
    %dma_wait3A_132 = tpu.memref_squeeze %dma_wait3A_131 : memref<1x128xi32, #tpu.memory_space<vmem>> -> memref<128xi32, #tpu.memory_space<vmem>>
    %dma_wait3A_133 = arith.constant 0 : i32
    %dma_wait3A_134 = arith.constant 0 : i32
    %dma_wait3A_135 = tpu.memref_slice %arg2[%dma_wait3A_133, %dma_wait3A_134] : memref<10000x128xf32, #tpu.memory_space<hbm>> -> memref<10000x128xf32, #tpu.memory_space<hbm>>
    %dma_wait3A_136 = tpu.memref_slice %arg11[%dma_wait3A_125] : memref<2x!tpu.dma_semaphore, #tpu.memory_space<semaphore_mem>> -> memref<1x!tpu.dma_semaphore, #tpu.memory_space<semaphore_mem>>
    %dma_wait3A_137 = tpu.memref_squeeze %dma_wait3A_136 : memref<1x!tpu.dma_semaphore, #tpu.memory_space<semaphore_mem>> -> memref<!tpu.dma_semaphore, #tpu.memory_space<semaphore_mem>>
    tpu.wait_indirect_dma semaphore(%dma_wait3A_137 : memref<!tpu.dma_semaphore, #tpu.memory_space<semaphore_mem>>) src(%dma_wait3A_135 : memref<10000x128xf32, #tpu.memory_space<hbm>>) dst(%dma_wait3A_129 : memref<128x128xf32, #tpu.memory_space<vmem>>)
    %run_scoped3A_138 = arith.constant 0 : i32
    %run_scoped3A_139 = arith.constant 38 : i32
    "tpu.region"() ({
      %run_scoped3A_164 = tpu.sem_alloc : memref<!tpu.dma_semaphore, #tpu.memory_space<semaphore_mem>>
      %dma_start3A_165 = arith.constant 0 : i32
      %dma_start3A_166 = arith.constant 0 : i32
      %dma_start3A_167 = tpu.memref_slice %arg9[%run_scoped3A_138, %dma_start3A_165, %dma_start3A_166] : memref<2x128x128xf32, #tpu.memory_space<vmem>> -> memref<1x128x128xf32, #tpu.memory_space<vmem>>
      %dma_start3A_168 = tpu.memref_squeeze %dma_start3A_167 : memref<1x128x128xf32, #tpu.memory_space<vmem>> -> memref<128x128xf32, #tpu.memory_space<vmem>>
      %dma_start3A_169 = arith.constant 0 : i32
      %dma_start3A_170 = tpu.memref_slice %arg8[%run_scoped3A_139, %dma_start3A_169] : memref<40x128xi32, #tpu.memory_space<vmem>> -> memref<1x128xi32, #tpu.memory_space<vmem>>
      %dma_start3A_171 = tpu.memref_squeeze %dma_start3A_170 : memref<1x128xi32, #tpu.memory_space<vmem>> -> memref<128xi32, #tpu.memory_space<vmem>>
      %dma_start3A_172 = arith.constant 0 : i32
      %dma_start3A_173 = arith.constant 0 : i32
      %dma_start3A_174 = tpu.memref_slice %arg10[%dma_start3A_172, %dma_start3A_173] : memref<10112x128xf32, #tpu.memory_space<vmem_shared>> -> memref<10112x128xf32, #tpu.memory_space<vmem_shared>>
      tpu.enqueue_indirect_dma source(%dma_start3A_168 : memref<128x128xf32, #tpu.memory_space<vmem>>) target(%dma_start3A_174 : memref<10112x128xf32, #tpu.memory_space<vmem_shared>>) offsets(%dma_start3A_171 : memref<128xi32, #tpu.memory_space<vmem>>) semaphore(%run_scoped3A_164 : memref<!tpu.dma_semaphore, #tpu.memory_space<semaphore_mem>>) {add = true}
      %dma_wait3A_175 = arith.constant 0 : i32
      %dma_wait3A_176 = arith.constant 0 : i32
      %dma_wait3A_177 = tpu.memref_slice %arg9[%run_scoped3A_138, %dma_wait3A_175, %dma_wait3A_176] : memref<2x128x128xf32, #tpu.memory_space<vmem>> -> memref<1x128x128xf32, #tpu.memory_space<vmem>>
      %dma_wait3A_178 = tpu.memref_squeeze %dma_wait3A_177 : memref<1x128x128xf32, #tpu.memory_space<vmem>> -> memref<128x128xf32, #tpu.memory_space<vmem>>
      %dma_wait3A_179 = arith.constant 0 : i32
      %dma_wait3A_180 = tpu.memref_slice %arg8[%run_scoped3A_139, %dma_wait3A_179] : memref<40x128xi32, #tpu.memory_space<vmem>> -> memref<1x128xi32, #tpu.memory_space<vmem>>
      %dma_wait3A_181 = tpu.memref_squeeze %dma_wait3A_180 : memref<1x128xi32, #tpu.memory_space<vmem>> -> memref<128xi32, #tpu.memory_space<vmem>>
      %dma_wait3A_182 = arith.constant 0 : i32
      %dma_wait3A_183 = arith.constant 0 : i32
      %dma_wait3A_184 = tpu.memref_slice %arg10[%dma_wait3A_182, %dma_wait3A_183] : memref<10112x128xf32, #tpu.memory_space<vmem_shared>> -> memref<10112x128xf32, #tpu.memory_space<vmem_shared>>
      tpu.wait_indirect_dma semaphore(%run_scoped3A_164 : memref<!tpu.dma_semaphore, #tpu.memory_space<semaphore_mem>>) src(%dma_wait3A_178 : memref<128x128xf32, #tpu.memory_space<vmem>>) dst(%dma_wait3A_184 : memref<10112x128xf32, #tpu.memory_space<vmem_shared>>)
      tpu.yield
    }) : () -> ()
    %dma_wait3A_140 = arith.constant 39 : i32
    %dma_wait3A_141 = arith.constant 1 : i32
    %dma_wait3A_142 = arith.constant 1 : i32
    %dma_wait3A_143 = arith.constant 0 : i32
    %dma_wait3A_144 = arith.constant 0 : i32
    %dma_wait3A_145 = tpu.memref_slice %arg9[%dma_wait3A_141, %dma_wait3A_143, %dma_wait3A_144] : memref<2x128x128xf32, #tpu.memory_space<vmem>> -> memref<1x128x128xf32, #tpu.memory_space<vmem>>
    %dma_wait3A_146 = tpu.memref_squeeze %dma_wait3A_145 : memref<1x128x128xf32, #tpu.memory_space<vmem>> -> memref<128x128xf32, #tpu.memory_space<vmem>>
    %dma_wait3A_147 = arith.constant 0 : i32
    %dma_wait3A_148 = tpu.memref_slice %arg7[%dma_wait3A_140, %dma_wait3A_147] : memref<40x128xi32, #tpu.memory_space<vmem>> -> memref<1x128xi32, #tpu.memory_space<vmem>>
    %dma_wait3A_149 = tpu.memref_squeeze %dma_wait3A_148 : memref<1x128xi32, #tpu.memory_space<vmem>> -> memref<128xi32, #tpu.memory_space<vmem>>
    %dma_wait3A_150 = arith.constant 0 : i32
    %dma_wait3A_151 = arith.constant 0 : i32
    %dma_wait3A_152 = tpu.memref_slice %arg2[%dma_wait3A_150, %dma_wait3A_151] : memref<10000x128xf32, #tpu.memory_space<hbm>> -> memref<10000x128xf32, #tpu.memory_space<hbm>>
    %dma_wait3A_153 = tpu.memref_slice %arg11[%dma_wait3A_142] : memref<2x!tpu.dma_semaphore, #tpu.memory_space<semaphore_mem>> -> memref<1x!tpu.dma_semaphore, #tpu.memory_space<semaphore_mem>>
    %dma_wait3A_154 = tpu.memref_squeeze %dma_wait3A_153 : memref<1x!tpu.dma_semaphore, #tpu.memory_space<semaphore_mem>> -> memref<!tpu.dma_semaphore, #tpu.memory_space<semaphore_mem>>
    tpu.wait_indirect_dma semaphore(%dma_wait3A_154 : memref<!tpu.dma_semaphore, #tpu.memory_space<semaphore_mem>>) src(%dma_wait3A_152 : memref<10000x128xf32, #tpu.memory_space<hbm>>) dst(%dma_wait3A_146 : memref<128x128xf32, #tpu.memory_space<vmem>>)
    %run_scoped3A_155 = arith.constant 1 : i32
    %run_scoped3A_156 = arith.constant 39 : i32
    "tpu.region"() ({
      %run_scoped3A_164 = tpu.sem_alloc : memref<!tpu.dma_semaphore, #tpu.memory_space<semaphore_mem>>
      %dma_start3A_165 = arith.constant 0 : i32
      %dma_start3A_166 = arith.constant 0 : i32
      %dma_start3A_167 = tpu.memref_slice %arg9[%run_scoped3A_155, %dma_start3A_165, %dma_start3A_166] : memref<2x128x128xf32, #tpu.memory_space<vmem>> -> memref<1x128x128xf32, #tpu.memory_space<vmem>>
      %dma_start3A_168 = tpu.memref_squeeze %dma_start3A_167 : memref<1x128x128xf32, #tpu.memory_space<vmem>> -> memref<128x128xf32, #tpu.memory_space<vmem>>
      %dma_start3A_169 = arith.constant 0 : i32
      %dma_start3A_170 = tpu.memref_slice %arg8[%run_scoped3A_156, %dma_start3A_169] : memref<40x128xi32, #tpu.memory_space<vmem>> -> memref<1x128xi32, #tpu.memory_space<vmem>>
      %dma_start3A_171 = tpu.memref_squeeze %dma_start3A_170 : memref<1x128xi32, #tpu.memory_space<vmem>> -> memref<128xi32, #tpu.memory_space<vmem>>
      %dma_start3A_172 = arith.constant 0 : i32
      %dma_start3A_173 = arith.constant 0 : i32
      %dma_start3A_174 = tpu.memref_slice %arg10[%dma_start3A_172, %dma_start3A_173] : memref<10112x128xf32, #tpu.memory_space<vmem_shared>> -> memref<10112x128xf32, #tpu.memory_space<vmem_shared>>
      tpu.enqueue_indirect_dma source(%dma_start3A_168 : memref<128x128xf32, #tpu.memory_space<vmem>>) target(%dma_start3A_174 : memref<10112x128xf32, #tpu.memory_space<vmem_shared>>) offsets(%dma_start3A_171 : memref<128xi32, #tpu.memory_space<vmem>>) semaphore(%run_scoped3A_164 : memref<!tpu.dma_semaphore, #tpu.memory_space<semaphore_mem>>) {add = true}
      %dma_wait3A_175 = arith.constant 0 : i32
      %dma_wait3A_176 = arith.constant 0 : i32
      %dma_wait3A_177 = tpu.memref_slice %arg9[%run_scoped3A_155, %dma_wait3A_175, %dma_wait3A_176] : memref<2x128x128xf32, #tpu.memory_space<vmem>> -> memref<1x128x128xf32, #tpu.memory_space<vmem>>
      %dma_wait3A_178 = tpu.memref_squeeze %dma_wait3A_177 : memref<1x128x128xf32, #tpu.memory_space<vmem>> -> memref<128x128xf32, #tpu.memory_space<vmem>>
      %dma_wait3A_179 = arith.constant 0 : i32
      %dma_wait3A_180 = tpu.memref_slice %arg8[%run_scoped3A_156, %dma_wait3A_179] : memref<40x128xi32, #tpu.memory_space<vmem>> -> memref<1x128xi32, #tpu.memory_space<vmem>>
      %dma_wait3A_181 = tpu.memref_squeeze %dma_wait3A_180 : memref<1x128xi32, #tpu.memory_space<vmem>> -> memref<128xi32, #tpu.memory_space<vmem>>
      %dma_wait3A_182 = arith.constant 0 : i32
      %dma_wait3A_183 = arith.constant 0 : i32
      %dma_wait3A_184 = tpu.memref_slice %arg10[%dma_wait3A_182, %dma_wait3A_183] : memref<10112x128xf32, #tpu.memory_space<vmem_shared>> -> memref<10112x128xf32, #tpu.memory_space<vmem_shared>>
      tpu.wait_indirect_dma semaphore(%run_scoped3A_164 : memref<!tpu.dma_semaphore, #tpu.memory_space<semaphore_mem>>) src(%dma_wait3A_178 : memref<128x128xf32, #tpu.memory_space<vmem>>) dst(%dma_wait3A_184 : memref<10112x128xf32, #tpu.memory_space<vmem_shared>>)
      tpu.yield
    }) : () -> ()
    %barrier3A_157 = arith.constant 0 : index
    tpu.barrier barrier_id(%barrier3A_157)
    %mul3A_158 = arith.constant 624 : i32
    %mul3A_159 = arith.muli %arg1, %mul3A_158 : i32
    %mul3A_160 = arith.constant 624 : i32
    %mul3A_161 = arith.muli %arg1, %mul3A_160 : i32
    "tpu.region"() ({
      %run_scoped3A_164 = tpu.sem_alloc : memref<!tpu.dma_semaphore, #tpu.memory_space<semaphore_mem>>
      %dma_start3A_165 = arith.constant 0 : i32
      %dma_start3A_166 = tpu.memref_slice %arg6[%arg0, %mul3A_161, %dma_start3A_165] : memref<2x10000x128xf32, #tpu.memory_space<hbm>> -> memref<1x624x128xf32, #tpu.memory_space<hbm>>
      %dma_start3A_167 = tpu.memref_squeeze %dma_start3A_166 : memref<1x624x128xf32, #tpu.memory_space<hbm>> -> memref<624x128xf32, #tpu.memory_space<hbm>>
      %dma_start3A_168 = arith.constant 0 : i32
      %dma_start3A_169 = tpu.memref_slice %arg10[%mul3A_159, %dma_start3A_168] : memref<10112x128xf32, #tpu.memory_space<vmem_shared>> -> memref<624x128xf32, #tpu.memory_space<vmem_shared>>
      tpu.enqueue_dma source(%dma_start3A_169 : memref<624x128xf32, #tpu.memory_space<vmem_shared>>) target(%dma_start3A_167 : memref<624x128xf32, #tpu.memory_space<hbm>>) target_semaphore(%run_scoped3A_164 : memref<!tpu.dma_semaphore, #tpu.memory_space<semaphore_mem>>)
      %dma_wait3A_170 = arith.constant 0 : i32
      %dma_wait3A_171 = tpu.memref_slice %arg6[%arg0, %mul3A_161, %dma_wait3A_170] : memref<2x10000x128xf32, #tpu.memory_space<hbm>> -> memref<1x624x128xf32, #tpu.memory_space<hbm>>
      %dma_wait3A_172 = tpu.memref_squeeze %dma_wait3A_171 : memref<1x624x128xf32, #tpu.memory_space<hbm>> -> memref<624x128xf32, #tpu.memory_space<hbm>>
      %dma_wait3A_173 = arith.constant 0 : i32
      %dma_wait3A_174 = tpu.memref_slice %arg10[%mul3A_159, %dma_wait3A_173] : memref<10112x128xf32, #tpu.memory_space<vmem_shared>> -> memref<624x128xf32, #tpu.memory_space<vmem_shared>>
      tpu.wait_dma2 semaphore(%run_scoped3A_164 : memref<!tpu.dma_semaphore, #tpu.memory_space<semaphore_mem>>) src(%dma_wait3A_174 : memref<624x128xf32, #tpu.memory_space<vmem_shared>>) dst(%dma_wait3A_172 : memref<624x128xf32, #tpu.memory_space<hbm>>)
      tpu.yield
    }) : () -> ()
    %eq3A = arith.constant 15 : i32
    %eq3A_162 = arith.cmpi eq, %arg1, %eq3A : i32
    %convert_element_type3A = arith.extui %eq3A_162 : i1 to i32
    %cond3A = arith.constant 0 : i32
    %cond3A_163 = arith.cmpi ne, %convert_element_type3A, %cond3A : i32
    scf.if %cond3A_163 {
      "tpu.region"() ({
        %run_scoped3A_164 = tpu.sem_alloc : memref<!tpu.dma_semaphore, #tpu.memory_space<semaphore_mem>>
        %dma_start3A_165 = arith.constant 9984 : i32
        %dma_start3A_166 = arith.constant 0 : i32
        %dma_start3A_167 = tpu.memref_slice %arg6[%arg0, %dma_start3A_165, %dma_start3A_166] : memref<2x10000x128xf32, #tpu.memory_space<hbm>> -> memref<1x16x128xf32, #tpu.memory_space<hbm>>
        %dma_start3A_168 = tpu.memref_squeeze %dma_start3A_167 : memref<1x16x128xf32, #tpu.memory_space<hbm>> -> memref<16x128xf32, #tpu.memory_space<hbm>>
        %dma_start3A_169 = arith.constant 9984 : i32
        %dma_start3A_170 = arith.constant 0 : i32
        %dma_start3A_171 = tpu.memref_slice %arg10[%dma_start3A_169, %dma_start3A_170] : memref<10112x128xf32, #tpu.memory_space<vmem_shared>> -> memref<16x128xf32, #tpu.memory_space<vmem_shared>>
        tpu.enqueue_dma source(%dma_start3A_171 : memref<16x128xf32, #tpu.memory_space<vmem_shared>>) target(%dma_start3A_168 : memref<16x128xf32, #tpu.memory_space<hbm>>) target_semaphore(%run_scoped3A_164 : memref<!tpu.dma_semaphore, #tpu.memory_space<semaphore_mem>>)
        %dma_wait3A_172 = arith.constant 9984 : i32
        %dma_wait3A_173 = arith.constant 0 : i32
        %dma_wait3A_174 = tpu.memref_slice %arg6[%arg0, %dma_wait3A_172, %dma_wait3A_173] : memref<2x10000x128xf32, #tpu.memory_space<hbm>> -> memref<1x16x128xf32, #tpu.memory_space<hbm>>
        %dma_wait3A_175 = tpu.memref_squeeze %dma_wait3A_174 : memref<1x16x128xf32, #tpu.memory_space<hbm>> -> memref<16x128xf32, #tpu.memory_space<hbm>>
        %dma_wait3A_176 = arith.constant 9984 : i32
        %dma_wait3A_177 = arith.constant 0 : i32
        %dma_wait3A_178 = tpu.memref_slice %arg10[%dma_wait3A_176, %dma_wait3A_177] : memref<10112x128xf32, #tpu.memory_space<vmem_shared>> -> memref<16x128xf32, #tpu.memory_space<vmem_shared>>
        tpu.wait_dma2 semaphore(%run_scoped3A_164 : memref<!tpu.dma_semaphore, #tpu.memory_space<semaphore_mem>>) src(%dma_wait3A_178 : memref<16x128xf32, #tpu.memory_space<vmem_shared>>) dst(%dma_wait3A_175 : memref<16x128xf32, #tpu.memory_space<hbm>>)
        tpu.yield
      }) : () -> ()
    } else {
    }
    return
  }
}

#map = affine_map<(d0, d1) -> (0, 0)>
#map1 = affine_map<(d0, d1) -> (0, 0, 0)>
module attributes {stable_mosaic.version = 14 : i64} {
  func.func @_sc_segsum_body(%arg0: i32, %arg1: i32, %arg2: memref<10000x128xf32, #tpu.memory_space<hbm>>, %arg3: memref<2560x128xi32, #tpu.memory_space<hbm>>, %arg4: memref<2560x128xi32, #tpu.memory_space<hbm>>, %arg5: memref<10112x128xf32, #tpu.memory_space<hbm>>, %arg6: memref<2x10000x128xf32, #tpu.memory_space<hbm>>, %arg7: memref<40x128xi32, #tpu.memory_space<vmem>>, %arg8: memref<40x128xi32, #tpu.memory_space<vmem>>, %arg9: memref<2x128x128xf32, #tpu.memory_space<vmem>>, %arg10: memref<10112x128xf32, #tpu.memory_space<vmem_shared>>, %arg11: memref<2x!tpu.dma_semaphore, #tpu.memory_space<semaphore_mem>>) attributes {dimension_semantics = [#tpu.dimension_semantics<core_parallel>, #tpu.dimension_semantics<subcore_parallel>], iteration_bounds = array<i64: 2, 16>, scalar_prefetch = 0 : i64, scratch_operands = 5 : i64, tpu.core_type = #tpu.core_type<sc_vector_subcore>, window_params = [{transform_indices = #map}, {transform_indices = #map}, {transform_indices = #map}, {transform_indices = #map}, {transform_indices = #map1}]} {
    %mul3A = arith.constant 16 : i32
    %mul3A_0 = arith.muli %arg0, %mul3A : i32
    %add3A = arith.addi %mul3A_0, %arg1 : i32
    %mul3A_1 = arith.constant 632 : i32
    %mul3A_2 = arith.muli %arg1, %mul3A_1 : i32
    %mul3A_3 = arith.constant 632 : i32
    %mul3A_4 = arith.muli %arg1, %mul3A_3 : i32
    "tpu.region"() ({
      %run_scoped3A_164 = tpu.sem_alloc : memref<!tpu.dma_semaphore, #tpu.memory_space<semaphore_mem>>
      %dma_start3A_165 = arith.constant 0 : i32
      %dma_start3A_166 = tpu.memref_slice %arg10[%mul3A_4, %dma_start3A_165] : memref<10112x128xf32, #tpu.memory_space<vmem_shared>> -> memref<632x128xf32, #tpu.memory_space<vmem_shared>>
      %dma_start3A_167 = arith.constant 0 : i32
      %dma_start3A_168 = tpu.memref_slice %arg5[%mul3A_2, %dma_start3A_167] : memref<10112x128xf32, #tpu.memory_space<hbm>> -> memref<632x128xf32, #tpu.memory_space<hbm>>
      tpu.enqueue_dma source(%dma_start3A_168 : memref<632x128xf32, #tpu.memory_space<hbm>>) target(%dma_start3A_166 : memref<632x128xf32, #tpu.memory_space<vmem_shared>>) target_semaphore(%run_scoped3A_164 : memref<!tpu.dma_semaphore, #tpu.memory_space<semaphore_mem>>)
      %dma_wait3A_169 = arith.constant 0 : i32
      %dma_wait3A_170 = tpu.memref_slice %arg10[%mul3A_4, %dma_wait3A_169] : memref<10112x128xf32, #tpu.memory_space<vmem_shared>> -> memref<632x128xf32, #tpu.memory_space<vmem_shared>>
      %dma_wait3A_171 = arith.constant 0 : i32
      %dma_wait3A_172 = tpu.memref_slice %arg5[%mul3A_2, %dma_wait3A_171] : memref<10112x128xf32, #tpu.memory_space<hbm>> -> memref<632x128xf32, #tpu.memory_space<hbm>>
      tpu.wait_dma2 semaphore(%run_scoped3A_164 : memref<!tpu.dma_semaphore, #tpu.memory_space<semaphore_mem>>) src(%dma_wait3A_172 : memref<632x128xf32, #tpu.memory_space<hbm>>) dst(%dma_wait3A_170 : memref<632x128xf32, #tpu.memory_space<vmem_shared>>)
      tpu.yield
    }) : () -> ()
    %barrier3A = arith.constant 0 : index
    tpu.barrier barrier_id(%barrier3A)
    %mul3A_5 = arith.constant 80 : i32
    %mul3A_6 = arith.muli %add3A, %mul3A_5 : i32
    %add3A_7 = arith.constant 0 : i32
    %add3A_8 = arith.addi %mul3A_6, %add3A_7 : i32
    "tpu.region"() ({
      %run_scoped3A_164 = tpu.sem_alloc : memref<!tpu.dma_semaphore, #tpu.memory_space<semaphore_mem>>
      %dma_start3A_165 = arith.constant 0 : i32
      %dma_start3A_166 = tpu.memref_slice %arg3[%add3A_8, %dma_start3A_165] : memref<2560x128xi32, #tpu.memory_space<hbm>> -> memref<40x128xi32, #tpu.memory_space<hbm>>
      %dma_start3A_167 = arith.constant 0 : i32
      %dma_start3A_168 = tpu.memref_slice %arg3[%add3A_8, %dma_start3A_167] : memref<2560x128xi32, #tpu.memory_space<hbm>> -> memref<40x128xi32, #tpu.memory_space<hbm>>
      tpu.enqueue_dma source(%dma_start3A_168 : memref<40x128xi32, #tpu.memory_space<hbm>>) target(%arg7 : memref<40x128xi32, #tpu.memory_space<vmem>>) target_semaphore(%run_scoped3A_164 : memref<!tpu.dma_semaphore, #tpu.memory_space<semaphore_mem>>)
      %dma_wait3A_169 = arith.constant 0 : i32
      %dma_wait3A_170 = tpu.memref_slice %arg3[%add3A_8, %dma_wait3A_169] : memref<2560x128xi32, #tpu.memory_space<hbm>> -> memref<40x128xi32, #tpu.memory_space<hbm>>
      %dma_wait3A_171 = arith.constant 0 : i32
      %dma_wait3A_172 = tpu.memref_slice %arg3[%add3A_8, %dma_wait3A_171] : memref<2560x128xi32, #tpu.memory_space<hbm>> -> memref<40x128xi32, #tpu.memory_space<hbm>>
      tpu.wait_dma2 semaphore(%run_scoped3A_164 : memref<!tpu.dma_semaphore, #tpu.memory_space<semaphore_mem>>) src(%dma_wait3A_172 : memref<40x128xi32, #tpu.memory_space<hbm>>) dst(%arg7 : memref<40x128xi32, #tpu.memory_space<vmem>>)
      tpu.yield
    }) : () -> ()
    %mul3A_9 = arith.constant 80 : i32
    %mul3A_10 = arith.muli %add3A, %mul3A_9 : i32
    %add3A_11 = arith.constant 0 : i32
    %add3A_12 = arith.addi %mul3A_10, %add3A_11 : i32
    "tpu.region"() ({
      %run_scoped3A_164 = tpu.sem_alloc : memref<!tpu.dma_semaphore, #tpu.memory_space<semaphore_mem>>
      %dma_start3A_165 = arith.constant 0 : i32
      %dma_start3A_166 = tpu.memref_slice %arg4[%add3A_12, %dma_start3A_165] : memref<2560x128xi32, #tpu.memory_space<hbm>> -> memref<40x128xi32, #tpu.memory_space<hbm>>
      %dma_start3A_167 = arith.constant 0 : i32
      %dma_start3A_168 = tpu.memref_slice %arg4[%add3A_12, %dma_start3A_167] : memref<2560x128xi32, #tpu.memory_space<hbm>> -> memref<40x128xi32, #tpu.memory_space<hbm>>
      tpu.enqueue_dma source(%dma_start3A_168 : memref<40x128xi32, #tpu.memory_space<hbm>>) target(%arg8 : memref<40x128xi32, #tpu.memory_space<vmem>>) target_semaphore(%run_scoped3A_164 : memref<!tpu.dma_semaphore, #tpu.memory_space<semaphore_mem>>)
      %dma_wait3A_169 = arith.constant 0 : i32
      %dma_wait3A_170 = tpu.memref_slice %arg4[%add3A_12, %dma_wait3A_169] : memref<2560x128xi32, #tpu.memory_space<hbm>> -> memref<40x128xi32, #tpu.memory_space<hbm>>
      %dma_wait3A_171 = arith.constant 0 : i32
      %dma_wait3A_172 = tpu.memref_slice %arg4[%add3A_12, %dma_wait3A_171] : memref<2560x128xi32, #tpu.memory_space<hbm>> -> memref<40x128xi32, #tpu.memory_space<hbm>>
      tpu.wait_dma2 semaphore(%run_scoped3A_164 : memref<!tpu.dma_semaphore, #tpu.memory_space<semaphore_mem>>) src(%dma_wait3A_172 : memref<40x128xi32, #tpu.memory_space<hbm>>) dst(%arg8 : memref<40x128xi32, #tpu.memory_space<vmem>>)
      tpu.yield
    }) : () -> ()
    %dma_start3A = arith.constant 0 : i32
    %dma_start3A_13 = arith.constant 0 : i32
    %dma_start3A_14 = arith.constant 0 : i32
    %dma_start3A_15 = arith.constant 0 : i32
    %dma_start3A_16 = arith.constant 0 : i32
    %dma_start3A_17 = tpu.memref_slice %arg9[%dma_start3A_13, %dma_start3A_15, %dma_start3A_16] : memref<2x128x128xf32, #tpu.memory_space<vmem>> -> memref<1x128x128xf32, #tpu.memory_space<vmem>>
    %dma_start3A_18 = tpu.memref_squeeze %dma_start3A_17 : memref<1x128x128xf32, #tpu.memory_space<vmem>> -> memref<128x128xf32, #tpu.memory_space<vmem>>
    %dma_start3A_19 = arith.constant 0 : i32
    %dma_start3A_20 = tpu.memref_slice %arg7[%dma_start3A, %dma_start3A_19] : memref<40x128xi32, #tpu.memory_space<vmem>> -> memref<1x128xi32, #tpu.memory_space<vmem>>
    %dma_start3A_21 = tpu.memref_squeeze %dma_start3A_20 : memref<1x128xi32, #tpu.memory_space<vmem>> -> memref<128xi32, #tpu.memory_space<vmem>>
    %dma_start3A_22 = arith.constant 0 : i32
    %dma_start3A_23 = arith.constant 0 : i32
    %dma_start3A_24 = tpu.memref_slice %arg2[%dma_start3A_22, %dma_start3A_23] : memref<10000x128xf32, #tpu.memory_space<hbm>> -> memref<10000x128xf32, #tpu.memory_space<hbm>>
    %dma_start3A_25 = tpu.memref_slice %arg11[%dma_start3A_14] : memref<2x!tpu.dma_semaphore, #tpu.memory_space<semaphore_mem>> -> memref<1x!tpu.dma_semaphore, #tpu.memory_space<semaphore_mem>>
    %dma_start3A_26 = tpu.memref_squeeze %dma_start3A_25 : memref<1x!tpu.dma_semaphore, #tpu.memory_space<semaphore_mem>> -> memref<!tpu.dma_semaphore, #tpu.memory_space<semaphore_mem>>
    tpu.enqueue_indirect_dma source(%dma_start3A_24 : memref<10000x128xf32, #tpu.memory_space<hbm>>) target(%dma_start3A_18 : memref<128x128xf32, #tpu.memory_space<vmem>>) offsets(%dma_start3A_21 : memref<128xi32, #tpu.memory_space<vmem>>) semaphore(%dma_start3A_26 : memref<!tpu.dma_semaphore, #tpu.memory_space<semaphore_mem>>)
    %dma_start3A_27 = arith.constant 1 : i32
    %dma_start3A_28 = arith.constant 1 : i32
    %dma_start3A_29 = arith.constant 1 : i32
    %dma_start3A_30 = arith.constant 0 : i32
    %dma_start3A_31 = arith.constant 0 : i32
    %dma_start3A_32 = tpu.memref_slice %arg9[%dma_start3A_28, %dma_start3A_30, %dma_start3A_31] : memref<2x128x128xf32, #tpu.memory_space<vmem>> -> memref<1x128x128xf32, #tpu.memory_space<vmem>>
    %dma_start3A_33 = tpu.memref_squeeze %dma_start3A_32 : memref<1x128x128xf32, #tpu.memory_space<vmem>> -> memref<128x128xf32, #tpu.memory_space<vmem>>
    %dma_start3A_34 = arith.constant 0 : i32
    %dma_start3A_35 = tpu.memref_slice %arg7[%dma_start3A_27, %dma_start3A_34] : memref<40x128xi32, #tpu.memory_space<vmem>> -> memref<1x128xi32, #tpu.memory_space<vmem>>
    %dma_start3A_36 = tpu.memref_squeeze %dma_start3A_35 : memref<1x128xi32, #tpu.memory_space<vmem>> -> memref<128xi32, #tpu.memory_space<vmem>>
    %dma_start3A_37 = arith.constant 0 : i32
    %dma_start3A_38 = arith.constant 0 : i32
    %dma_start3A_39 = tpu.memref_slice %arg2[%dma_start3A_37, %dma_start3A_38] : memref<10000x128xf32, #tpu.memory_space<hbm>> -> memref<10000x128xf32, #tpu.memory_space<hbm>>
    %dma_start3A_40 = tpu.memref_slice %arg11[%dma_start3A_29] : memref<2x!tpu.dma_semaphore, #tpu.memory_space<semaphore_mem>> -> memref<1x!tpu.dma_semaphore, #tpu.memory_space<semaphore_mem>>
    %dma_start3A_41 = tpu.memref_squeeze %dma_start3A_40 : memref<1x!tpu.dma_semaphore, #tpu.memory_space<semaphore_mem>> -> memref<!tpu.dma_semaphore, #tpu.memory_space<semaphore_mem>>
    tpu.enqueue_indirect_dma source(%dma_start3A_39 : memref<10000x128xf32, #tpu.memory_space<hbm>>) target(%dma_start3A_33 : memref<128x128xf32, #tpu.memory_space<vmem>>) offsets(%dma_start3A_36 : memref<128xi32, #tpu.memory_space<vmem>>) semaphore(%dma_start3A_41 : memref<!tpu.dma_semaphore, #tpu.memory_space<semaphore_mem>>)
    %scan3A = arith.constant 0 : i32
    %scan3A_42 = arith.constant 0 : i32
    %scan3A_43 = arith.constant 19 : i32
    %scan3A_44 = arith.addi %scan3A_42, %scan3A_43 : i32
    %scan3A_45 = arith.constant 1 : i32
    scf.for %scan3A_164 = %scan3A_42 to %scan3A_44 step %scan3A_45  : i32 {
      %mul3A_165 = arith.constant 2 : i32
      %mul3A_166 = arith.muli %scan3A_164, %mul3A_165 : i32
      %add3A_167 = arith.constant 0 : i32
      %add3A_168 = arith.addi %mul3A_166, %add3A_167 : i32
      %dma_wait3A_169 = arith.constant 0 : i32
      %dma_wait3A_170 = arith.constant 0 : i32
      %dma_wait3A_171 = arith.constant 0 : i32
      %dma_wait3A_172 = arith.constant 0 : i32
      %dma_wait3A_173 = tpu.memref_slice %arg9[%dma_wait3A_169, %dma_wait3A_171, %dma_wait3A_172] : memref<2x128x128xf32, #tpu.memory_space<vmem>> -> memref<1x128x128xf32, #tpu.memory_space<vmem>>
      %dma_wait3A_174 = tpu.memref_squeeze %dma_wait3A_173 : memref<1x128x128xf32, #tpu.memory_space<vmem>> -> memref<128x128xf32, #tpu.memory_space<vmem>>
      %dma_wait3A_175 = arith.constant 0 : i32
      %dma_wait3A_176 = tpu.memref_slice %arg7[%add3A_168, %dma_wait3A_175] : memref<40x128xi32, #tpu.memory_space<vmem>> -> memref<1x128xi32, #tpu.memory_space<vmem>>
      %dma_wait3A_177 = tpu.memref_squeeze %dma_wait3A_176 : memref<1x128xi32, #tpu.memory_space<vmem>> -> memref<128xi32, #tpu.memory_space<vmem>>
      %dma_wait3A_178 = arith.constant 0 : i32
      %dma_wait3A_179 = arith.constant 0 : i32
      %dma_wait3A_180 = tpu.memref_slice %arg2[%dma_wait3A_178, %dma_wait3A_179] : memref<10000x128xf32, #tpu.memory_space<hbm>> -> memref<10000x128xf32, #tpu.memory_space<hbm>>
      %dma_wait3A_181 = tpu.memref_slice %arg11[%dma_wait3A_170] : memref<2x!tpu.dma_semaphore, #tpu.memory_space<semaphore_mem>> -> memref<1x!tpu.dma_semaphore, #tpu.memory_space<semaphore_mem>>
      %dma_wait3A_182 = tpu.memref_squeeze %dma_wait3A_181 : memref<1x!tpu.dma_semaphore, #tpu.memory_space<semaphore_mem>> -> memref<!tpu.dma_semaphore, #tpu.memory_space<semaphore_mem>>
      tpu.wait_indirect_dma semaphore(%dma_wait3A_182 : memref<!tpu.dma_semaphore, #tpu.memory_space<semaphore_mem>>) src(%dma_wait3A_180 : memref<10000x128xf32, #tpu.memory_space<hbm>>) dst(%dma_wait3A_174 : memref<128x128xf32, #tpu.memory_space<vmem>>)
      %run_scoped3A_183 = arith.constant 0 : i32
      "tpu.region"() ({
        %run_scoped3A_235 = tpu.sem_alloc : memref<!tpu.dma_semaphore, #tpu.memory_space<semaphore_mem>>
        %dma_start3A_236 = arith.constant 0 : i32
        %dma_start3A_237 = arith.constant 0 : i32
        %dma_start3A_238 = tpu.memref_slice %arg9[%run_scoped3A_183, %dma_start3A_236, %dma_start3A_237] : memref<2x128x128xf32, #tpu.memory_space<vmem>> -> memref<1x128x128xf32, #tpu.memory_space<vmem>>
        %dma_start3A_239 = tpu.memref_squeeze %dma_start3A_238 : memref<1x128x128xf32, #tpu.memory_space<vmem>> -> memref<128x128xf32, #tpu.memory_space<vmem>>
        %dma_start3A_240 = arith.constant 0 : i32
        %dma_start3A_241 = tpu.memref_slice %arg8[%add3A_168, %dma_start3A_240] : memref<40x128xi32, #tpu.memory_space<vmem>> -> memref<1x128xi32, #tpu.memory_space<vmem>>
        %dma_start3A_242 = tpu.memref_squeeze %dma_start3A_241 : memref<1x128xi32, #tpu.memory_space<vmem>> -> memref<128xi32, #tpu.memory_space<vmem>>
        %dma_start3A_243 = arith.constant 0 : i32
        %dma_start3A_244 = arith.constant 0 : i32
        %dma_start3A_245 = tpu.memref_slice %arg10[%dma_start3A_243, %dma_start3A_244] : memref<10112x128xf32, #tpu.memory_space<vmem_shared>> -> memref<10112x128xf32, #tpu.memory_space<vmem_shared>>
        tpu.enqueue_indirect_dma source(%dma_start3A_239 : memref<128x128xf32, #tpu.memory_space<vmem>>) target(%dma_start3A_245 : memref<10112x128xf32, #tpu.memory_space<vmem_shared>>) offsets(%dma_start3A_242 : memref<128xi32, #tpu.memory_space<vmem>>) semaphore(%run_scoped3A_235 : memref<!tpu.dma_semaphore, #tpu.memory_space<semaphore_mem>>) {add = true}
        %dma_wait3A_246 = arith.constant 0 : i32
        %dma_wait3A_247 = arith.constant 0 : i32
        %dma_wait3A_248 = tpu.memref_slice %arg9[%run_scoped3A_183, %dma_wait3A_246, %dma_wait3A_247] : memref<2x128x128xf32, #tpu.memory_space<vmem>> -> memref<1x128x128xf32, #tpu.memory_space<vmem>>
        %dma_wait3A_249 = tpu.memref_squeeze %dma_wait3A_248 : memref<1x128x128xf32, #tpu.memory_space<vmem>> -> memref<128x128xf32, #tpu.memory_space<vmem>>
        %dma_wait3A_250 = arith.constant 0 : i32
        %dma_wait3A_251 = tpu.memref_slice %arg8[%add3A_168, %dma_wait3A_250] : memref<40x128xi32, #tpu.memory_space<vmem>> -> memref<1x128xi32, #tpu.memory_space<vmem>>
        %dma_wait3A_252 = tpu.memref_squeeze %dma_wait3A_251 : memref<1x128xi32, #tpu.memory_space<vmem>> -> memref<128xi32, #tpu.memory_space<vmem>>
        %dma_wait3A_253 = arith.constant 0 : i32
        %dma_wait3A_254 = arith.constant 0 : i32
        %dma_wait3A_255 = tpu.memref_slice %arg10[%dma_wait3A_253, %dma_wait3A_254] : memref<10112x128xf32, #tpu.memory_space<vmem_shared>> -> memref<10112x128xf32, #tpu.memory_space<vmem_shared>>
        tpu.wait_indirect_dma semaphore(%run_scoped3A_235 : memref<!tpu.dma_semaphore, #tpu.memory_space<semaphore_mem>>) src(%dma_wait3A_249 : memref<128x128xf32, #tpu.memory_space<vmem>>) dst(%dma_wait3A_255 : memref<10112x128xf32, #tpu.memory_space<vmem_shared>>)
        tpu.yield
      }) : () -> ()
      %add3A_184 = arith.constant 2 : i32
      %add3A_185 = arith.addi %add3A_168, %add3A_184 : i32
      %dma_start3A_186 = arith.constant 0 : i32
      %dma_start3A_187 = arith.constant 0 : i32
      %dma_start3A_188 = arith.constant 0 : i32
      %dma_start3A_189 = arith.constant 0 : i32
      %dma_start3A_190 = tpu.memref_slice %arg9[%dma_start3A_186, %dma_start3A_188, %dma_start3A_189] : memref<2x128x128xf32, #tpu.memory_space<vmem>> -> memref<1x128x128xf32, #tpu.memory_space<vmem>>
      %dma_start3A_191 = tpu.memref_squeeze %dma_start3A_190 : memref<1x128x128xf32, #tpu.memory_space<vmem>> -> memref<128x128xf32, #tpu.memory_space<vmem>>
      %dma_start3A_192 = arith.constant 0 : i32
      %dma_start3A_193 = tpu.memref_slice %arg7[%add3A_185, %dma_start3A_192] : memref<40x128xi32, #tpu.memory_space<vmem>> -> memref<1x128xi32, #tpu.memory_space<vmem>>
      %dma_start3A_194 = tpu.memref_squeeze %dma_start3A_193 : memref<1x128xi32, #tpu.memory_space<vmem>> -> memref<128xi32, #tpu.memory_space<vmem>>
      %dma_start3A_195 = arith.constant 0 : i32
      %dma_start3A_196 = arith.constant 0 : i32
      %dma_start3A_197 = tpu.memref_slice %arg2[%dma_start3A_195, %dma_start3A_196] : memref<10000x128xf32, #tpu.memory_space<hbm>> -> memref<10000x128xf32, #tpu.memory_space<hbm>>
      %dma_start3A_198 = tpu.memref_slice %arg11[%dma_start3A_187] : memref<2x!tpu.dma_semaphore, #tpu.memory_space<semaphore_mem>> -> memref<1x!tpu.dma_semaphore, #tpu.memory_space<semaphore_mem>>
      %dma_start3A_199 = tpu.memref_squeeze %dma_start3A_198 : memref<1x!tpu.dma_semaphore, #tpu.memory_space<semaphore_mem>> -> memref<!tpu.dma_semaphore, #tpu.memory_space<semaphore_mem>>
      tpu.enqueue_indirect_dma source(%dma_start3A_197 : memref<10000x128xf32, #tpu.memory_space<hbm>>) target(%dma_start3A_191 : memref<128x128xf32, #tpu.memory_space<vmem>>) offsets(%dma_start3A_194 : memref<128xi32, #tpu.memory_space<vmem>>) semaphore(%dma_start3A_199 : memref<!tpu.dma_semaphore, #tpu.memory_space<semaphore_mem>>)
      %mul3A_200 = arith.constant 2 : i32
      %mul3A_201 = arith.muli %scan3A_164, %mul3A_200 : i32
      %add3A_202 = arith.constant 1 : i32
      %add3A_203 = arith.addi %mul3A_201, %add3A_202 : i32
      %dma_wait3A_204 = arith.constant 1 : i32
      %dma_wait3A_205 = arith.constant 1 : i32
      %dma_wait3A_206 = arith.constant 0 : i32
      %dma_wait3A_207 = arith.constant 0 : i32
      %dma_wait3A_208 = tpu.memref_slice %arg9[%dma_wait3A_204, %dma_wait3A_206, %dma_wait3A_207] : memref<2x128x128xf32, #tpu.memory_space<vmem>> -> memref<1x128x128xf32, #tpu.memory_space<vmem>>
      %dma_wait3A_209 = tpu.memref_squeeze %dma_wait3A_208 : memref<1x128x128xf32, #tpu.memory_space<vmem>> -> memref<128x128xf32, #tpu.memory_space<vmem>>
      %dma_wait3A_210 = arith.constant 0 : i32
      %dma_wait3A_211 = tpu.memref_slice %arg7[%add3A_203, %dma_wait3A_210] : memref<40x128xi32, #tpu.memory_space<vmem>> -> memref<1x128xi32, #tpu.memory_space<vmem>>
      %dma_wait3A_212 = tpu.memref_squeeze %dma_wait3A_211 : memref<1x128xi32, #tpu.memory_space<vmem>> -> memref<128xi32, #tpu.memory_space<vmem>>
      %dma_wait3A_213 = arith.constant 0 : i32
      %dma_wait3A_214 = arith.constant 0 : i32
      %dma_wait3A_215 = tpu.memref_slice %arg2[%dma_wait3A_213, %dma_wait3A_214] : memref<10000x128xf32, #tpu.memory_space<hbm>> -> memref<10000x128xf32, #tpu.memory_space<hbm>>
      %dma_wait3A_216 = tpu.memref_slice %arg11[%dma_wait3A_205] : memref<2x!tpu.dma_semaphore, #tpu.memory_space<semaphore_mem>> -> memref<1x!tpu.dma_semaphore, #tpu.memory_space<semaphore_mem>>
      %dma_wait3A_217 = tpu.memref_squeeze %dma_wait3A_216 : memref<1x!tpu.dma_semaphore, #tpu.memory_space<semaphore_mem>> -> memref<!tpu.dma_semaphore, #tpu.memory_space<semaphore_mem>>
      tpu.wait_indirect_dma semaphore(%dma_wait3A_217 : memref<!tpu.dma_semaphore, #tpu.memory_space<semaphore_mem>>) src(%dma_wait3A_215 : memref<10000x128xf32, #tpu.memory_space<hbm>>) dst(%dma_wait3A_209 : memref<128x128xf32, #tpu.memory_space<vmem>>)
      %run_scoped3A_218 = arith.constant 1 : i32
      "tpu.region"() ({
        %run_scoped3A_235 = tpu.sem_alloc : memref<!tpu.dma_semaphore, #tpu.memory_space<semaphore_mem>>
        %dma_start3A_236 = arith.constant 0 : i32
        %dma_start3A_237 = arith.constant 0 : i32
        %dma_start3A_238 = tpu.memref_slice %arg9[%run_scoped3A_218, %dma_start3A_236, %dma_start3A_237] : memref<2x128x128xf32, #tpu.memory_space<vmem>> -> memref<1x128x128xf32, #tpu.memory_space<vmem>>
        %dma_start3A_239 = tpu.memref_squeeze %dma_start3A_238 : memref<1x128x128xf32, #tpu.memory_space<vmem>> -> memref<128x128xf32, #tpu.memory_space<vmem>>
        %dma_start3A_240 = arith.constant 0 : i32
        %dma_start3A_241 = tpu.memref_slice %arg8[%add3A_203, %dma_start3A_240] : memref<40x128xi32, #tpu.memory_space<vmem>> -> memref<1x128xi32, #tpu.memory_space<vmem>>
        %dma_start3A_242 = tpu.memref_squeeze %dma_start3A_241 : memref<1x128xi32, #tpu.memory_space<vmem>> -> memref<128xi32, #tpu.memory_space<vmem>>
        %dma_start3A_243 = arith.constant 0 : i32
        %dma_start3A_244 = arith.constant 0 : i32
        %dma_start3A_245 = tpu.memref_slice %arg10[%dma_start3A_243, %dma_start3A_244] : memref<10112x128xf32, #tpu.memory_space<vmem_shared>> -> memref<10112x128xf32, #tpu.memory_space<vmem_shared>>
        tpu.enqueue_indirect_dma source(%dma_start3A_239 : memref<128x128xf32, #tpu.memory_space<vmem>>) target(%dma_start3A_245 : memref<10112x128xf32, #tpu.memory_space<vmem_shared>>) offsets(%dma_start3A_242 : memref<128xi32, #tpu.memory_space<vmem>>) semaphore(%run_scoped3A_235 : memref<!tpu.dma_semaphore, #tpu.memory_space<semaphore_mem>>) {add = true}
        %dma_wait3A_246 = arith.constant 0 : i32
        %dma_wait3A_247 = arith.constant 0 : i32
        %dma_wait3A_248 = tpu.memref_slice %arg9[%run_scoped3A_218, %dma_wait3A_246, %dma_wait3A_247] : memref<2x128x128xf32, #tpu.memory_space<vmem>> -> memref<1x128x128xf32, #tpu.memory_space<vmem>>
        %dma_wait3A_249 = tpu.memref_squeeze %dma_wait3A_248 : memref<1x128x128xf32, #tpu.memory_space<vmem>> -> memref<128x128xf32, #tpu.memory_space<vmem>>
        %dma_wait3A_250 = arith.constant 0 : i32
        %dma_wait3A_251 = tpu.memref_slice %arg8[%add3A_203, %dma_wait3A_250] : memref<40x128xi32, #tpu.memory_space<vmem>> -> memref<1x128xi32, #tpu.memory_space<vmem>>
        %dma_wait3A_252 = tpu.memref_squeeze %dma_wait3A_251 : memref<1x128xi32, #tpu.memory_space<vmem>> -> memref<128xi32, #tpu.memory_space<vmem>>
        %dma_wait3A_253 = arith.constant 0 : i32
        %dma_wait3A_254 = arith.constant 0 : i32
        %dma_wait3A_255 = tpu.memref_slice %arg10[%dma_wait3A_253, %dma_wait3A_254] : memref<10112x128xf32, #tpu.memory_space<vmem_shared>> -> memref<10112x128xf32, #tpu.memory_space<vmem_shared>>
        tpu.wait_indirect_dma semaphore(%run_scoped3A_235 : memref<!tpu.dma_semaphore, #tpu.memory_space<semaphore_mem>>) src(%dma_wait3A_249 : memref<128x128xf32, #tpu.memory_space<vmem>>) dst(%dma_wait3A_255 : memref<10112x128xf32, #tpu.memory_space<vmem_shared>>)
        tpu.yield
      }) : () -> ()
      %add3A_219 = arith.constant 2 : i32
      %add3A_220 = arith.addi %add3A_203, %add3A_219 : i32
      %dma_start3A_221 = arith.constant 1 : i32
      %dma_start3A_222 = arith.constant 1 : i32
      %dma_start3A_223 = arith.constant 0 : i32
      %dma_start3A_224 = arith.constant 0 : i32
      %dma_start3A_225 = tpu.memref_slice %arg9[%dma_start3A_221, %dma_start3A_223, %dma_start3A_224] : memref<2x128x128xf32, #tpu.memory_space<vmem>> -> memref<1x128x128xf32, #tpu.memory_space<vmem>>
      %dma_start3A_226 = tpu.memref_squeeze %dma_start3A_225 : memref<1x128x128xf32, #tpu.memory_space<vmem>> -> memref<128x128xf32, #tpu.memory_space<vmem>>
      %dma_start3A_227 = arith.constant 0 : i32
      %dma_start3A_228 = tpu.memref_slice %arg7[%add3A_220, %dma_start3A_227] : memref<40x128xi32, #tpu.memory_space<vmem>> -> memref<1x128xi32, #tpu.memory_space<vmem>>
      %dma_start3A_229 = tpu.memref_squeeze %dma_start3A_228 : memref<1x128xi32, #tpu.memory_space<vmem>> -> memref<128xi32, #tpu.memory_space<vmem>>
      %dma_start3A_230 = arith.constant 0 : i32
      %dma_start3A_231 = arith.constant 0 : i32
      %dma_start3A_232 = tpu.memref_slice %arg2[%dma_start3A_230, %dma_start3A_231] : memref<10000x128xf32, #tpu.memory_space<hbm>> -> memref<10000x128xf32, #tpu.memory_space<hbm>>
      %dma_start3A_233 = tpu.memref_slice %arg11[%dma_start3A_222] : memref<2x!tpu.dma_semaphore, #tpu.memory_space<semaphore_mem>> -> memref<1x!tpu.dma_semaphore, #tpu.memory_space<semaphore_mem>>
      %dma_start3A_234 = tpu.memref_squeeze %dma_start3A_233 : memref<1x!tpu.dma_semaphore, #tpu.memory_space<semaphore_mem>> -> memref<!tpu.dma_semaphore, #tpu.memory_space<semaphore_mem>>
      tpu.enqueue_indirect_dma source(%dma_start3A_232 : memref<10000x128xf32, #tpu.memory_space<hbm>>) target(%dma_start3A_226 : memref<128x128xf32, #tpu.memory_space<vmem>>) offsets(%dma_start3A_229 : memref<128xi32, #tpu.memory_space<vmem>>) semaphore(%dma_start3A_234 : memref<!tpu.dma_semaphore, #tpu.memory_space<semaphore_mem>>)
    }
    %scan3A_46 = arith.constant 19 : i32
    %dma_wait3A = arith.constant 38 : i32
    %dma_wait3A_47 = arith.constant 0 : i32
    %dma_wait3A_48 = arith.constant 0 : i32
    %dma_wait3A_49 = arith.constant 0 : i32
    %dma_wait3A_50 = arith.constant 0 : i32
    %dma_wait3A_51 = tpu.memref_slice %arg9[%dma_wait3A_47, %dma_wait3A_49, %dma_wait3A_50] : memref<2x128x128xf32, #tpu.memory_space<vmem>> -> memref<1x128x128xf32, #tpu.memory_space<vmem>>
    %dma_wait3A_52 = tpu.memref_squeeze %dma_wait3A_51 : memref<1x128x128xf32, #tpu.memory_space<vmem>> -> memref<128x128xf32, #tpu.memory_space<vmem>>
    %dma_wait3A_53 = arith.constant 0 : i32
    %dma_wait3A_54 = tpu.memref_slice %arg7[%dma_wait3A, %dma_wait3A_53] : memref<40x128xi32, #tpu.memory_space<vmem>> -> memref<1x128xi32, #tpu.memory_space<vmem>>
    %dma_wait3A_55 = tpu.memref_squeeze %dma_wait3A_54 : memref<1x128xi32, #tpu.memory_space<vmem>> -> memref<128xi32, #tpu.memory_space<vmem>>
    %dma_wait3A_56 = arith.constant 0 : i32
    %dma_wait3A_57 = arith.constant 0 : i32
    %dma_wait3A_58 = tpu.memref_slice %arg2[%dma_wait3A_56, %dma_wait3A_57] : memref<10000x128xf32, #tpu.memory_space<hbm>> -> memref<10000x128xf32, #tpu.memory_space<hbm>>
    %dma_wait3A_59 = tpu.memref_slice %arg11[%dma_wait3A_48] : memref<2x!tpu.dma_semaphore, #tpu.memory_space<semaphore_mem>> -> memref<1x!tpu.dma_semaphore, #tpu.memory_space<semaphore_mem>>
    %dma_wait3A_60 = tpu.memref_squeeze %dma_wait3A_59 : memref<1x!tpu.dma_semaphore, #tpu.memory_space<semaphore_mem>> -> memref<!tpu.dma_semaphore, #tpu.memory_space<semaphore_mem>>
    tpu.wait_indirect_dma semaphore(%dma_wait3A_60 : memref<!tpu.dma_semaphore, #tpu.memory_space<semaphore_mem>>) src(%dma_wait3A_58 : memref<10000x128xf32, #tpu.memory_space<hbm>>) dst(%dma_wait3A_52 : memref<128x128xf32, #tpu.memory_space<vmem>>)
    %run_scoped3A = arith.constant 0 : i32
    %run_scoped3A_61 = arith.constant 38 : i32
    "tpu.region"() ({
      %run_scoped3A_164 = tpu.sem_alloc : memref<!tpu.dma_semaphore, #tpu.memory_space<semaphore_mem>>
      %dma_start3A_165 = arith.constant 0 : i32
      %dma_start3A_166 = arith.constant 0 : i32
      %dma_start3A_167 = tpu.memref_slice %arg9[%run_scoped3A, %dma_start3A_165, %dma_start3A_166] : memref<2x128x128xf32, #tpu.memory_space<vmem>> -> memref<1x128x128xf32, #tpu.memory_space<vmem>>
      %dma_start3A_168 = tpu.memref_squeeze %dma_start3A_167 : memref<1x128x128xf32, #tpu.memory_space<vmem>> -> memref<128x128xf32, #tpu.memory_space<vmem>>
      %dma_start3A_169 = arith.constant 0 : i32
      %dma_start3A_170 = tpu.memref_slice %arg8[%run_scoped3A_61, %dma_start3A_169] : memref<40x128xi32, #tpu.memory_space<vmem>> -> memref<1x128xi32, #tpu.memory_space<vmem>>
      %dma_start3A_171 = tpu.memref_squeeze %dma_start3A_170 : memref<1x128xi32, #tpu.memory_space<vmem>> -> memref<128xi32, #tpu.memory_space<vmem>>
      %dma_start3A_172 = arith.constant 0 : i32
      %dma_start3A_173 = arith.constant 0 : i32
      %dma_start3A_174 = tpu.memref_slice %arg10[%dma_start3A_172, %dma_start3A_173] : memref<10112x128xf32, #tpu.memory_space<vmem_shared>> -> memref<10112x128xf32, #tpu.memory_space<vmem_shared>>
      tpu.enqueue_indirect_dma source(%dma_start3A_168 : memref<128x128xf32, #tpu.memory_space<vmem>>) target(%dma_start3A_174 : memref<10112x128xf32, #tpu.memory_space<vmem_shared>>) offsets(%dma_start3A_171 : memref<128xi32, #tpu.memory_space<vmem>>) semaphore(%run_scoped3A_164 : memref<!tpu.dma_semaphore, #tpu.memory_space<semaphore_mem>>) {add = true}
      %dma_wait3A_175 = arith.constant 0 : i32
      %dma_wait3A_176 = arith.constant 0 : i32
      %dma_wait3A_177 = tpu.memref_slice %arg9[%run_scoped3A, %dma_wait3A_175, %dma_wait3A_176] : memref<2x128x128xf32, #tpu.memory_space<vmem>> -> memref<1x128x128xf32, #tpu.memory_space<vmem>>
      %dma_wait3A_178 = tpu.memref_squeeze %dma_wait3A_177 : memref<1x128x128xf32, #tpu.memory_space<vmem>> -> memref<128x128xf32, #tpu.memory_space<vmem>>
      %dma_wait3A_179 = arith.constant 0 : i32
      %dma_wait3A_180 = tpu.memref_slice %arg8[%run_scoped3A_61, %dma_wait3A_179] : memref<40x128xi32, #tpu.memory_space<vmem>> -> memref<1x128xi32, #tpu.memory_space<vmem>>
      %dma_wait3A_181 = tpu.memref_squeeze %dma_wait3A_180 : memref<1x128xi32, #tpu.memory_space<vmem>> -> memref<128xi32, #tpu.memory_space<vmem>>
      %dma_wait3A_182 = arith.constant 0 : i32
      %dma_wait3A_183 = arith.constant 0 : i32
      %dma_wait3A_184 = tpu.memref_slice %arg10[%dma_wait3A_182, %dma_wait3A_183] : memref<10112x128xf32, #tpu.memory_space<vmem_shared>> -> memref<10112x128xf32, #tpu.memory_space<vmem_shared>>
      tpu.wait_indirect_dma semaphore(%run_scoped3A_164 : memref<!tpu.dma_semaphore, #tpu.memory_space<semaphore_mem>>) src(%dma_wait3A_178 : memref<128x128xf32, #tpu.memory_space<vmem>>) dst(%dma_wait3A_184 : memref<10112x128xf32, #tpu.memory_space<vmem_shared>>)
      tpu.yield
    }) : () -> ()
    %dma_wait3A_62 = arith.constant 39 : i32
    %dma_wait3A_63 = arith.constant 1 : i32
    %dma_wait3A_64 = arith.constant 1 : i32
    %dma_wait3A_65 = arith.constant 0 : i32
    %dma_wait3A_66 = arith.constant 0 : i32
    %dma_wait3A_67 = tpu.memref_slice %arg9[%dma_wait3A_63, %dma_wait3A_65, %dma_wait3A_66] : memref<2x128x128xf32, #tpu.memory_space<vmem>> -> memref<1x128x128xf32, #tpu.memory_space<vmem>>
    %dma_wait3A_68 = tpu.memref_squeeze %dma_wait3A_67 : memref<1x128x128xf32, #tpu.memory_space<vmem>> -> memref<128x128xf32, #tpu.memory_space<vmem>>
    %dma_wait3A_69 = arith.constant 0 : i32
    %dma_wait3A_70 = tpu.memref_slice %arg7[%dma_wait3A_62, %dma_wait3A_69] : memref<40x128xi32, #tpu.memory_space<vmem>> -> memref<1x128xi32, #tpu.memory_space<vmem>>
    %dma_wait3A_71 = tpu.memref_squeeze %dma_wait3A_70 : memref<1x128xi32, #tpu.memory_space<vmem>> -> memref<128xi32, #tpu.memory_space<vmem>>
    %dma_wait3A_72 = arith.constant 0 : i32
    %dma_wait3A_73 = arith.constant 0 : i32
    %dma_wait3A_74 = tpu.memref_slice %arg2[%dma_wait3A_72, %dma_wait3A_73] : memref<10000x128xf32, #tpu.memory_space<hbm>> -> memref<10000x128xf32, #tpu.memory_space<hbm>>
    %dma_wait3A_75 = tpu.memref_slice %arg11[%dma_wait3A_64] : memref<2x!tpu.dma_semaphore, #tpu.memory_space<semaphore_mem>> -> memref<1x!tpu.dma_semaphore, #tpu.memory_space<semaphore_mem>>
    %dma_wait3A_76 = tpu.memref_squeeze %dma_wait3A_75 : memref<1x!tpu.dma_semaphore, #tpu.memory_space<semaphore_mem>> -> memref<!tpu.dma_semaphore, #tpu.memory_space<semaphore_mem>>
    tpu.wait_indirect_dma semaphore(%dma_wait3A_76 : memref<!tpu.dma_semaphore, #tpu.memory_space<semaphore_mem>>) src(%dma_wait3A_74 : memref<10000x128xf32, #tpu.memory_space<hbm>>) dst(%dma_wait3A_68 : memref<128x128xf32, #tpu.memory_space<vmem>>)
    %run_scoped3A_77 = arith.constant 1 : i32
    %run_scoped3A_78 = arith.constant 39 : i32
    "tpu.region"() ({
      %run_scoped3A_164 = tpu.sem_alloc : memref<!tpu.dma_semaphore, #tpu.memory_space<semaphore_mem>>
      %dma_start3A_165 = arith.constant 0 : i32
      %dma_start3A_166 = arith.constant 0 : i32
      %dma_start3A_167 = tpu.memref_slice %arg9[%run_scoped3A_77, %dma_start3A_165, %dma_start3A_166] : memref<2x128x128xf32, #tpu.memory_space<vmem>> -> memref<1x128x128xf32, #tpu.memory_space<vmem>>
      %dma_start3A_168 = tpu.memref_squeeze %dma_start3A_167 : memref<1x128x128xf32, #tpu.memory_space<vmem>> -> memref<128x128xf32, #tpu.memory_space<vmem>>
      %dma_start3A_169 = arith.constant 0 : i32
      %dma_start3A_170 = tpu.memref_slice %arg8[%run_scoped3A_78, %dma_start3A_169] : memref<40x128xi32, #tpu.memory_space<vmem>> -> memref<1x128xi32, #tpu.memory_space<vmem>>
      %dma_start3A_171 = tpu.memref_squeeze %dma_start3A_170 : memref<1x128xi32, #tpu.memory_space<vmem>> -> memref<128xi32, #tpu.memory_space<vmem>>
      %dma_start3A_172 = arith.constant 0 : i32
      %dma_start3A_173 = arith.constant 0 : i32
      %dma_start3A_174 = tpu.memref_slice %arg10[%dma_start3A_172, %dma_start3A_173] : memref<10112x128xf32, #tpu.memory_space<vmem_shared>> -> memref<10112x128xf32, #tpu.memory_space<vmem_shared>>
      tpu.enqueue_indirect_dma source(%dma_start3A_168 : memref<128x128xf32, #tpu.memory_space<vmem>>) target(%dma_start3A_174 : memref<10112x128xf32, #tpu.memory_space<vmem_shared>>) offsets(%dma_start3A_171 : memref<128xi32, #tpu.memory_space<vmem>>) semaphore(%run_scoped3A_164 : memref<!tpu.dma_semaphore, #tpu.memory_space<semaphore_mem>>) {add = true}
      %dma_wait3A_175 = arith.constant 0 : i32
      %dma_wait3A_176 = arith.constant 0 : i32
      %dma_wait3A_177 = tpu.memref_slice %arg9[%run_scoped3A_77, %dma_wait3A_175, %dma_wait3A_176] : memref<2x128x128xf32, #tpu.memory_space<vmem>> -> memref<1x128x128xf32, #tpu.memory_space<vmem>>
      %dma_wait3A_178 = tpu.memref_squeeze %dma_wait3A_177 : memref<1x128x128xf32, #tpu.memory_space<vmem>> -> memref<128x128xf32, #tpu.memory_space<vmem>>
      %dma_wait3A_179 = arith.constant 0 : i32
      %dma_wait3A_180 = tpu.memref_slice %arg8[%run_scoped3A_78, %dma_wait3A_179] : memref<40x128xi32, #tpu.memory_space<vmem>> -> memref<1x128xi32, #tpu.memory_space<vmem>>
      %dma_wait3A_181 = tpu.memref_squeeze %dma_wait3A_180 : memref<1x128xi32, #tpu.memory_space<vmem>> -> memref<128xi32, #tpu.memory_space<vmem>>
      %dma_wait3A_182 = arith.constant 0 : i32
      %dma_wait3A_183 = arith.constant 0 : i32
      %dma_wait3A_184 = tpu.memref_slice %arg10[%dma_wait3A_182, %dma_wait3A_183] : memref<10112x128xf32, #tpu.memory_space<vmem_shared>> -> memref<10112x128xf32, #tpu.memory_space<vmem_shared>>
      tpu.wait_indirect_dma semaphore(%run_scoped3A_164 : memref<!tpu.dma_semaphore, #tpu.memory_space<semaphore_mem>>) src(%dma_wait3A_178 : memref<128x128xf32, #tpu.memory_space<vmem>>) dst(%dma_wait3A_184 : memref<10112x128xf32, #tpu.memory_space<vmem_shared>>)
      tpu.yield
    }) : () -> ()
    %mul3A_79 = arith.constant 80 : i32
    %mul3A_80 = arith.muli %add3A, %mul3A_79 : i32
    %add3A_81 = arith.constant 40 : i32
    %add3A_82 = arith.addi %mul3A_80, %add3A_81 : i32
    "tpu.region"() ({
      %run_scoped3A_164 = tpu.sem_alloc : memref<!tpu.dma_semaphore, #tpu.memory_space<semaphore_mem>>
      %dma_start3A_165 = arith.constant 0 : i32
      %dma_start3A_166 = tpu.memref_slice %arg3[%add3A_82, %dma_start3A_165] : memref<2560x128xi32, #tpu.memory_space<hbm>> -> memref<40x128xi32, #tpu.memory_space<hbm>>
      %dma_start3A_167 = arith.constant 0 : i32
      %dma_start3A_168 = tpu.memref_slice %arg3[%add3A_82, %dma_start3A_167] : memref<2560x128xi32, #tpu.memory_space<hbm>> -> memref<40x128xi32, #tpu.memory_space<hbm>>
      tpu.enqueue_dma source(%dma_start3A_168 : memref<40x128xi32, #tpu.memory_space<hbm>>) target(%arg7 : memref<40x128xi32, #tpu.memory_space<vmem>>) target_semaphore(%run_scoped3A_164 : memref<!tpu.dma_semaphore, #tpu.memory_space<semaphore_mem>>)
      %dma_wait3A_169 = arith.constant 0 : i32
      %dma_wait3A_170 = tpu.memref_slice %arg3[%add3A_82, %dma_wait3A_169] : memref<2560x128xi32, #tpu.memory_space<hbm>> -> memref<40x128xi32, #tpu.memory_space<hbm>>
      %dma_wait3A_171 = arith.constant 0 : i32
      %dma_wait3A_172 = tpu.memref_slice %arg3[%add3A_82, %dma_wait3A_171] : memref<2560x128xi32, #tpu.memory_space<hbm>> -> memref<40x128xi32, #tpu.memory_space<hbm>>
      tpu.wait_dma2 semaphore(%run_scoped3A_164 : memref<!tpu.dma_semaphore, #tpu.memory_space<semaphore_mem>>) src(%dma_wait3A_172 : memref<40x128xi32, #tpu.memory_space<hbm>>) dst(%arg7 : memref<40x128xi32, #tpu.memory_space<vmem>>)
      tpu.yield
    }) : () -> ()
    %mul3A_83 = arith.constant 80 : i32
    %mul3A_84 = arith.muli %add3A, %mul3A_83 : i32
    %add3A_85 = arith.constant 40 : i32
    %add3A_86 = arith.addi %mul3A_84, %add3A_85 : i32
    "tpu.region"() ({
      %run_scoped3A_164 = tpu.sem_alloc : memref<!tpu.dma_semaphore, #tpu.memory_space<semaphore_mem>>
      %dma_start3A_165 = arith.constant 0 : i32
      %dma_start3A_166 = tpu.memref_slice %arg4[%add3A_86, %dma_start3A_165] : memref<2560x128xi32, #tpu.memory_space<hbm>> -> memref<40x128xi32, #tpu.memory_space<hbm>>
      %dma_start3A_167 = arith.constant 0 : i32
      %dma_start3A_168 = tpu.memref_slice %arg4[%add3A_86, %dma_start3A_167] : memref<2560x128xi32, #tpu.memory_space<hbm>> -> memref<40x128xi32, #tpu.memory_space<hbm>>
      tpu.enqueue_dma source(%dma_start3A_168 : memref<40x128xi32, #tpu.memory_space<hbm>>) target(%arg8 : memref<40x128xi32, #tpu.memory_space<vmem>>) target_semaphore(%run_scoped3A_164 : memref<!tpu.dma_semaphore, #tpu.memory_space<semaphore_mem>>)
      %dma_wait3A_169 = arith.constant 0 : i32
      %dma_wait3A_170 = tpu.memref_slice %arg4[%add3A_86, %dma_wait3A_169] : memref<2560x128xi32, #tpu.memory_space<hbm>> -> memref<40x128xi32, #tpu.memory_space<hbm>>
      %dma_wait3A_171 = arith.constant 0 : i32
      %dma_wait3A_172 = tpu.memref_slice %arg4[%add3A_86, %dma_wait3A_171] : memref<2560x128xi32, #tpu.memory_space<hbm>> -> memref<40x128xi32, #tpu.memory_space<hbm>>
      tpu.wait_dma2 semaphore(%run_scoped3A_164 : memref<!tpu.dma_semaphore, #tpu.memory_space<semaphore_mem>>) src(%dma_wait3A_172 : memref<40x128xi32, #tpu.memory_space<hbm>>) dst(%arg8 : memref<40x128xi32, #tpu.memory_space<vmem>>)
      tpu.yield
    }) : () -> ()
    %dma_start3A_87 = arith.constant 0 : i32
    %dma_start3A_88 = arith.constant 0 : i32
    %dma_start3A_89 = arith.constant 0 : i32
    %dma_start3A_90 = arith.constant 0 : i32
    %dma_start3A_91 = arith.constant 0 : i32
    %dma_start3A_92 = tpu.memref_slice %arg9[%dma_start3A_88, %dma_start3A_90, %dma_start3A_91] : memref<2x128x128xf32, #tpu.memory_space<vmem>> -> memref<1x128x128xf32, #tpu.memory_space<vmem>>
    %dma_start3A_93 = tpu.memref_squeeze %dma_start3A_92 : memref<1x128x128xf32, #tpu.memory_space<vmem>> -> memref<128x128xf32, #tpu.memory_space<vmem>>
    %dma_start3A_94 = arith.constant 0 : i32
    %dma_start3A_95 = tpu.memref_slice %arg7[%dma_start3A_87, %dma_start3A_94] : memref<40x128xi32, #tpu.memory_space<vmem>> -> memref<1x128xi32, #tpu.memory_space<vmem>>
    %dma_start3A_96 = tpu.memref_squeeze %dma_start3A_95 : memref<1x128xi32, #tpu.memory_space<vmem>> -> memref<128xi32, #tpu.memory_space<vmem>>
    %dma_start3A_97 = arith.constant 0 : i32
    %dma_start3A_98 = arith.constant 0 : i32
    %dma_start3A_99 = tpu.memref_slice %arg2[%dma_start3A_97, %dma_start3A_98] : memref<10000x128xf32, #tpu.memory_space<hbm>> -> memref<10000x128xf32, #tpu.memory_space<hbm>>
    %dma_start3A_100 = tpu.memref_slice %arg11[%dma_start3A_89] : memref<2x!tpu.dma_semaphore, #tpu.memory_space<semaphore_mem>> -> memref<1x!tpu.dma_semaphore, #tpu.memory_space<semaphore_mem>>
    %dma_start3A_101 = tpu.memref_squeeze %dma_start3A_100 : memref<1x!tpu.dma_semaphore, #tpu.memory_space<semaphore_mem>> -> memref<!tpu.dma_semaphore, #tpu.memory_space<semaphore_mem>>
    tpu.enqueue_indirect_dma source(%dma_start3A_99 : memref<10000x128xf32, #tpu.memory_space<hbm>>) target(%dma_start3A_93 : memref<128x128xf32, #tpu.memory_space<vmem>>) offsets(%dma_start3A_96 : memref<128xi32, #tpu.memory_space<vmem>>) semaphore(%dma_start3A_101 : memref<!tpu.dma_semaphore, #tpu.memory_space<semaphore_mem>>)
    %dma_start3A_102 = arith.constant 1 : i32
    %dma_start3A_103 = arith.constant 1 : i32
    %dma_start3A_104 = arith.constant 1 : i32
    %dma_start3A_105 = arith.constant 0 : i32
    %dma_start3A_106 = arith.constant 0 : i32
    %dma_start3A_107 = tpu.memref_slice %arg9[%dma_start3A_103, %dma_start3A_105, %dma_start3A_106] : memref<2x128x128xf32, #tpu.memory_space<vmem>> -> memref<1x128x128xf32, #tpu.memory_space<vmem>>
    %dma_start3A_108 = tpu.memref_squeeze %dma_start3A_107 : memref<1x128x128xf32, #tpu.memory_space<vmem>> -> memref<128x128xf32, #tpu.memory_space<vmem>>
    %dma_start3A_109 = arith.constant 0 : i32
    %dma_start3A_110 = tpu.memref_slice %arg7[%dma_start3A_102, %dma_start3A_109] : memref<40x128xi32, #tpu.memory_space<vmem>> -> memref<1x128xi32, #tpu.memory_space<vmem>>
    %dma_start3A_111 = tpu.memref_squeeze %dma_start3A_110 : memref<1x128xi32, #tpu.memory_space<vmem>> -> memref<128xi32, #tpu.memory_space<vmem>>
    %dma_start3A_112 = arith.constant 0 : i32
    %dma_start3A_113 = arith.constant 0 : i32
    %dma_start3A_114 = tpu.memref_slice %arg2[%dma_start3A_112, %dma_start3A_113] : memref<10000x128xf32, #tpu.memory_space<hbm>> -> memref<10000x128xf32, #tpu.memory_space<hbm>>
    %dma_start3A_115 = tpu.memref_slice %arg11[%dma_start3A_104] : memref<2x!tpu.dma_semaphore, #tpu.memory_space<semaphore_mem>> -> memref<1x!tpu.dma_semaphore, #tpu.memory_space<semaphore_mem>>
    %dma_start3A_116 = tpu.memref_squeeze %dma_start3A_115 : memref<1x!tpu.dma_semaphore, #tpu.memory_space<semaphore_mem>> -> memref<!tpu.dma_semaphore, #tpu.memory_space<semaphore_mem>>
    tpu.enqueue_indirect_dma source(%dma_start3A_114 : memref<10000x128xf32, #tpu.memory_space<hbm>>) target(%dma_start3A_108 : memref<128x128xf32, #tpu.memory_space<vmem>>) offsets(%dma_start3A_111 : memref<128xi32, #tpu.memory_space<vmem>>) semaphore(%dma_start3A_116 : memref<!tpu.dma_semaphore, #tpu.memory_space<semaphore_mem>>)
    %scan3A_117 = arith.constant 0 : i32
    %scan3A_118 = arith.constant 0 : i32
    %scan3A_119 = arith.constant 19 : i32
    %scan3A_120 = arith.addi %scan3A_118, %scan3A_119 : i32
    %scan3A_121 = arith.constant 1 : i32
    scf.for %scan3A_164 = %scan3A_118 to %scan3A_120 step %scan3A_121  : i32 {
      %mul3A_165 = arith.constant 2 : i32
      %mul3A_166 = arith.muli %scan3A_164, %mul3A_165 : i32
      %add3A_167 = arith.constant 0 : i32
      %add3A_168 = arith.addi %mul3A_166, %add3A_167 : i32
      %dma_wait3A_169 = arith.constant 0 : i32
      %dma_wait3A_170 = arith.constant 0 : i32
      %dma_wait3A_171 = arith.constant 0 : i32
      %dma_wait3A_172 = arith.constant 0 : i32
      %dma_wait3A_173 = tpu.memref_slice %arg9[%dma_wait3A_169, %dma_wait3A_171, %dma_wait3A_172] : memref<2x128x128xf32, #tpu.memory_space<vmem>> -> memref<1x128x128xf32, #tpu.memory_space<vmem>>
      %dma_wait3A_174 = tpu.memref_squeeze %dma_wait3A_173 : memref<1x128x128xf32, #tpu.memory_space<vmem>> -> memref<128x128xf32, #tpu.memory_space<vmem>>
      %dma_wait3A_175 = arith.constant 0 : i32
      %dma_wait3A_176 = tpu.memref_slice %arg7[%add3A_168, %dma_wait3A_175] : memref<40x128xi32, #tpu.memory_space<vmem>> -> memref<1x128xi32, #tpu.memory_space<vmem>>
      %dma_wait3A_177 = tpu.memref_squeeze %dma_wait3A_176 : memref<1x128xi32, #tpu.memory_space<vmem>> -> memref<128xi32, #tpu.memory_space<vmem>>
      %dma_wait3A_178 = arith.constant 0 : i32
      %dma_wait3A_179 = arith.constant 0 : i32
      %dma_wait3A_180 = tpu.memref_slice %arg2[%dma_wait3A_178, %dma_wait3A_179] : memref<10000x128xf32, #tpu.memory_space<hbm>> -> memref<10000x128xf32, #tpu.memory_space<hbm>>
      %dma_wait3A_181 = tpu.memref_slice %arg11[%dma_wait3A_170] : memref<2x!tpu.dma_semaphore, #tpu.memory_space<semaphore_mem>> -> memref<1x!tpu.dma_semaphore, #tpu.memory_space<semaphore_mem>>
      %dma_wait3A_182 = tpu.memref_squeeze %dma_wait3A_181 : memref<1x!tpu.dma_semaphore, #tpu.memory_space<semaphore_mem>> -> memref<!tpu.dma_semaphore, #tpu.memory_space<semaphore_mem>>
      tpu.wait_indirect_dma semaphore(%dma_wait3A_182 : memref<!tpu.dma_semaphore, #tpu.memory_space<semaphore_mem>>) src(%dma_wait3A_180 : memref<10000x128xf32, #tpu.memory_space<hbm>>) dst(%dma_wait3A_174 : memref<128x128xf32, #tpu.memory_space<vmem>>)
      %run_scoped3A_183 = arith.constant 0 : i32
      "tpu.region"() ({
        %run_scoped3A_235 = tpu.sem_alloc : memref<!tpu.dma_semaphore, #tpu.memory_space<semaphore_mem>>
        %dma_start3A_236 = arith.constant 0 : i32
        %dma_start3A_237 = arith.constant 0 : i32
        %dma_start3A_238 = tpu.memref_slice %arg9[%run_scoped3A_183, %dma_start3A_236, %dma_start3A_237] : memref<2x128x128xf32, #tpu.memory_space<vmem>> -> memref<1x128x128xf32, #tpu.memory_space<vmem>>
        %dma_start3A_239 = tpu.memref_squeeze %dma_start3A_238 : memref<1x128x128xf32, #tpu.memory_space<vmem>> -> memref<128x128xf32, #tpu.memory_space<vmem>>
        %dma_start3A_240 = arith.constant 0 : i32
        %dma_start3A_241 = tpu.memref_slice %arg8[%add3A_168, %dma_start3A_240] : memref<40x128xi32, #tpu.memory_space<vmem>> -> memref<1x128xi32, #tpu.memory_space<vmem>>
        %dma_start3A_242 = tpu.memref_squeeze %dma_start3A_241 : memref<1x128xi32, #tpu.memory_space<vmem>> -> memref<128xi32, #tpu.memory_space<vmem>>
        %dma_start3A_243 = arith.constant 0 : i32
        %dma_start3A_244 = arith.constant 0 : i32
        %dma_start3A_245 = tpu.memref_slice %arg10[%dma_start3A_243, %dma_start3A_244] : memref<10112x128xf32, #tpu.memory_space<vmem_shared>> -> memref<10112x128xf32, #tpu.memory_space<vmem_shared>>
        tpu.enqueue_indirect_dma source(%dma_start3A_239 : memref<128x128xf32, #tpu.memory_space<vmem>>) target(%dma_start3A_245 : memref<10112x128xf32, #tpu.memory_space<vmem_shared>>) offsets(%dma_start3A_242 : memref<128xi32, #tpu.memory_space<vmem>>) semaphore(%run_scoped3A_235 : memref<!tpu.dma_semaphore, #tpu.memory_space<semaphore_mem>>) {add = true}
        %dma_wait3A_246 = arith.constant 0 : i32
        %dma_wait3A_247 = arith.constant 0 : i32
        %dma_wait3A_248 = tpu.memref_slice %arg9[%run_scoped3A_183, %dma_wait3A_246, %dma_wait3A_247] : memref<2x128x128xf32, #tpu.memory_space<vmem>> -> memref<1x128x128xf32, #tpu.memory_space<vmem>>
        %dma_wait3A_249 = tpu.memref_squeeze %dma_wait3A_248 : memref<1x128x128xf32, #tpu.memory_space<vmem>> -> memref<128x128xf32, #tpu.memory_space<vmem>>
        %dma_wait3A_250 = arith.constant 0 : i32
        %dma_wait3A_251 = tpu.memref_slice %arg8[%add3A_168, %dma_wait3A_250] : memref<40x128xi32, #tpu.memory_space<vmem>> -> memref<1x128xi32, #tpu.memory_space<vmem>>
        %dma_wait3A_252 = tpu.memref_squeeze %dma_wait3A_251 : memref<1x128xi32, #tpu.memory_space<vmem>> -> memref<128xi32, #tpu.memory_space<vmem>>
        %dma_wait3A_253 = arith.constant 0 : i32
        %dma_wait3A_254 = arith.constant 0 : i32
        %dma_wait3A_255 = tpu.memref_slice %arg10[%dma_wait3A_253, %dma_wait3A_254] : memref<10112x128xf32, #tpu.memory_space<vmem_shared>> -> memref<10112x128xf32, #tpu.memory_space<vmem_shared>>
        tpu.wait_indirect_dma semaphore(%run_scoped3A_235 : memref<!tpu.dma_semaphore, #tpu.memory_space<semaphore_mem>>) src(%dma_wait3A_249 : memref<128x128xf32, #tpu.memory_space<vmem>>) dst(%dma_wait3A_255 : memref<10112x128xf32, #tpu.memory_space<vmem_shared>>)
        tpu.yield
      }) : () -> ()
      %add3A_184 = arith.constant 2 : i32
      %add3A_185 = arith.addi %add3A_168, %add3A_184 : i32
      %dma_start3A_186 = arith.constant 0 : i32
      %dma_start3A_187 = arith.constant 0 : i32
      %dma_start3A_188 = arith.constant 0 : i32
      %dma_start3A_189 = arith.constant 0 : i32
      %dma_start3A_190 = tpu.memref_slice %arg9[%dma_start3A_186, %dma_start3A_188, %dma_start3A_189] : memref<2x128x128xf32, #tpu.memory_space<vmem>> -> memref<1x128x128xf32, #tpu.memory_space<vmem>>
      %dma_start3A_191 = tpu.memref_squeeze %dma_start3A_190 : memref<1x128x128xf32, #tpu.memory_space<vmem>> -> memref<128x128xf32, #tpu.memory_space<vmem>>
      %dma_start3A_192 = arith.constant 0 : i32
      %dma_start3A_193 = tpu.memref_slice %arg7[%add3A_185, %dma_start3A_192] : memref<40x128xi32, #tpu.memory_space<vmem>> -> memref<1x128xi32, #tpu.memory_space<vmem>>
      %dma_start3A_194 = tpu.memref_squeeze %dma_start3A_193 : memref<1x128xi32, #tpu.memory_space<vmem>> -> memref<128xi32, #tpu.memory_space<vmem>>
      %dma_start3A_195 = arith.constant 0 : i32
      %dma_start3A_196 = arith.constant 0 : i32
      %dma_start3A_197 = tpu.memref_slice %arg2[%dma_start3A_195, %dma_start3A_196] : memref<10000x128xf32, #tpu.memory_space<hbm>> -> memref<10000x128xf32, #tpu.memory_space<hbm>>
      %dma_start3A_198 = tpu.memref_slice %arg11[%dma_start3A_187] : memref<2x!tpu.dma_semaphore, #tpu.memory_space<semaphore_mem>> -> memref<1x!tpu.dma_semaphore, #tpu.memory_space<semaphore_mem>>
      %dma_start3A_199 = tpu.memref_squeeze %dma_start3A_198 : memref<1x!tpu.dma_semaphore, #tpu.memory_space<semaphore_mem>> -> memref<!tpu.dma_semaphore, #tpu.memory_space<semaphore_mem>>
      tpu.enqueue_indirect_dma source(%dma_start3A_197 : memref<10000x128xf32, #tpu.memory_space<hbm>>) target(%dma_start3A_191 : memref<128x128xf32, #tpu.memory_space<vmem>>) offsets(%dma_start3A_194 : memref<128xi32, #tpu.memory_space<vmem>>) semaphore(%dma_start3A_199 : memref<!tpu.dma_semaphore, #tpu.memory_space<semaphore_mem>>)
      %mul3A_200 = arith.constant 2 : i32
      %mul3A_201 = arith.muli %scan3A_164, %mul3A_200 : i32
      %add3A_202 = arith.constant 1 : i32
      %add3A_203 = arith.addi %mul3A_201, %add3A_202 : i32
      %dma_wait3A_204 = arith.constant 1 : i32
      %dma_wait3A_205 = arith.constant 1 : i32
      %dma_wait3A_206 = arith.constant 0 : i32
      %dma_wait3A_207 = arith.constant 0 : i32
      %dma_wait3A_208 = tpu.memref_slice %arg9[%dma_wait3A_204, %dma_wait3A_206, %dma_wait3A_207] : memref<2x128x128xf32, #tpu.memory_space<vmem>> -> memref<1x128x128xf32, #tpu.memory_space<vmem>>
      %dma_wait3A_209 = tpu.memref_squeeze %dma_wait3A_208 : memref<1x128x128xf32, #tpu.memory_space<vmem>> -> memref<128x128xf32, #tpu.memory_space<vmem>>
      %dma_wait3A_210 = arith.constant 0 : i32
      %dma_wait3A_211 = tpu.memref_slice %arg7[%add3A_203, %dma_wait3A_210] : memref<40x128xi32, #tpu.memory_space<vmem>> -> memref<1x128xi32, #tpu.memory_space<vmem>>
      %dma_wait3A_212 = tpu.memref_squeeze %dma_wait3A_211 : memref<1x128xi32, #tpu.memory_space<vmem>> -> memref<128xi32, #tpu.memory_space<vmem>>
      %dma_wait3A_213 = arith.constant 0 : i32
      %dma_wait3A_214 = arith.constant 0 : i32
      %dma_wait3A_215 = tpu.memref_slice %arg2[%dma_wait3A_213, %dma_wait3A_214] : memref<10000x128xf32, #tpu.memory_space<hbm>> -> memref<10000x128xf32, #tpu.memory_space<hbm>>
      %dma_wait3A_216 = tpu.memref_slice %arg11[%dma_wait3A_205] : memref<2x!tpu.dma_semaphore, #tpu.memory_space<semaphore_mem>> -> memref<1x!tpu.dma_semaphore, #tpu.memory_space<semaphore_mem>>
      %dma_wait3A_217 = tpu.memref_squeeze %dma_wait3A_216 : memref<1x!tpu.dma_semaphore, #tpu.memory_space<semaphore_mem>> -> memref<!tpu.dma_semaphore, #tpu.memory_space<semaphore_mem>>
      tpu.wait_indirect_dma semaphore(%dma_wait3A_217 : memref<!tpu.dma_semaphore, #tpu.memory_space<semaphore_mem>>) src(%dma_wait3A_215 : memref<10000x128xf32, #tpu.memory_space<hbm>>) dst(%dma_wait3A_209 : memref<128x128xf32, #tpu.memory_space<vmem>>)
      %run_scoped3A_218 = arith.constant 1 : i32
      "tpu.region"() ({
        %run_scoped3A_235 = tpu.sem_alloc : memref<!tpu.dma_semaphore, #tpu.memory_space<semaphore_mem>>
        %dma_start3A_236 = arith.constant 0 : i32
        %dma_start3A_237 = arith.constant 0 : i32
        %dma_start3A_238 = tpu.memref_slice %arg9[%run_scoped3A_218, %dma_start3A_236, %dma_start3A_237] : memref<2x128x128xf32, #tpu.memory_space<vmem>> -> memref<1x128x128xf32, #tpu.memory_space<vmem>>
        %dma_start3A_239 = tpu.memref_squeeze %dma_start3A_238 : memref<1x128x128xf32, #tpu.memory_space<vmem>> -> memref<128x128xf32, #tpu.memory_space<vmem>>
        %dma_start3A_240 = arith.constant 0 : i32
        %dma_start3A_241 = tpu.memref_slice %arg8[%add3A_203, %dma_start3A_240] : memref<40x128xi32, #tpu.memory_space<vmem>> -> memref<1x128xi32, #tpu.memory_space<vmem>>
        %dma_start3A_242 = tpu.memref_squeeze %dma_start3A_241 : memref<1x128xi32, #tpu.memory_space<vmem>> -> memref<128xi32, #tpu.memory_space<vmem>>
        %dma_start3A_243 = arith.constant 0 : i32
        %dma_start3A_244 = arith.constant 0 : i32
        %dma_start3A_245 = tpu.memref_slice %arg10[%dma_start3A_243, %dma_start3A_244] : memref<10112x128xf32, #tpu.memory_space<vmem_shared>> -> memref<10112x128xf32, #tpu.memory_space<vmem_shared>>
        tpu.enqueue_indirect_dma source(%dma_start3A_239 : memref<128x128xf32, #tpu.memory_space<vmem>>) target(%dma_start3A_245 : memref<10112x128xf32, #tpu.memory_space<vmem_shared>>) offsets(%dma_start3A_242 : memref<128xi32, #tpu.memory_space<vmem>>) semaphore(%run_scoped3A_235 : memref<!tpu.dma_semaphore, #tpu.memory_space<semaphore_mem>>) {add = true}
        %dma_wait3A_246 = arith.constant 0 : i32
        %dma_wait3A_247 = arith.constant 0 : i32
        %dma_wait3A_248 = tpu.memref_slice %arg9[%run_scoped3A_218, %dma_wait3A_246, %dma_wait3A_247] : memref<2x128x128xf32, #tpu.memory_space<vmem>> -> memref<1x128x128xf32, #tpu.memory_space<vmem>>
        %dma_wait3A_249 = tpu.memref_squeeze %dma_wait3A_248 : memref<1x128x128xf32, #tpu.memory_space<vmem>> -> memref<128x128xf32, #tpu.memory_space<vmem>>
        %dma_wait3A_250 = arith.constant 0 : i32
        %dma_wait3A_251 = tpu.memref_slice %arg8[%add3A_203, %dma_wait3A_250] : memref<40x128xi32, #tpu.memory_space<vmem>> -> memref<1x128xi32, #tpu.memory_space<vmem>>
        %dma_wait3A_252 = tpu.memref_squeeze %dma_wait3A_251 : memref<1x128xi32, #tpu.memory_space<vmem>> -> memref<128xi32, #tpu.memory_space<vmem>>
        %dma_wait3A_253 = arith.constant 0 : i32
        %dma_wait3A_254 = arith.constant 0 : i32
        %dma_wait3A_255 = tpu.memref_slice %arg10[%dma_wait3A_253, %dma_wait3A_254] : memref<10112x128xf32, #tpu.memory_space<vmem_shared>> -> memref<10112x128xf32, #tpu.memory_space<vmem_shared>>
        tpu.wait_indirect_dma semaphore(%run_scoped3A_235 : memref<!tpu.dma_semaphore, #tpu.memory_space<semaphore_mem>>) src(%dma_wait3A_249 : memref<128x128xf32, #tpu.memory_space<vmem>>) dst(%dma_wait3A_255 : memref<10112x128xf32, #tpu.memory_space<vmem_shared>>)
        tpu.yield
      }) : () -> ()
      %add3A_219 = arith.constant 2 : i32
      %add3A_220 = arith.addi %add3A_203, %add3A_219 : i32
      %dma_start3A_221 = arith.constant 1 : i32
      %dma_start3A_222 = arith.constant 1 : i32
      %dma_start3A_223 = arith.constant 0 : i32
      %dma_start3A_224 = arith.constant 0 : i32
      %dma_start3A_225 = tpu.memref_slice %arg9[%dma_start3A_221, %dma_start3A_223, %dma_start3A_224] : memref<2x128x128xf32, #tpu.memory_space<vmem>> -> memref<1x128x128xf32, #tpu.memory_space<vmem>>
      %dma_start3A_226 = tpu.memref_squeeze %dma_start3A_225 : memref<1x128x128xf32, #tpu.memory_space<vmem>> -> memref<128x128xf32, #tpu.memory_space<vmem>>
      %dma_start3A_227 = arith.constant 0 : i32
      %dma_start3A_228 = tpu.memref_slice %arg7[%add3A_220, %dma_start3A_227] : memref<40x128xi32, #tpu.memory_space<vmem>> -> memref<1x128xi32, #tpu.memory_space<vmem>>
      %dma_start3A_229 = tpu.memref_squeeze %dma_start3A_228 : memref<1x128xi32, #tpu.memory_space<vmem>> -> memref<128xi32, #tpu.memory_space<vmem>>
      %dma_start3A_230 = arith.constant 0 : i32
      %dma_start3A_231 = arith.constant 0 : i32
      %dma_start3A_232 = tpu.memref_slice %arg2[%dma_start3A_230, %dma_start3A_231] : memref<10000x128xf32, #tpu.memory_space<hbm>> -> memref<10000x128xf32, #tpu.memory_space<hbm>>
      %dma_start3A_233 = tpu.memref_slice %arg11[%dma_start3A_222] : memref<2x!tpu.dma_semaphore, #tpu.memory_space<semaphore_mem>> -> memref<1x!tpu.dma_semaphore, #tpu.memory_space<semaphore_mem>>
      %dma_start3A_234 = tpu.memref_squeeze %dma_start3A_233 : memref<1x!tpu.dma_semaphore, #tpu.memory_space<semaphore_mem>> -> memref<!tpu.dma_semaphore, #tpu.memory_space<semaphore_mem>>
      tpu.enqueue_indirect_dma source(%dma_start3A_232 : memref<10000x128xf32, #tpu.memory_space<hbm>>) target(%dma_start3A_226 : memref<128x128xf32, #tpu.memory_space<vmem>>) offsets(%dma_start3A_229 : memref<128xi32, #tpu.memory_space<vmem>>) semaphore(%dma_start3A_234 : memref<!tpu.dma_semaphore, #tpu.memory_space<semaphore_mem>>)
    }
    %scan3A_122 = arith.constant 19 : i32
    %dma_wait3A_123 = arith.constant 38 : i32
    %dma_wait3A_124 = arith.constant 0 : i32
    %dma_wait3A_125 = arith.constant 0 : i32
    %dma_wait3A_126 = arith.constant 0 : i32
    %dma_wait3A_127 = arith.constant 0 : i32
    %dma_wait3A_128 = tpu.memref_slice %arg9[%dma_wait3A_124, %dma_wait3A_126, %dma_wait3A_127] : memref<2x128x128xf32, #tpu.memory_space<vmem>> -> memref<1x128x128xf32, #tpu.memory_space<vmem>>
    %dma_wait3A_129 = tpu.memref_squeeze %dma_wait3A_128 : memref<1x128x128xf32, #tpu.memory_space<vmem>> -> memref<128x128xf32, #tpu.memory_space<vmem>>
    %dma_wait3A_130 = arith.constant 0 : i32
    %dma_wait3A_131 = tpu.memref_slice %arg7[%dma_wait3A_123, %dma_wait3A_130] : memref<40x128xi32, #tpu.memory_space<vmem>> -> memref<1x128xi32, #tpu.memory_space<vmem>>
    %dma_wait3A_132 = tpu.memref_squeeze %dma_wait3A_131 : memref<1x128xi32, #tpu.memory_space<vmem>> -> memref<128xi32, #tpu.memory_space<vmem>>
    %dma_wait3A_133 = arith.constant 0 : i32
    %dma_wait3A_134 = arith.constant 0 : i32
    %dma_wait3A_135 = tpu.memref_slice %arg2[%dma_wait3A_133, %dma_wait3A_134] : memref<10000x128xf32, #tpu.memory_space<hbm>> -> memref<10000x128xf32, #tpu.memory_space<hbm>>
    %dma_wait3A_136 = tpu.memref_slice %arg11[%dma_wait3A_125] : memref<2x!tpu.dma_semaphore, #tpu.memory_space<semaphore_mem>> -> memref<1x!tpu.dma_semaphore, #tpu.memory_space<semaphore_mem>>
    %dma_wait3A_137 = tpu.memref_squeeze %dma_wait3A_136 : memref<1x!tpu.dma_semaphore, #tpu.memory_space<semaphore_mem>> -> memref<!tpu.dma_semaphore, #tpu.memory_space<semaphore_mem>>
    tpu.wait_indirect_dma semaphore(%dma_wait3A_137 : memref<!tpu.dma_semaphore, #tpu.memory_space<semaphore_mem>>) src(%dma_wait3A_135 : memref<10000x128xf32, #tpu.memory_space<hbm>>) dst(%dma_wait3A_129 : memref<128x128xf32, #tpu.memory_space<vmem>>)
    %run_scoped3A_138 = arith.constant 0 : i32
    %run_scoped3A_139 = arith.constant 38 : i32
    "tpu.region"() ({
      %run_scoped3A_164 = tpu.sem_alloc : memref<!tpu.dma_semaphore, #tpu.memory_space<semaphore_mem>>
      %dma_start3A_165 = arith.constant 0 : i32
      %dma_start3A_166 = arith.constant 0 : i32
      %dma_start3A_167 = tpu.memref_slice %arg9[%run_scoped3A_138, %dma_start3A_165, %dma_start3A_166] : memref<2x128x128xf32, #tpu.memory_space<vmem>> -> memref<1x128x128xf32, #tpu.memory_space<vmem>>
      %dma_start3A_168 = tpu.memref_squeeze %dma_start3A_167 : memref<1x128x128xf32, #tpu.memory_space<vmem>> -> memref<128x128xf32, #tpu.memory_space<vmem>>
      %dma_start3A_169 = arith.constant 0 : i32
      %dma_start3A_170 = tpu.memref_slice %arg8[%run_scoped3A_139, %dma_start3A_169] : memref<40x128xi32, #tpu.memory_space<vmem>> -> memref<1x128xi32, #tpu.memory_space<vmem>>
      %dma_start3A_171 = tpu.memref_squeeze %dma_start3A_170 : memref<1x128xi32, #tpu.memory_space<vmem>> -> memref<128xi32, #tpu.memory_space<vmem>>
      %dma_start3A_172 = arith.constant 0 : i32
      %dma_start3A_173 = arith.constant 0 : i32
      %dma_start3A_174 = tpu.memref_slice %arg10[%dma_start3A_172, %dma_start3A_173] : memref<10112x128xf32, #tpu.memory_space<vmem_shared>> -> memref<10112x128xf32, #tpu.memory_space<vmem_shared>>
      tpu.enqueue_indirect_dma source(%dma_start3A_168 : memref<128x128xf32, #tpu.memory_space<vmem>>) target(%dma_start3A_174 : memref<10112x128xf32, #tpu.memory_space<vmem_shared>>) offsets(%dma_start3A_171 : memref<128xi32, #tpu.memory_space<vmem>>) semaphore(%run_scoped3A_164 : memref<!tpu.dma_semaphore, #tpu.memory_space<semaphore_mem>>) {add = true}
      %dma_wait3A_175 = arith.constant 0 : i32
      %dma_wait3A_176 = arith.constant 0 : i32
      %dma_wait3A_177 = tpu.memref_slice %arg9[%run_scoped3A_138, %dma_wait3A_175, %dma_wait3A_176] : memref<2x128x128xf32, #tpu.memory_space<vmem>> -> memref<1x128x128xf32, #tpu.memory_space<vmem>>
      %dma_wait3A_178 = tpu.memref_squeeze %dma_wait3A_177 : memref<1x128x128xf32, #tpu.memory_space<vmem>> -> memref<128x128xf32, #tpu.memory_space<vmem>>
      %dma_wait3A_179 = arith.constant 0 : i32
      %dma_wait3A_180 = tpu.memref_slice %arg8[%run_scoped3A_139, %dma_wait3A_179] : memref<40x128xi32, #tpu.memory_space<vmem>> -> memref<1x128xi32, #tpu.memory_space<vmem>>
      %dma_wait3A_181 = tpu.memref_squeeze %dma_wait3A_180 : memref<1x128xi32, #tpu.memory_space<vmem>> -> memref<128xi32, #tpu.memory_space<vmem>>
      %dma_wait3A_182 = arith.constant 0 : i32
      %dma_wait3A_183 = arith.constant 0 : i32
      %dma_wait3A_184 = tpu.memref_slice %arg10[%dma_wait3A_182, %dma_wait3A_183] : memref<10112x128xf32, #tpu.memory_space<vmem_shared>> -> memref<10112x128xf32, #tpu.memory_space<vmem_shared>>
      tpu.wait_indirect_dma semaphore(%run_scoped3A_164 : memref<!tpu.dma_semaphore, #tpu.memory_space<semaphore_mem>>) src(%dma_wait3A_178 : memref<128x128xf32, #tpu.memory_space<vmem>>) dst(%dma_wait3A_184 : memref<10112x128xf32, #tpu.memory_space<vmem_shared>>)
      tpu.yield
    }) : () -> ()
    %dma_wait3A_140 = arith.constant 39 : i32
    %dma_wait3A_141 = arith.constant 1 : i32
    %dma_wait3A_142 = arith.constant 1 : i32
    %dma_wait3A_143 = arith.constant 0 : i32
    %dma_wait3A_144 = arith.constant 0 : i32
    %dma_wait3A_145 = tpu.memref_slice %arg9[%dma_wait3A_141, %dma_wait3A_143, %dma_wait3A_144] : memref<2x128x128xf32, #tpu.memory_space<vmem>> -> memref<1x128x128xf32, #tpu.memory_space<vmem>>
    %dma_wait3A_146 = tpu.memref_squeeze %dma_wait3A_145 : memref<1x128x128xf32, #tpu.memory_space<vmem>> -> memref<128x128xf32, #tpu.memory_space<vmem>>
    %dma_wait3A_147 = arith.constant 0 : i32
    %dma_wait3A_148 = tpu.memref_slice %arg7[%dma_wait3A_140, %dma_wait3A_147] : memref<40x128xi32, #tpu.memory_space<vmem>> -> memref<1x128xi32, #tpu.memory_space<vmem>>
    %dma_wait3A_149 = tpu.memref_squeeze %dma_wait3A_148 : memref<1x128xi32, #tpu.memory_space<vmem>> -> memref<128xi32, #tpu.memory_space<vmem>>
    %dma_wait3A_150 = arith.constant 0 : i32
    %dma_wait3A_151 = arith.constant 0 : i32
    %dma_wait3A_152 = tpu.memref_slice %arg2[%dma_wait3A_150, %dma_wait3A_151] : memref<10000x128xf32, #tpu.memory_space<hbm>> -> memref<10000x128xf32, #tpu.memory_space<hbm>>
    %dma_wait3A_153 = tpu.memref_slice %arg11[%dma_wait3A_142] : memref<2x!tpu.dma_semaphore, #tpu.memory_space<semaphore_mem>> -> memref<1x!tpu.dma_semaphore, #tpu.memory_space<semaphore_mem>>
    %dma_wait3A_154 = tpu.memref_squeeze %dma_wait3A_153 : memref<1x!tpu.dma_semaphore, #tpu.memory_space<semaphore_mem>> -> memref<!tpu.dma_semaphore, #tpu.memory_space<semaphore_mem>>
    tpu.wait_indirect_dma semaphore(%dma_wait3A_154 : memref<!tpu.dma_semaphore, #tpu.memory_space<semaphore_mem>>) src(%dma_wait3A_152 : memref<10000x128xf32, #tpu.memory_space<hbm>>) dst(%dma_wait3A_146 : memref<128x128xf32, #tpu.memory_space<vmem>>)
    %run_scoped3A_155 = arith.constant 1 : i32
    %run_scoped3A_156 = arith.constant 39 : i32
    "tpu.region"() ({
      %run_scoped3A_164 = tpu.sem_alloc : memref<!tpu.dma_semaphore, #tpu.memory_space<semaphore_mem>>
      %dma_start3A_165 = arith.constant 0 : i32
      %dma_start3A_166 = arith.constant 0 : i32
      %dma_start3A_167 = tpu.memref_slice %arg9[%run_scoped3A_155, %dma_start3A_165, %dma_start3A_166] : memref<2x128x128xf32, #tpu.memory_space<vmem>> -> memref<1x128x128xf32, #tpu.memory_space<vmem>>
      %dma_start3A_168 = tpu.memref_squeeze %dma_start3A_167 : memref<1x128x128xf32, #tpu.memory_space<vmem>> -> memref<128x128xf32, #tpu.memory_space<vmem>>
      %dma_start3A_169 = arith.constant 0 : i32
      %dma_start3A_170 = tpu.memref_slice %arg8[%run_scoped3A_156, %dma_start3A_169] : memref<40x128xi32, #tpu.memory_space<vmem>> -> memref<1x128xi32, #tpu.memory_space<vmem>>
      %dma_start3A_171 = tpu.memref_squeeze %dma_start3A_170 : memref<1x128xi32, #tpu.memory_space<vmem>> -> memref<128xi32, #tpu.memory_space<vmem>>
      %dma_start3A_172 = arith.constant 0 : i32
      %dma_start3A_173 = arith.constant 0 : i32
      %dma_start3A_174 = tpu.memref_slice %arg10[%dma_start3A_172, %dma_start3A_173] : memref<10112x128xf32, #tpu.memory_space<vmem_shared>> -> memref<10112x128xf32, #tpu.memory_space<vmem_shared>>
      tpu.enqueue_indirect_dma source(%dma_start3A_168 : memref<128x128xf32, #tpu.memory_space<vmem>>) target(%dma_start3A_174 : memref<10112x128xf32, #tpu.memory_space<vmem_shared>>) offsets(%dma_start3A_171 : memref<128xi32, #tpu.memory_space<vmem>>) semaphore(%run_scoped3A_164 : memref<!tpu.dma_semaphore, #tpu.memory_space<semaphore_mem>>) {add = true}
      %dma_wait3A_175 = arith.constant 0 : i32
      %dma_wait3A_176 = arith.constant 0 : i32
      %dma_wait3A_177 = tpu.memref_slice %arg9[%run_scoped3A_155, %dma_wait3A_175, %dma_wait3A_176] : memref<2x128x128xf32, #tpu.memory_space<vmem>> -> memref<1x128x128xf32, #tpu.memory_space<vmem>>
      %dma_wait3A_178 = tpu.memref_squeeze %dma_wait3A_177 : memref<1x128x128xf32, #tpu.memory_space<vmem>> -> memref<128x128xf32, #tpu.memory_space<vmem>>
      %dma_wait3A_179 = arith.constant 0 : i32
      %dma_wait3A_180 = tpu.memref_slice %arg8[%run_scoped3A_156, %dma_wait3A_179] : memref<40x128xi32, #tpu.memory_space<vmem>> -> memref<1x128xi32, #tpu.memory_space<vmem>>
      %dma_wait3A_181 = tpu.memref_squeeze %dma_wait3A_180 : memref<1x128xi32, #tpu.memory_space<vmem>> -> memref<128xi32, #tpu.memory_space<vmem>>
      %dma_wait3A_182 = arith.constant 0 : i32
      %dma_wait3A_183 = arith.constant 0 : i32
      %dma_wait3A_184 = tpu.memref_slice %arg10[%dma_wait3A_182, %dma_wait3A_183] : memref<10112x128xf32, #tpu.memory_space<vmem_shared>> -> memref<10112x128xf32, #tpu.memory_space<vmem_shared>>
      tpu.wait_indirect_dma semaphore(%run_scoped3A_164 : memref<!tpu.dma_semaphore, #tpu.memory_space<semaphore_mem>>) src(%dma_wait3A_178 : memref<128x128xf32, #tpu.memory_space<vmem>>) dst(%dma_wait3A_184 : memref<10112x128xf32, #tpu.memory_space<vmem_shared>>)
      tpu.yield
    }) : () -> ()
    %barrier3A_157 = arith.constant 0 : index
    tpu.barrier barrier_id(%barrier3A_157)
    %mul3A_158 = arith.constant 624 : i32
    %mul3A_159 = arith.muli %arg1, %mul3A_158 : i32
    %mul3A_160 = arith.constant 624 : i32
    %mul3A_161 = arith.muli %arg1, %mul3A_160 : i32
    "tpu.region"() ({
      %run_scoped3A_164 = tpu.sem_alloc : memref<!tpu.dma_semaphore, #tpu.memory_space<semaphore_mem>>
      %dma_start3A_165 = arith.constant 0 : i32
      %dma_start3A_166 = tpu.memref_slice %arg6[%arg0, %mul3A_161, %dma_start3A_165] : memref<2x10000x128xf32, #tpu.memory_space<hbm>> -> memref<1x624x128xf32, #tpu.memory_space<hbm>>
      %dma_start3A_167 = tpu.memref_squeeze %dma_start3A_166 : memref<1x624x128xf32, #tpu.memory_space<hbm>> -> memref<624x128xf32, #tpu.memory_space<hbm>>
      %dma_start3A_168 = arith.constant 0 : i32
      %dma_start3A_169 = tpu.memref_slice %arg10[%mul3A_159, %dma_start3A_168] : memref<10112x128xf32, #tpu.memory_space<vmem_shared>> -> memref<624x128xf32, #tpu.memory_space<vmem_shared>>
      tpu.enqueue_dma source(%dma_start3A_169 : memref<624x128xf32, #tpu.memory_space<vmem_shared>>) target(%dma_start3A_167 : memref<624x128xf32, #tpu.memory_space<hbm>>) target_semaphore(%run_scoped3A_164 : memref<!tpu.dma_semaphore, #tpu.memory_space<semaphore_mem>>)
      %dma_wait3A_170 = arith.constant 0 : i32
      %dma_wait3A_171 = tpu.memref_slice %arg6[%arg0, %mul3A_161, %dma_wait3A_170] : memref<2x10000x128xf32, #tpu.memory_space<hbm>> -> memref<1x624x128xf32, #tpu.memory_space<hbm>>
      %dma_wait3A_172 = tpu.memref_squeeze %dma_wait3A_171 : memref<1x624x128xf32, #tpu.memory_space<hbm>> -> memref<624x128xf32, #tpu.memory_space<hbm>>
      %dma_wait3A_173 = arith.constant 0 : i32
      %dma_wait3A_174 = tpu.memref_slice %arg10[%mul3A_159, %dma_wait3A_173] : memref<10112x128xf32, #tpu.memory_space<vmem_shared>> -> memref<624x128xf32, #tpu.memory_space<vmem_shared>>
      tpu.wait_dma2 semaphore(%run_scoped3A_164 : memref<!tpu.dma_semaphore, #tpu.memory_space<semaphore_mem>>) src(%dma_wait3A_174 : memref<624x128xf32, #tpu.memory_space<vmem_shared>>) dst(%dma_wait3A_172 : memref<624x128xf32, #tpu.memory_space<hbm>>)
      tpu.yield
    }) : () -> ()
    %eq3A = arith.constant 15 : i32
    %eq3A_162 = arith.cmpi eq, %arg1, %eq3A : i32
    %convert_element_type3A = arith.extui %eq3A_162 : i1 to i32
    %cond3A = arith.constant 0 : i32
    %cond3A_163 = arith.cmpi ne, %convert_element_type3A, %cond3A : i32
    scf.if %cond3A_163 {
      "tpu.region"() ({
        %run_scoped3A_164 = tpu.sem_alloc : memref<!tpu.dma_semaphore, #tpu.memory_space<semaphore_mem>>
        %dma_start3A_165 = arith.constant 9984 : i32
        %dma_start3A_166 = arith.constant 0 : i32
        %dma_start3A_167 = tpu.memref_slice %arg6[%arg0, %dma_start3A_165, %dma_start3A_166] : memref<2x10000x128xf32, #tpu.memory_space<hbm>> -> memref<1x16x128xf32, #tpu.memory_space<hbm>>
        %dma_start3A_168 = tpu.memref_squeeze %dma_start3A_167 : memref<1x16x128xf32, #tpu.memory_space<hbm>> -> memref<16x128xf32, #tpu.memory_space<hbm>>
        %dma_start3A_169 = arith.constant 9984 : i32
        %dma_start3A_170 = arith.constant 0 : i32
        %dma_start3A_171 = tpu.memref_slice %arg10[%dma_start3A_169, %dma_start3A_170] : memref<10112x128xf32, #tpu.memory_space<vmem_shared>> -> memref<16x128xf32, #tpu.memory_space<vmem_shared>>
        tpu.enqueue_dma source(%dma_start3A_171 : memref<16x128xf32, #tpu.memory_space<vmem_shared>>) target(%dma_start3A_168 : memref<16x128xf32, #tpu.memory_space<hbm>>) target_semaphore(%run_scoped3A_164 : memref<!tpu.dma_semaphore, #tpu.memory_space<semaphore_mem>>)
        %dma_wait3A_172 = arith.constant 9984 : i32
        %dma_wait3A_173 = arith.constant 0 : i32
        %dma_wait3A_174 = tpu.memref_slice %arg6[%arg0, %dma_wait3A_172, %dma_wait3A_173] : memref<2x10000x128xf32, #tpu.memory_space<hbm>> -> memref<1x16x128xf32, #tpu.memory_space<hbm>>
        %dma_wait3A_175 = tpu.memref_squeeze %dma_wait3A_174 : memref<1x16x128xf32, #tpu.memory_space<hbm>> -> memref<16x128xf32, #tpu.memory_space<hbm>>
        %dma_wait3A_176 = arith.constant 9984 : i32
        %dma_wait3A_177 = arith.constant 0 : i32
        %dma_wait3A_178 = tpu.memref_slice %arg10[%dma_wait3A_176, %dma_wait3A_177] : memref<10112x128xf32, #tpu.memory_space<vmem_shared>> -> memref<16x128xf32, #tpu.memory_space<vmem_shared>>
        tpu.wait_dma2 semaphore(%run_scoped3A_164 : memref<!tpu.dma_semaphore, #tpu.memory_space<semaphore_mem>>) src(%dma_wait3A_178 : memref<16x128xf32, #tpu.memory_space<vmem_shared>>) dst(%dma_wait3A_175 : memref<16x128xf32, #tpu.memory_space<hbm>>)
        tpu.yield
      }) : () -> ()
    } else {
    }
    return
  }
}

module attributes {stable_mosaic.version = 14 : i64} {
  func.func @_linear_body(%arg0: memref<10000x128xf32, #tpu.memory_space<vmem>>, %arg1: memref<128x128xf32, #tpu.memory_space<vmem>>, %arg2: memref<1x128xf32, #tpu.memory_space<vmem>>, %arg3: memref<10000x128xf32, #tpu.memory_space<vmem>>) attributes {dimension_semantics = [], scalar_prefetch = 0 : i64, scratch_operands = 0 : i64, tpu.core_type = #tpu.core_type<tc>} {
    %get3A = arith.constant 0 : index
    %get3A_0 = arith.constant 0 : index
    %get3A_1 = vector.load %arg0[%get3A, %get3A_0] : memref<10000x128xf32, #tpu.memory_space<vmem>>, vector<10000x128xf32>
    %get3A_2 = arith.constant 0 : index
    %get3A_3 = arith.constant 0 : index
    %get3A_4 = vector.load %arg1[%get3A_2, %get3A_3] : memref<128x128xf32, #tpu.memory_space<vmem>>, vector<128x128xf32>
    %dot_general3A = arith.constant dense<0.000000e+00> : vector<10000x128xf32>
    %dot_general3A_5 = tpu.matmul %get3A_1, %get3A_4, %dot_general3A {dimension_numbers = #tpu.dot_dimension_numbers<[1], [0], [0], [1], [0, 0, 1, 1], [], []>, transpose_lhs_hint = false} : vector<10000x128xf32>, vector<128x128xf32>, vector<10000x128xf32> -> vector<10000x128xf32>
    %get3A_6 = arith.constant 0 : index
    %get3A_7 = arith.constant 0 : index
    %get3A_8 = vector.load %arg2[%get3A_6, %get3A_7] : memref<1x128xf32, #tpu.memory_space<vmem>>, vector<1x128xf32>
    %add3A = vector.broadcast %get3A_8 : vector<1x128xf32> to vector<10000x128xf32>
    %add3A_9 = arith.addf %dot_general3A_5, %add3A : vector<10000x128xf32>
    %swap3A = arith.constant 0 : index
    %swap3A_10 = arith.constant 0 : index
    %swap3A_11 = vector.load %arg3[%swap3A, %swap3A_10] : memref<10000x128xf32, #tpu.memory_space<vmem>>, vector<10000x128xf32>
    tpu.vector_store %arg3[%swap3A, %swap3A_10], %add3A_9 {strides = array<i32>} : memref<10000x128xf32, #tpu.memory_space<vmem>>, vector<10000x128xf32>,
    return
  }
}

module attributes {stable_mosaic.version = 14 : i64} {
  func.func @_gin_mlp_body(%arg0: memref<10000x128xf32, #tpu.memory_space<vmem>>, %arg1: memref<10000x128xf32, #tpu.memory_space<vmem>>, %arg2: memref<10000x128xf32, #tpu.memory_space<vmem>>, %arg3: memref<128x128xf32, #tpu.memory_space<vmem>>, %arg4: memref<1x128xf32, #tpu.memory_space<vmem>>, %arg5: memref<128x128xf32, #tpu.memory_space<vmem>>, %arg6: memref<1x128xf32, #tpu.memory_space<vmem>>, %arg7: memref<10000x128xf32, #tpu.memory_space<vmem>>) attributes {dimension_semantics = [], scalar_prefetch = 0 : i64, scratch_operands = 0 : i64, tpu.core_type = #tpu.core_type<tc>} {
    %get3A = arith.constant 0 : index
    %get3A_0 = arith.constant 0 : index
    %get3A_1 = vector.load %arg0[%get3A, %get3A_0] : memref<10000x128xf32, #tpu.memory_space<vmem>>, vector<10000x128xf32>
    %get3A_2 = arith.constant 0 : index
    %get3A_3 = arith.constant 0 : index
    %get3A_4 = vector.load %arg1[%get3A_2, %get3A_3] : memref<10000x128xf32, #tpu.memory_space<vmem>>, vector<10000x128xf32>
    %add3A = arith.addf %get3A_1, %get3A_4 : vector<10000x128xf32>
    %get3A_5 = arith.constant 0 : index
    %get3A_6 = arith.constant 0 : index
    %get3A_7 = vector.load %arg2[%get3A_5, %get3A_6] : memref<10000x128xf32, #tpu.memory_space<vmem>>, vector<10000x128xf32>
    %add3A_8 = arith.addf %add3A, %get3A_7 : vector<10000x128xf32>
    %get3A_9 = arith.constant 0 : index
    %get3A_10 = arith.constant 0 : index
    %get3A_11 = vector.load %arg3[%get3A_9, %get3A_10] : memref<128x128xf32, #tpu.memory_space<vmem>>, vector<128x128xf32>
    %dot_general3A = arith.constant dense<0.000000e+00> : vector<10000x128xf32>
    %dot_general3A_12 = tpu.matmul %add3A_8, %get3A_11, %dot_general3A {dimension_numbers = #tpu.dot_dimension_numbers<[1], [0], [0], [1], [0, 0, 1, 1], [], []>, transpose_lhs_hint = false} : vector<10000x128xf32>, vector<128x128xf32>, vector<10000x128xf32> -> vector<10000x128xf32>
    %get3A_13 = arith.constant 0 : index
    %get3A_14 = arith.constant 0 : index
    %get3A_15 = vector.load %arg4[%get3A_13, %get3A_14] : memref<1x128xf32, #tpu.memory_space<vmem>>, vector<1x128xf32>
    %add3A_16 = vector.broadcast %get3A_15 : vector<1x128xf32> to vector<10000x128xf32>
    %add3A_17 = arith.addf %dot_general3A_12, %add3A_16 : vector<10000x128xf32>
    %max3A = arith.constant 0.000000e+00 : f32
    %max3A_18 = vector.broadcast %max3A : f32 to vector<10000x128xf32>
    %max3A_19 = arith.maximumf %add3A_17, %max3A_18 : vector<10000x128xf32>
    %get3A_20 = arith.constant 0 : index
    %get3A_21 = arith.constant 0 : index
    %get3A_22 = vector.load %arg5[%get3A_20, %get3A_21] : memref<128x128xf32, #tpu.memory_space<vmem>>, vector<128x128xf32>
    %dot_general3A_23 = arith.constant dense<0.000000e+00> : vector<10000x128xf32>
    %dot_general3A_24 = tpu.matmul %max3A_19, %get3A_22, %dot_general3A_23 {dimension_numbers = #tpu.dot_dimension_numbers<[1], [0], [0], [1], [0, 0, 1, 1], [], []>, transpose_lhs_hint = false} : vector<10000x128xf32>, vector<128x128xf32>, vector<10000x128xf32> -> vector<10000x128xf32>
    %get3A_25 = arith.constant 0 : index
    %get3A_26 = arith.constant 0 : index
    %get3A_27 = vector.load %arg6[%get3A_25, %get3A_26] : memref<1x128xf32, #tpu.memory_space<vmem>>, vector<1x128xf32>
    %add3A_28 = vector.broadcast %get3A_27 : vector<1x128xf32> to vector<10000x128xf32>
    %add3A_29 = arith.addf %dot_general3A_24, %add3A_28 : vector<10000x128xf32>
    %swap3A = arith.constant 0 : index
    %swap3A_30 = arith.constant 0 : index
    %swap3A_31 = vector.load %arg7[%swap3A, %swap3A_30] : memref<10000x128xf32, #tpu.memory_space<vmem>>, vector<10000x128xf32>
    tpu.vector_store %arg7[%swap3A, %swap3A_30], %add3A_29 {strides = array<i32>} : memref<10000x128xf32, #tpu.memory_space<vmem>>, vector<10000x128xf32>,
    return
  }
}

module attributes {stable_mosaic.version = 14 : i64} {
  func.func @_final_body(%arg0: memref<10000x128xf32, #tpu.memory_space<vmem>>, %arg1: memref<10000x128xf32, #tpu.memory_space<vmem>>, %arg2: memref<10000x128xf32, #tpu.memory_space<vmem>>, %arg3: memref<10000x128xf32, #tpu.memory_space<vmem>>, %arg4: memref<128x128xf32, #tpu.memory_space<vmem>>, %arg5: memref<1x128xf32, #tpu.memory_space<vmem>>, %arg6: memref<128x128xf32, #tpu.memory_space<vmem>>, %arg7: memref<1x128xf32, #tpu.memory_space<vmem>>, %arg8: memref<128x128xf32, #tpu.memory_space<vmem>>, %arg9: memref<128x128xf32, #tpu.memory_space<vmem>>, %arg10: memref<128x128xf32, #tpu.memory_space<vmem>>, %arg11: memref<1x128xf32, #tpu.memory_space<vmem>>, %arg12: memref<10000x128xf32, #tpu.memory_space<vmem>>) attributes {dimension_semantics = [], scalar_prefetch = 0 : i64, scratch_operands = 0 : i64, tpu.core_type = #tpu.core_type<tc>} {
    %get3A = arith.constant 0 : index
    %get3A_0 = arith.constant 0 : index
    %get3A_1 = vector.load %arg1[%get3A, %get3A_0] : memref<10000x128xf32, #tpu.memory_space<vmem>>, vector<10000x128xf32>
    %get3A_2 = arith.constant 0 : index
    %get3A_3 = arith.constant 0 : index
    %get3A_4 = vector.load %arg2[%get3A_2, %get3A_3] : memref<10000x128xf32, #tpu.memory_space<vmem>>, vector<10000x128xf32>
    %add3A = arith.addf %get3A_1, %get3A_4 : vector<10000x128xf32>
    %get3A_5 = arith.constant 0 : index
    %get3A_6 = arith.constant 0 : index
    %get3A_7 = vector.load %arg3[%get3A_5, %get3A_6] : memref<10000x128xf32, #tpu.memory_space<vmem>>, vector<10000x128xf32>
    %add3A_8 = arith.addf %add3A, %get3A_7 : vector<10000x128xf32>
    %get3A_9 = arith.constant 0 : index
    %get3A_10 = arith.constant 0 : index
    %get3A_11 = vector.load %arg4[%get3A_9, %get3A_10] : memref<128x128xf32, #tpu.memory_space<vmem>>, vector<128x128xf32>
    %dot_general3A = arith.constant dense<0.000000e+00> : vector<10000x128xf32>
    %dot_general3A_12 = tpu.matmul %add3A_8, %get3A_11, %dot_general3A {dimension_numbers = #tpu.dot_dimension_numbers<[1], [0], [0], [1], [0, 0, 1, 1], [], []>, transpose_lhs_hint = false} : vector<10000x128xf32>, vector<128x128xf32>, vector<10000x128xf32> -> vector<10000x128xf32>
    %get3A_13 = arith.constant 0 : index
    %get3A_14 = arith.constant 0 : index
    %get3A_15 = vector.load %arg5[%get3A_13, %get3A_14] : memref<1x128xf32, #tpu.memory_space<vmem>>, vector<1x128xf32>
    %add3A_16 = vector.broadcast %get3A_15 : vector<1x128xf32> to vector<10000x128xf32>
    %add3A_17 = arith.addf %dot_general3A_12, %add3A_16 : vector<10000x128xf32>
    %max3A = arith.constant 0.000000e+00 : f32
    %max3A_18 = vector.broadcast %max3A : f32 to vector<10000x128xf32>
    %max3A_19 = arith.maximumf %add3A_17, %max3A_18 : vector<10000x128xf32>
    %get3A_20 = arith.constant 0 : index
    %get3A_21 = arith.constant 0 : index
    %get3A_22 = vector.load %arg6[%get3A_20, %get3A_21] : memref<128x128xf32, #tpu.memory_space<vmem>>, vector<128x128xf32>
    %dot_general3A_23 = arith.constant dense<0.000000e+00> : vector<10000x128xf32>
    %dot_general3A_24 = tpu.matmul %max3A_19, %get3A_22, %dot_general3A_23 {dimension_numbers = #tpu.dot_dimension_numbers<[1], [0], [0], [1], [0, 0, 1, 1], [], []>, transpose_lhs_hint = false} : vector<10000x128xf32>, vector<128x128xf32>, vector<10000x128xf32> -> vector<10000x128xf32>
    %get3A_25 = arith.constant 0 : index
    %get3A_26 = arith.constant 0 : index
    %get3A_27 = vector.load %arg7[%get3A_25, %get3A_26] : memref<1x128xf32, #tpu.memory_space<vmem>>, vector<1x128xf32>
    %add3A_28 = vector.broadcast %get3A_27 : vector<1x128xf32> to vector<10000x128xf32>
    %add3A_29 = arith.addf %dot_general3A_24, %add3A_28 : vector<10000x128xf32>
    %get3A_30 = arith.constant 0 : index
    %get3A_31 = arith.constant 0 : index
    %get3A_32 = vector.load %arg0[%get3A_30, %get3A_31] : memref<10000x128xf32, #tpu.memory_space<vmem>>, vector<10000x128xf32>
    %get3A_33 = arith.constant 0 : index
    %get3A_34 = arith.constant 0 : index
    %get3A_35 = vector.load %arg8[%get3A_33, %get3A_34] : memref<128x128xf32, #tpu.memory_space<vmem>>, vector<128x128xf32>
    %dot_general3A_36 = arith.constant dense<0.000000e+00> : vector<10000x128xf32>
    %dot_general3A_37 = tpu.matmul %get3A_32, %get3A_35, %dot_general3A_36 {dimension_numbers = #tpu.dot_dimension_numbers<[1], [0], [0], [1], [0, 0, 1, 1], [], []>, transpose_lhs_hint = false} : vector<10000x128xf32>, vector<128x128xf32>, vector<10000x128xf32> -> vector<10000x128xf32>
    %get3A_38 = arith.constant 0 : index
    %get3A_39 = arith.constant 0 : index
    %get3A_40 = vector.load %arg1[%get3A_38, %get3A_39] : memref<10000x128xf32, #tpu.memory_space<vmem>>, vector<10000x128xf32>
    %get3A_41 = arith.constant 0 : index
    %get3A_42 = arith.constant 0 : index
    %get3A_43 = vector.load %arg9[%get3A_41, %get3A_42] : memref<128x128xf32, #tpu.memory_space<vmem>>, vector<128x128xf32>
    %dot_general3A_44 = arith.constant dense<0.000000e+00> : vector<10000x128xf32>
    %dot_general3A_45 = tpu.matmul %get3A_40, %get3A_43, %dot_general3A_44 {dimension_numbers = #tpu.dot_dimension_numbers<[1], [0], [0], [1], [0, 0, 1, 1], [], []>, transpose_lhs_hint = false} : vector<10000x128xf32>, vector<128x128xf32>, vector<10000x128xf32> -> vector<10000x128xf32>
    %add3A_46 = arith.addf %dot_general3A_37, %dot_general3A_45 : vector<10000x128xf32>
    %get3A_47 = arith.constant 0 : index
    %get3A_48 = arith.constant 0 : index
    %get3A_49 = vector.load %arg10[%get3A_47, %get3A_48] : memref<128x128xf32, #tpu.memory_space<vmem>>, vector<128x128xf32>
    %dot_general3A_50 = arith.constant dense<0.000000e+00> : vector<10000x128xf32>
    %dot_general3A_51 = tpu.matmul %add3A_29, %get3A_49, %dot_general3A_50 {dimension_numbers = #tpu.dot_dimension_numbers<[1], [0], [0], [1], [0, 0, 1, 1], [], []>, transpose_lhs_hint = false} : vector<10000x128xf32>, vector<128x128xf32>, vector<10000x128xf32> -> vector<10000x128xf32>
    %add3A_52 = arith.addf %add3A_46, %dot_general3A_51 : vector<10000x128xf32>
    %get3A_53 = arith.constant 0 : index
    %get3A_54 = arith.constant 0 : index
    %get3A_55 = vector.load %arg11[%get3A_53, %get3A_54] : memref<1x128xf32, #tpu.memory_space<vmem>>, vector<1x128xf32>
    %add3A_56 = vector.broadcast %get3A_55 : vector<1x128xf32> to vector<10000x128xf32>
    %add3A_57 = arith.addf %add3A_52, %add3A_56 : vector<10000x128xf32>
    %swap3A = arith.constant 0 : index
    %swap3A_58 = arith.constant 0 : index
    %swap3A_59 = vector.load %arg12[%swap3A, %swap3A_58] : memref<10000x128xf32, #tpu.memory_space<vmem>>, vector<10000x128xf32>
    tpu.vector_store %arg12[%swap3A, %swap3A_58], %add3A_57 {strides = array<i32>} : memref<10000x128xf32, #tpu.memory_space<vmem>>, vector<10000x128xf32>,
    return
  }
}

</mosaic_0001>

<sc_bundles>
// kernel: kernel.10.cloned.1.call-start
scs
__scs_entry_jumppad:
0x0: {  	(pc) =	sbr.rel $0x88, $3  }
0x1: {  	(tag) =	ssettag $0x0;
	lr =	simm.s32 $0x1  }
0x2: {  	[smem:$0x3F93] =	sst lr;
	_ =	strace $0xD0000000  }
0x3: {  	_ = 	snop  }
0x4: {  	_ = 	snop  }
0x5: {  	_ = 	snop  }
0x6: {  	_ = 	snop  }
0x7: {  	_ = 	snop  }
__scs_overlays_trampoline_lowered:
0x8: {  	[smem:$0x3FA2] =	sst s0  }
0x9: {  	[smem:$0x3FA3] =	sst s1  }
0xa: {  	[smem:$0x3FA4] =	sst s2  }
0xb: {  	[smem:$0x3FA5] =	sst s3  }
0xc: {  	[smem:$0x3FA6] =	sst s4  }
0xd: {  	[smem:$0x3FA7] =	sst s5  }
0xe: {  	[smem:$0x3FA8] =	sst s6  }
0xf: {  	[smem:$0x3FA9] =	sst s7  }
0x10: {  	[smem:$0x3FAA] =	sst s8  }
0x11: {  	[smem:$0x3FAB] =	sst s9;
	s0 =	simm.s32 @!p0 $0x0  }
0x12: {  	s1 =	sld [smem:$0x3F91];
	s0 =	simm.s32 @p0 $0x1  }
0x13: {  	[smem:$0x3FAC] =	sst s0;
	s0 =	simm.s32 @!p1 $0x0  }
0x14: {  	s2 =	sld [smem:$0x3F90];
	s0 =	simm.s32 @p1 $0x1  }
0x15: {  	[smem:$0x3FAD] =	sst s0;
	s0 =	simm.s32 @!p2 $0x0  }
0x16: {  	s3 =	sld [smem:$0x3FDB];
	s0 =	simm.s32 @p2 $0x1  }
0x17: {  	s4 =	simm.s32 $0x1BF5;
	[smem:$0x3FAF] =	sst s0  }
0x18: {  	s0 =	sld [smem:$0x3F92];
	_ =	swait.ge [sflag:s4], $0x0  }
0x19: {  	s7 =	sld [smem:$0x3F93]  }
0x1a: {  	s8 =	sadd.s32 $0xFFFFE003, lr  }
0x1b: {  	s9 =	sadd.s32 $0xFFFFFEF7, lr;
	s5 =	simm.s32 $0xFFFFFFFF;
	p2 =	slt.u32 s8, $0xFFFFF086  }
0x1c: {  	p1 =	slt.u32 s9, $0xF7A;
	s5 =	simm.s32 @!p2 $0x0  }
0x1d: {  	s5 =	simm.s32 @p1 $0x1;
	p0 =	seq.s32 s7, s2  }
0x1e: {  	s7 =	smul.u32 @!p0 $0xF7A, s2;
	p2 =	seq.s32 @!p0 s5, $0x0  }
0x1f: {  	s9 =	smul.u32 $0xF7A, s1;
	s8 =	simm.s32 @!p0 $0x1BF5;
	p2 =	por !p2, p0  }
0x20: {  	[sflag:s8] =	ssyncset.s32 @!p0 $0xFFFFF086;
	s6 =	sadd.s32 @!p0 s3, s7;
	s7 =	simm.s32 @!p0 $0x108  }
0x21: {  	s3 =	sadd.s32 s3, s9;
	s6 =	sadd.s32 @!p0 $0x88, s6;
	s7 =	simm.s32 @p2 $0x1082  }
0x22: {  	[simem:s7], [sflag:s8] =	dma.local @!p0 [hbm:s6], $0xF7A  }
0x23: {  	s9 =	sor.u32 $0xD0000000, s2;
	s6 =	simm.s32 $0x108;
	_ =	swait.ge @!p0 [sflag:s8], $0x0  }
0x24: {  	s3 =	sadd.s32 $0x88, s3;
	s6 =	simm.s32 @!p1 $0x1082;
	[sflag:s4] =	ssyncset.s32 $0xFFFFF086  }
0x25: {  	[simem:s6], [sflag:s4] =	dma.local [hbm:s3], $0xF7A  }
0x26: {  	[smem:$0x3F93] =	sst s1;
	(tag) =	ssettag s2;
	_ =	strace s9  }
0x27: {  	s1 =	sld [smem:$0x3FA3]  }
0x28: {  	s2 =	sld [smem:$0x3FA4]  }
0x29: {  	s4 =	sld [smem:$0x3FA6]  }
0x2a: {  	p0 =	seq.s32 s5, $0x0;
	s5 =	sld [smem:$0x3FA7]  }
0x2b: {  	s6 =	sld [smem:$0x3FA8]  }
0x2c: {  	s7 =	sld [smem:$0x3FA9]  }
0x2d: {  	s3 =	simm.s32 $0x108;
	s8 =	sld [smem:$0x3FAA]  }
0x2e: {  	s3 =	simm.s32 @!p0 $0x1082;
	s9 =	sld [smem:$0x3FAB]  }
0x2f: {  	lr =	sadd.s32 s0, s3;
	s0 =	sld [smem:$0x3FA2]  }
0x30: {  	s3 =	sld [smem:$0x3FA5]  }
0x31: {  	[smem:$0x3FAE] =	sst s10  }
0x32: {  	s10 =	sld [smem:$0x3FAC];
	_ =	sdelay $0x3  }
0x33: {  	p0 =	seq.s32 s10, $0x1;
	s10 =	sld [smem:$0x3FAE];
	_ =	sdelay $0x3  }
0x34: {  	[smem:$0x3FAE] =	sst s10  }
0x35: {  	s10 =	sld [smem:$0x3FAD];
	_ =	sdelay $0x3  }
0x36: {  	p1 =	seq.s32 s10, $0x1;
	s10 =	sld [smem:$0x3FAE];
	_ =	sdelay $0x3  }
0x37: {  	[smem:$0x3FAE] =	sst s10  }
0x38: {  	s10 =	sld [smem:$0x3FAF]  }
0x39: {  	_ = 	snop;
	(pc) =	sbr.ind lr, $3  }
0x3a: {  	_ = 	snop  }
0x3b: {  	_ = 	snop  }
0x3c: {  	p2 =	seq.s32 s10, $0x1;
	s10 =	sld [smem:$0x3FAE]  }
0x3d: {  	_ =	shalt  }
0x3e: {  	_ =	shalt  }
0x3f: {  	_ =	shalt  }
0x40: {  	_ =	shalt  }
0x41: {  	_ =	shalt  }
0x42: {  	_ =	shalt  }
0x43: {  	_ =	shalt  }
0x44: {  	_ =	shalt  }
0x45: {  	_ =	shalt  }
0x46: {  	_ =	shalt  }
0x47: {  	_ =	shalt  }
0x48: {  	_ =	shalt  }
0x49: {  	_ =	shalt  }
0x4a: {  	_ =	shalt  }
0x4b: {  	_ =	shalt  }
0x4c: {  	_ =	shalt  }
0x4d: {  	_ =	shalt  }
0x4e: {  	_ =	shalt  }
0x4f: {  	_ =	shalt  }
0x50: {  	_ =	shalt  }
0x51: {  	_ =	shalt  }
0x52: {  	_ =	shalt  }
0x53: {  	_ =	shalt  }
0x54: {  	_ =	shalt  }
0x55: {  	_ =	shalt  }
0x56: {  	_ =	shalt  }
0x57: {  	_ =	shalt  }
0x58: {  	_ =	shalt  }
0x59: {  	_ =	shalt  }
0x5a: {  	_ =	shalt  }
0x5b: {  	_ =	shalt  }
0x5c: {  	_ =	shalt  }
0x5d: {  	_ =	shalt  }
0x5e: {  	_ =	shalt  }
0x5f: {  	_ =	shalt  }
0x60: {  	_ =	shalt  }
0x61: {  	_ =	shalt  }
0x62: {  	_ =	shalt  }
0x63: {  	_ =	shalt  }
0x64: {  	_ =	shalt  }
0x65: {  	_ =	shalt  }
0x66: {  	_ =	shalt  }
0x67: {  	_ =	shalt  }
0x68: {  	_ =	shalt  }
0x69: {  	_ =	shalt  }
0x6a: {  	_ =	shalt  }
0x6b: {  	_ =	shalt  }
0x6c: {  	_ =	shalt  }
0x6d: {  	_ =	shalt  }
0x6e: {  	_ =	shalt  }
0x6f: {  	_ =	shalt  }
0x70: {  	_ =	shalt  }
0x71: {  	_ =	shalt  }
0x72: {  	_ =	shalt  }
0x73: {  	_ =	shalt  }
0x74: {  	_ =	shalt  }
0x75: {  	_ =	shalt  }
0x76: {  	_ =	shalt  }
0x77: {  	_ =	shalt  }
0x78: {  	_ =	shalt  }
0x79: {  	_ =	shalt  }
0x7a: {  	_ =	shalt  }
0x7b: {  	_ =	shalt  }
0x7c: {  	_ =	shalt  }
0x7d: {  	_ =	shalt  }
0x7e: {  	_ =	shalt  }
0x7f: {  	_ =	shalt  }
0x80: {  	_ =	shalt  }
0x81: {  	_ =	shalt  }
0x82: {  	_ =	shalt  }
0x83: {  	_ =	shalt  }
0x84: {  	_ =	shalt  }
0x85: {  	_ =	shalt  }
0x86: {  	_ =	shalt  }
0x87: {  	_ =	shalt  }
.Lfunc_end0:
.L_simem_size_0:
called_computation.1_lowered:
.L_overlay_start_0:
0x88: {  	s2 =	sld [smem:$0x3FD9]  }
0x89: {  	s3 =	sld [smem:$0x3FFE];
	_ =	sdelay $0x1  }
0x8a: {  	s1 =	srdreg.scid  }
0x8b: {  	s0 =	sand.u32 $0x1, s1  }
0x8c: {  	s17 =	sshll.u32 s0, $0xA;
	s2 =	sadd.s32 s3, s2  }
0x8d: {  	s2 =	sadd.s32 s2, s17  }
0x8e: {  	[smem:$0x3FBA] =	sst s2  }
0x8f: {  	_ = 	snop  }
0x90: {  	s2 =	sld [smem:$0x3FD0];
	(tm) =	ssettm $0x1  }
0x91: {  	s18 =	sld [smem:$0x3FFB];
	_ =	sdelay $0x3  }
0x92: {  	_ =	strace s18  }
0x93: {  	s3 =	sld [smem:$0x3FFC];
	_ =	sdelay $0x3  }
0x94: {  	_ =	strace s3  }
0x95: {  	s3 =	sld [smem:$0x3FFD];
	_ =	sdelay $0x3  }
0x96: {  	_ =	strace s3  }
0x97: {  	_ =	strace $0x8FFFFFFF  }
0x98: {  	s19 =	sld [smem:$0x3FDB];
	_ =	sdelay $0x1  }
0x99: {  	s4 =	simm.s32 $_scs_section_size  }
0x9a: {  	s5 =	simm.s32 $_size__tile_overlayer_lowered;
	s6 =	simm.s32 $_tile_overlayer_lowered  }
0x9b: {  	s22 =	simm.s32 $0x1BFF;
	s21 =	sshll.u32 s6, $0x1;
	s3 =	sadd.s32 s4, s19  }
0x9c: {  	s7 =	simm.s32 $0x0;
	s20 =	sshll.u32 s5, $0x1;
	s5 =	sadd.s32 s21, s3  }
0x9d: {  	[timem:s7], [sflag:s22] =	dma.local [hbm:s5], s20  }
0x9e: {  	_ =	swait.ge [sflag:s22], s20  }
0x9f: {  	s4 =	ssub.s32 $0x0, s20;
	[sflag:s22] =	ssyncset.done $0x0  }
0xa0: {  	[sflag:s22] =	ssyncadd.s32 s4;
	_ =	sdelay $0x1  }
0xa1: {  	s23 =	simm.s32 $0x1B8B  }
0xa2: {  	_ =	swait.ge [sflag:s23], $0x1  }
0xa3: {  	[sflag:s23] =	ssyncset.done $0x0  }
0xa4: {  	s25 =	simm.s32 $0x1B8E;
	s24 =	sld [smem:$0x3FFE];
	[sflag:s23] =	ssyncadd.s32 $0xFFFFFFFF  }
0xa5: {  	s26 =	simm.s32 $execute0_lowered;
	[smem:$0x3FD2] =	sst s25  }
0xa6: {  	s5 =	sshll.u32 s26, $0x1;
	_ =	strace $0x80000049;
	[dreg:$0x1] =	wrdreg $0xFFFFFFFF  }
0xa7: {  	s28 =	simm.s32 $_size_execute0_lowered;
	s3 =	sadd.s32 s3, s5;
	[dreg:$0x0] =	wrdreg $0x0  }
0xa8: {  	s5 =	sshll.u32 s28, $0x1;
	[dreg:$0x2] =	wrdreg s3  }
0xa9: {  	[dreg:$0x3] =	wrdreg s5  }
0xaa: {  	[dreg:$0x4] =	wrdreg $0xC0  }
0xab: {  	_ =	task [dreg:s7], $0x5FFFF  }
0xac: {  	[dreg:$0x1] =	wrdreg $0xFFFFFFFF  }
0xad: {  	[dreg:$0x0] =	wrdreg $0x60  }
0xae: {  	[dreg:$0x2] =	wrdreg s2  }
0xaf: {  	[dreg:$0x3] =	wrdreg s24  }
0xb0: {  	[dreg:$0x4] =	wrdreg $0xA8000  }
0xb1: {  	[dreg:$0x5] =	wrdreg $0x9  }
0xb2: {  	_ =	task.clear_ibuf [dreg:s7], $0x6FFFF;
	_ =	strace $0x90000049  }
0xb3: {  	s29 =	simm.s32 $0x9;
	_ =	strace $0x8000004B  }
0xb4: {  	_ =	swait.ge [sflag:s29], $0x1  }
0xb5: {  	[sflag:s29] =	ssyncadd.s32 $0xFFFFFFFF  }
0xb6: {  	_ =	strace $0x9000004B  }
0xb7: {  	_ =	sfence  }
0xb8: {  	s30 =	sld [smem:$0x0];
	_ =	sdelay $0x2  }
0xb9: {  	s31 =	sshll.u32 s1, $0xD;
	s1 =	sshrl.u32 s1, $0x2  }
0xba: {  	s3 =	sand.u32 $0x4000, s31;
	s1 =	sadd.s32 s1, s30  }
0xbb: {  	s0 =	sor.u32 s3, s0;
	s1 =	sshll.u32 s1, $0x11  }
0xbc: {  	s0 =	sor.u32 s1, s0  }
0xbd: {  	s0 =	sadd.s32 $0x8F2B, s0  }
0xbe: {  	[sflag:s0] =	ssyncadd.remote.s32 $0x1  }
0xbf: {  	_ =	sfence.sel $0xFFFF  }
0xc0: {  	[dreg:$0x0] =	wrdreg $0xFFFFFFFF;
	(pc) =	sbr.abs _section_cstart, $3  }
0xc1: {  	[dreg:$0x1] =	wrdreg $0xFFFFFFFF  }
0xc2: {  	_ =	task.clear_ibuf [dreg:s7], $0x2FFFF;
	_ =	strace $0x9FFFFFFF  }
0xc3: {  	(tm) =	ssettm $0x7FFFFFFF  }
tec
execute0_lowered:
.L_overlay_start_1:
0x0: {  	(tag) =	ssettag $0x1  }
0x1: {  	s1 =	rddreg [dreg:$0x0]  }
0x2: {  	s5 =	rddreg [dreg:$0x1]  }
0x3: {  	s3 =	rddreg [dreg:$0x2]  }
0x4: {  	s0 =	rddreg [dreg:$0x3]  }
0x5: {  	s4 =	simm.s32 $0x0;
	s2 =	stileid.u32;
	s7 =	srdreg.scid  }
0x6: {  	s18 =	simm.s32 $0x2800;
	s19 =	simm.s32 $0x6800;
	s20 =	simm.s32 $0x1  }
0x7: {  	s21 =	simm.s32 $0x2;
	[smem:$0x7FF] =	sst s4;
	s6 =	smul.u32 $0x2780, s2  }
0x8: {  	s9 =	sadd.s32 $0xD600, s5;
	s10 =	sadd.s32 $0x3600, s5;
	s11 =	smul.u32 $0x4F000, s2  }
0x9: {  	s7 =	sand.u32 $0x1, s7;
	s12 =	sadd.s32 $0x3EE00, s5;
	s17 =	smul.u32 $0x13800, s2  }
0xa: {  	s23 =	sshll.u32 s2, $0x6;
	s28 =	smul.u32 $0x4E000, s2;
	p0 =	sne.s32 s2, $0xF  }
0xb: {  	_ =	strace $0x8000004A;
	s8 =	sshll.u32 s7, $0x4;
	s22 =	ssub.s32 $0x2, s7  }
0xc: {  	s24 =	smul.u32 $0x138800, s7;
	s6 =	sadd.s32 s6, s5;
	s8 =	sor.u32 s2, s8  }
0xd: {  	s13 =	sshrl.u32 s22, $0x1;
	s11 =	sshrl.u32 s11, $0x2;
	s31 =	sshrl.u32 s28, $0x2  }
0xe: {  	s14 =	smul.u32 $0x500, s8;
	s13 =	ssub.s32 s22, s13;
	s15 =	sadd.s32 s11, s3  }
0xf: {  	s8 =	smul.u32 $0x2800, s8;
	s5 =	sadd.s32 $0x17600, s6;
	s6 =	sor.u32 $0x1C03, s23  }
0x10: {  	s26 =	sadd.s32 s17, s24;
	s30 =	sshrl.u32 s24, $0x3;
	s24 =	sadd.s32 s31, s3  }
0x11: {  	s17 =	simm.s32 $0x80;
	s22 =	simm.s32 $0x2700;
	s23 =	simm.s32 $0x2780  }
0x12: {  	s29 =	sshrl.u32 s26, $0x3;
	s13 =	smax.u32 s13, $0x1;
	s24 =	sshrl.u32 s24, $0x3  }
0x13: {  	s26 =	simm.s32 $0x0;
	s16 =	sshrl.u32 s8, $0x3;
	s7 =	sadd.s32 s9, s14  }
0x14: {  	s8 =	sadd.s32 s10, s14;
	s11 =	sadd.s32 s12, s29;
	s12 =	sadd.s32 s12, s30  }
0x15: {  	s14 =	sshrl.u32 s15, $0x3;
	s15 =	simm.s32 $0x3;
	s25 =	sadd.s32 $0x280, s16  }
0x16: {  	s9 =	sadd.s32 s9, s25;
	s10 =	sadd.s32 s10, s25;
	s25 =	sadd.s32 $0x138000, s3  }
0x17: {  	s12 =	sadd.s32 $0x27000, s12;
	s16 =	simm.s32 $0x1400;
	s25 =	sshrl.u32 @!p0 s25, $0x3  }
.LBB2_1:
0x18: {  	[spmem:s14], [sflag:s6] =	dma.local [hbm:s5], $0x2780  }
0x19: {  	_ =	swait.ge [sflag:s15], $0x2780  }
0x1a: {  	[sflag:s15] =	ssyncset.done $0x0  }
0x1b: {  	[sflag:s15] =	ssyncadd.s32 $0xFFFFD880  }
0x1c: {  	[bflag:$0x0] =	sbarrier.arrive $0xFFFF  }
0x1d: {  	[tilespmem:s4], [sflag:$0x3] =	stream.linear.gather [hbm4b:s7+s4], $0x1400, $0x38;
	[tilespmem:$0x1E400] =	vst v63  }
0x1e: {  	_ =	swait.ge [sflag:s15], $0x1400  }
0x1f: {  	[sflag:s15] =	ssyncset.done $0x0  }
0x20: {  	[sflag:s15] =	ssyncadd.s32 $0xFFFFEC00  }
0x21: {  	[tilespmem:s16], [sflag:$0x3] =	stream.linear.gather [hbm4b:s8+s4], $0x1400, $0x38;
	[tilespmem:$0x1E400] =	vst v63  }
0x22: {  	_ =	swait.ge [sflag:s15], $0x1400  }
0x23: {  	[sflag:s15] =	ssyncset.done $0x0  }
0x24: {  	[sflag:s15] =	ssyncadd.s32 $0xFFFFEC00  }
0x25: {  	[tilespmem:s18], [sflag:$0x1] =	stream.indirect.gather [hbm4b:s1+s17], $0x80, s4, s17, $0xb8;
	[tilespmem:$0x1E400] =	vst v63  }
0x26: {  	_ = 	snop  }
0x27: {  	[tilespmem:s19], [sflag:$0x2] =	stream.indirect.gather [hbm4b:s1+s17], $0x80, s17, s17, $0xb8;
	[tilespmem:$0x1E400] =	vst v63  }
0x28: {  	_ =	swait.ge [sflag:s20], $0x4000  }
0x29: {  	[sflag:s20] =	ssyncset.done $0x0  }
0x2a: {  	s28 =	simm.s32 $0x1400;
	[sflag:s20] =	ssyncadd.s32 $0xFFFFC000  }
0x2b: {  	[spmem:s3] =	stream.indirect.scatter.add.f32 [tilespmem:s18], [sflag:$0x3], $0x80, s28, s17, $0xb8;
	[tilespmem:$0x1E400] =	vst v63  }
0x2c: {  	_ =	swait.ge [sflag:s15], $0x4000  }
0x2d: {  	[sflag:s15] =	ssyncset.done $0x0  }
0x2e: {  	s28 =	simm.s32 $0x100;
	[sflag:s15] =	ssyncadd.s32 $0xFFFFC000  }
0x2f: {  	[tilespmem:s18], [sflag:$0x1] =	stream.indirect.gather [hbm4b:s1+s17], $0x80, s28, s17, $0xb8;
	[tilespmem:$0x1E400] =	vst v63  }
0x30: {  	_ =	swait.ge [sflag:s21], $0x4000  }
0x31: {  	[sflag:s21] =	ssyncset.done $0x0  }
0x32: {  	s28 =	simm.s32 $0x1480;
	[sflag:s21] =	ssyncadd.s32 $0xFFFFC000  }
0x33: {  	[spmem:s3] =	stream.indirect.scatter.add.f32 [tilespmem:s19], [sflag:$0x3], $0x80, s28, s17, $0xb8;
	[tilespmem:$0x1E400] =	vst v63  }
0x34: {  	_ =	swait.ge [sflag:s15], $0x4000  }
0x35: {  	[sflag:s15] =	ssyncset.done $0x0  }
0x36: {  	s29 =	simm.s32 $0x180;
	s28 =	simm.s32 $0x400;
	[sflag:s15] =	ssyncadd.s32 $0xFFFFC000  }
.LBB2_2:
0x37: {  	[tilespmem:s19], [sflag:$0x2] =	stream.indirect.gather [hbm4b:s1+s17], $0x80, s29, s17, $0xb8;
	[tilespmem:$0x1E400] =	vst v63  }
0x38: {  	s29 =	smov.u32 s28  }
0x39: {  	p1 =	sne.s32 s28, $0x4800;
	s28 =	sadd.s32 $0x400, s28;
	_ =	swait.ge [sflag:s20], $0x4000  }
0x3a: {  	s29 =	sshra.s32 s29, $0x2;
	[sflag:s20] =	ssyncset.done $0x0  }
0x3b: {  	s30 =	sadd.s32 $0x1400, s29;
	[sflag:s20] =	ssyncadd.s32 $0xFFFFC000  }
0x3c: {  	[spmem:s3] =	stream.indirect.scatter.add.f32 [tilespmem:s18], [sflag:$0x3], $0x80, s30, s17, $0xb8;
	[tilespmem:$0x1E400] =	vst v63  }
0x3d: {  	_ =	swait.ge [sflag:s15], $0x4000  }
0x3e: {  	[sflag:s15] =	ssyncset.done $0x0  }
0x3f: {  	s30 =	sadd.s32 $0x100, s29;
	[sflag:s15] =	ssyncadd.s32 $0xFFFFC000  }
0x40: {  	[tilespmem:s18], [sflag:$0x1] =	stream.indirect.gather [hbm4b:s1+s17], $0x80, s30, s17, $0xb8;
	[tilespmem:$0x1E400] =	vst v63  }
0x41: {  	_ =	swait.ge [sflag:s21], $0x4000  }
0x42: {  	[sflag:s21] =	ssyncset.done $0x0  }
.Ltmp0:
0x43: {  	s30 =	sadd.s32 $0x1480, s29;
	[sflag:s21] =	ssyncadd.s32 $0xFFFFC000;
	(pc) =	sbr.rel @p1 .LBB2_2-.Ltmp0, $4  }
0x44: {  	[spmem:s3] =	stream.indirect.scatter.add.f32 [tilespmem:s19], [sflag:$0x3], $0x80, s30, s17, $0xb8;
	[tilespmem:$0x1E400] =	vst v63  }
0x45: {  	_ =	swait.ge [sflag:s15], $0x4000  }
0x46: {  	[sflag:s15] =	ssyncset.done $0x0  }
0x47: {  	s29 =	sadd.s32 $0x180, s29;
	[sflag:s15] =	ssyncadd.s32 $0xFFFFC000  }
0x48: {  	[tilespmem:s19], [sflag:$0x2] =	stream.indirect.gather [hbm4b:s1+s17], $0x80, s29, s17, $0xb8;
	[tilespmem:$0x1E400] =	vst v63  }
0x49: {  	_ =	swait.ge [sflag:s20], $0x4000  }
0x4a: {  	[sflag:s20] =	ssyncset.done $0x0  }
0x4b: {  	[sflag:s20] =	ssyncadd.s32 $0xFFFFC000  }
0x4c: {  	[spmem:s3] =	stream.indirect.scatter.add.f32 [tilespmem:s18], [sflag:$0x3], $0x80, s22, s17, $0xb8;
	[tilespmem:$0x1E400] =	vst v63  }
0x4d: {  	_ =	swait.ge [sflag:s15], $0x4000  }
0x4e: {  	[sflag:s15] =	ssyncset.done $0x0  }
0x4f: {  	[sflag:s15] =	ssyncadd.s32 $0xFFFFC000  }
0x50: {  	_ =	swait.ge [sflag:s21], $0x4000  }
0x51: {  	[sflag:s21] =	ssyncset.done $0x0  }
0x52: {  	[sflag:s21] =	ssyncadd.s32 $0xFFFFC000  }
0x53: {  	[spmem:s3] =	stream.indirect.scatter.add.f32 [tilespmem:s19], [sflag:$0x3], $0x80, s23, s17, $0xb8;
	[tilespmem:$0x1E400] =	vst v63  }
0x54: {  	_ =	swait.ge [sflag:s15], $0x4000  }
0x55: {  	[sflag:s15] =	ssyncset.done $0x0  }
0x56: {  	s28 =	simm.s32 $0x0;
	[sflag:s15] =	ssyncadd.s32 $0xFFFFC000  }
0x57: {  	[tilespmem:s28], [sflag:$0x3] =	stream.linear.gather [hbm4b:s9+s28], $0x1400, $0x38;
	[tilespmem:$0x1E400] =	vst v63  }
0x58: {  	_ =	swait.ge [sflag:s15], $0x1400  }
0x59: {  	[sflag:s15] =	ssyncset.done $0x0  }
0x5a: {  	[sflag:s15] =	ssyncadd.s32 $0xFFFFEC00  }
0x5b: {  	[tilespmem:s16], [sflag:$0x3] =	stream.linear.gather [hbm4b:s10+s28], $0x1400, $0x38;
	[tilespmem:$0x1E400] =	vst v63  }
0x5c: {  	_ =	swait.ge [sflag:s15], $0x1400  }
0x5d: {  	[sflag:s15] =	ssyncset.done $0x0  }
0x5e: {  	[sflag:s15] =	ssyncadd.s32 $0xFFFFEC00  }
0x5f: {  	[tilespmem:s18], [sflag:$0x1] =	stream.indirect.gather [hbm4b:s1+s17], $0x80, s28, s17, $0xb8;
	[tilespmem:$0x1E400] =	vst v63  }
0x60: {  	_ = 	snop  }
0x61: {  	[tilespmem:s19], [sflag:$0x2] =	stream.indirect.gather [hbm4b:s1+s17], $0x80, s17, s17, $0xb8;
	[tilespmem:$0x1E400] =	vst v63  }
0x62: {  	_ =	swait.ge [sflag:s20], $0x4000  }
0x63: {  	[sflag:s20] =	ssyncset.done $0x0  }
0x64: {  	s28 =	simm.s32 $0x1400;
	[sflag:s20] =	ssyncadd.s32 $0xFFFFC000  }
0x65: {  	[spmem:s3] =	stream.indirect.scatter.add.f32 [tilespmem:s18], [sflag:$0x3], $0x80, s28, s17, $0xb8;
	[tilespmem:$0x1E400] =	vst v63  }
0x66: {  	_ =	swait.ge [sflag:s15], $0x4000  }
0x67: {  	[sflag:s15] =	ssyncset.done $0x0  }
0x68: {  	s28 =	simm.s32 $0x100;
	[sflag:s15] =	ssyncadd.s32 $0xFFFFC000  }
0x69: {  	[tilespmem:s18], [sflag:$0x1] =	stream.indirect.gather [hbm4b:s1+s17], $0x80, s28, s17, $0xb8;
	[tilespmem:$0x1E400] =	vst v63  }
0x6a: {  	_ =	swait.ge [sflag:s21], $0x4000  }
0x6b: {  	[sflag:s21] =	ssyncset.done $0x0  }
0x6c: {  	s28 =	simm.s32 $0x1480;
	[sflag:s21] =	ssyncadd.s32 $0xFFFFC000  }
0x6d: {  	[spmem:s3] =	stream.indirect.scatter.add.f32 [tilespmem:s19], [sflag:$0x3], $0x80, s28, s17, $0xb8;
	[tilespmem:$0x1E400] =	vst v63  }
0x6e: {  	_ =	swait.ge [sflag:s15], $0x4000  }
0x6f: {  	[sflag:s15] =	ssyncset.done $0x0  }
0x70: {  	s29 =	simm.s32 $0x180;
	s28 =	simm.s32 $0x400;
	[sflag:s15] =	ssyncadd.s32 $0xFFFFC000  }
.LBB2_4:
0x71: {  	[tilespmem:s19], [sflag:$0x2] =	stream.indirect.gather [hbm4b:s1+s17], $0x80, s29, s17, $0xb8;
	[tilespmem:$0x1E400] =	vst v63  }
0x72: {  	s29 =	smov.u32 s28  }
0x73: {  	p1 =	sne.s32 s28, $0x4800;
	s28 =	sadd.s32 $0x400, s28;
	_ =	swait.ge [sflag:s20], $0x4000  }
0x74: {  	s29 =	sshra.s32 s29, $0x2;
	[sflag:s20] =	ssyncset.done $0x0  }
0x75: {  	s30 =	sadd.s32 $0x1400, s29;
	[sflag:s20] =	ssyncadd.s32 $0xFFFFC000  }
0x76: {  	[spmem:s3] =	stream.indirect.scatter.add.f32 [tilespmem:s18], [sflag:$0x3], $0x80, s30, s17, $0xb8;
	[tilespmem:$0x1E400] =	vst v63  }
0x77: {  	_ =	swait.ge [sflag:s15], $0x4000  }
0x78: {  	[sflag:s15] =	ssyncset.done $0x0  }
0x79: {  	s30 =	sadd.s32 $0x100, s29;
	[sflag:s15] =	ssyncadd.s32 $0xFFFFC000  }
0x7a: {  	[tilespmem:s18], [sflag:$0x1] =	stream.indirect.gather [hbm4b:s1+s17], $0x80, s30, s17, $0xb8;
	[tilespmem:$0x1E400] =	vst v63  }
0x7b: {  	_ =	swait.ge [sflag:s21], $0x4000  }
0x7c: {  	[sflag:s21] =	ssyncset.done $0x0  }
.Ltmp1:
0x7d: {  	s30 =	sadd.s32 $0x1480, s29;
	[sflag:s21] =	ssyncadd.s32 $0xFFFFC000;
	(pc) =	sbr.rel @p1 .LBB2_4-.Ltmp1, $4  }
0x7e: {  	[spmem:s3] =	stream.indirect.scatter.add.f32 [tilespmem:s19], [sflag:$0x3], $0x80, s30, s17, $0xb8;
	[tilespmem:$0x1E400] =	vst v63  }
0x7f: {  	_ =	swait.ge [sflag:s15], $0x4000  }
0x80: {  	[sflag:s15] =	ssyncset.done $0x0  }
0x81: {  	s29 =	sadd.s32 $0x180, s29;
	[sflag:s15] =	ssyncadd.s32 $0xFFFFC000  }
0x82: {  	[tilespmem:s19], [sflag:$0x2] =	stream.indirect.gather [hbm4b:s1+s17], $0x80, s29, s17, $0xb8;
	[tilespmem:$0x1E400] =	vst v63  }
0x83: {  	_ =	swait.ge [sflag:s20], $0x4000  }
0x84: {  	[sflag:s20] =	ssyncset.done $0x0  }
0x85: {  	[sflag:s20] =	ssyncadd.s32 $0xFFFFC000  }
0x86: {  	[spmem:s3] =	stream.indirect.scatter.add.f32 [tilespmem:s18], [sflag:$0x3], $0x80, s22, s17, $0xb8;
	[tilespmem:$0x1E400] =	vst v63  }
0x87: {  	_ =	swait.ge [sflag:s15], $0x4000  }
0x88: {  	[sflag:s15] =	ssyncset.done $0x0  }
0x89: {  	[sflag:s15] =	ssyncadd.s32 $0xFFFFC000  }
0x8a: {  	_ =	swait.ge [sflag:s21], $0x4000  }
0x8b: {  	[sflag:s21] =	ssyncset.done $0x0  }
0x8c: {  	[sflag:s21] =	ssyncadd.s32 $0xFFFFC000  }
0x8d: {  	[spmem:s3] =	stream.indirect.scatter.add.f32 [tilespmem:s19], [sflag:$0x3], $0x80, s23, s17, $0xb8;
	[tilespmem:$0x1E400] =	vst v63  }
0x8e: {  	_ =	swait.ge [sflag:s15], $0x4000  }
0x8f: {  	[sflag:s15] =	ssyncset.done $0x0  }
0x90: {  	[sflag:s15] =	ssyncadd.s32 $0xFFFFC000  }
0x91: {  	[bflag:$0x0] =	sbarrier.arrive $0xFFFF  }
0x92: {  	[hbm:s11], [sflag:s6] =	dma.local [spmem:s24], $0x2700  }
0x93: {  	s26 =	sadd.s32 $0x1, s26;
	_ =	swait.ge [sflag:s15], $0x2700  }
0x94: {  	p1 =	sne.s32 s26, s13;
	[sflag:s15] =	ssyncset.done $0x0  }
.Ltmp2:
0x95: {  	s28 =	simm.s32 @!p0 $0x3;
	[sflag:s15] =	ssyncadd.s32 $0xFFFFD900;
	(pc) =	sbr.rel @p1 .LBB2_1-.Ltmp2, $4  }
0x96: {  	[hbm:s12], [sflag:s6] =	dma.local @!p0 [spmem:s25], $0x100  }
0x97: {  	_ =	swait.ge @!p0 [sflag:s28], $0x100  }
0x98: {  	[sflag:s28] =	ssyncset.done @!p0 $0x0  }
0x99: {  	[sflag:s28] =	ssyncadd.s32 @!p0 $0xFFFFFF00  }
0x9a: {  	_ =	sfence.sel $0x180000  }
0x9b: {  	[bflag:$0x0] =	sbarrier.arrive $0xFFFF  }
0x9c: {  	p0 =	sne.s32 s2, $0x0;
	_ =	strace $0x9000004A  }
0x9d: {  	s0 =	sadd.s32 @!p0 $0x100000, s0;
	[bflag:$0x2] =	sbarrier.arrive $0xFFFF  }
0x9e: {  	[sflag:s0] =	ssyncadd.tile.s32 @!p0 $0x1;
	_ =	shalt  }
.Lfunc_end2:
_tile_overlayer_lowered:
.L_overlay_start_2:
0x9f: {  	(tag) =	ssettag $0x2  }
0xa0: {  	s0 =	rddreg [dreg:$0x0];
	s2 =	stileid.u32  }
0xa1: {  	s1 =	rddreg [dreg:$0x1];
	p0 =	sne.s32 s2, $0x0  }
0xa2: {  	s3 =	rddreg [dreg:$0x2];
	[bflag:$0x3] =	sbarrier.arrive $0xFFFF;
	s2 =	simm.s32 @!p0 $0x1C03  }
0xa3: {  	[timem:s3], [sflag:s2] =	dma.local @!p0 [hbm:s0], s1  }
0xa4: {  	s0 =	simm.s32 @!p0 $0x3  }
0xa5: {  	_ =	swait.ge @!p0 [sflag:s0], s1  }
0xa6: {  	s1 =	ssub.s32 @!p0 $0x0, s1;
	[sflag:s0] =	ssyncset.done @!p0 $0x0  }
0xa7: {  	[sflag:s0] =	ssyncadd.s32 @!p0 s1  }
0xa8: {  	[bflag:$0x3] =	sbarrier.arrive $0xFFFF  }
0xa9: {  	_ =	shalt  }

// kernel: kernel.7.cloned.1.call-start
scs
__scs_entry_jumppad:
0x0: {  	(pc) =	sbr.rel $0x88, $3  }
0x1: {  	(tag) =	ssettag $0x0;
	lr =	simm.s32 $0x1  }
0x2: {  	[smem:$0x3F93] =	sst lr;
	_ =	strace $0xD0000000  }
0x3: {  	_ = 	snop  }
0x4: {  	_ = 	snop  }
0x5: {  	_ = 	snop  }
0x6: {  	_ = 	snop  }
0x7: {  	_ = 	snop  }
__scs_overlays_trampoline_lowered:
0x8: {  	[smem:$0x3FA2] =	sst s0  }
0x9: {  	[smem:$0x3FA3] =	sst s1  }
0xa: {  	[smem:$0x3FA4] =	sst s2  }
0xb: {  	[smem:$0x3FA5] =	sst s3  }
0xc: {  	[smem:$0x3FA6] =	sst s4  }
0xd: {  	[smem:$0x3FA7] =	sst s5  }
0xe: {  	[smem:$0x3FA8] =	sst s6  }
0xf: {  	[smem:$0x3FA9] =	sst s7  }
0x10: {  	[smem:$0x3FAA] =	sst s8  }
0x11: {  	[smem:$0x3FAB] =	sst s9;
	s0 =	simm.s32 @!p0 $0x0  }
0x12: {  	s1 =	sld [smem:$0x3F91];
	s0 =	simm.s32 @p0 $0x1  }
0x13: {  	[smem:$0x3FAC] =	sst s0;
	s0 =	simm.s32 @!p1 $0x0  }
0x14: {  	s2 =	sld [smem:$0x3F90];
	s0 =	simm.s32 @p1 $0x1  }
0x15: {  	[smem:$0x3FAD] =	sst s0;
	s0 =	simm.s32 @!p2 $0x0  }
0x16: {  	s3 =	sld [smem:$0x3FDB];
	s0 =	simm.s32 @p2 $0x1  }
0x17: {  	s4 =	simm.s32 $0x1BF5;
	[smem:$0x3FAF] =	sst s0  }
0x18: {  	s0 =	sld [smem:$0x3F92];
	_ =	swait.ge [sflag:s4], $0x0  }
0x19: {  	s7 =	sld [smem:$0x3F93]  }
0x1a: {  	s8 =	sadd.s32 $0xFFFFE003, lr  }
0x1b: {  	s9 =	sadd.s32 $0xFFFFFEF7, lr;
	s5 =	simm.s32 $0xFFFFFFFF;
	p2 =	slt.u32 s8, $0xFFFFF086  }
0x1c: {  	p1 =	slt.u32 s9, $0xF7A;
	s5 =	simm.s32 @!p2 $0x0  }
0x1d: {  	s5 =	simm.s32 @p1 $0x1;
	p0 =	seq.s32 s7, s2  }
0x1e: {  	s7 =	smul.u32 @!p0 $0xF7A, s2;
	p2 =	seq.s32 @!p0 s5, $0x0  }
0x1f: {  	s9 =	smul.u32 $0xF7A, s1;
	s8 =	simm.s32 @!p0 $0x1BF5;
	p2 =	por !p2, p0  }
0x20: {  	[sflag:s8] =	ssyncset.s32 @!p0 $0xFFFFF086;
	s6 =	sadd.s32 @!p0 s3, s7;
	s7 =	simm.s32 @!p0 $0x108  }
0x21: {  	s3 =	sadd.s32 s3, s9;
	s6 =	sadd.s32 @!p0 $0x88, s6;
	s7 =	simm.s32 @p2 $0x1082  }
0x22: {  	[simem:s7], [sflag:s8] =	dma.local @!p0 [hbm:s6], $0xF7A  }
0x23: {  	s9 =	sor.u32 $0xD0000000, s2;
	s6 =	simm.s32 $0x108;
	_ =	swait.ge @!p0 [sflag:s8], $0x0  }
0x24: {  	s3 =	sadd.s32 $0x88, s3;
	s6 =	simm.s32 @!p1 $0x1082;
	[sflag:s4] =	ssyncset.s32 $0xFFFFF086  }
0x25: {  	[simem:s6], [sflag:s4] =	dma.local [hbm:s3], $0xF7A  }
0x26: {  	[smem:$0x3F93] =	sst s1;
	(tag) =	ssettag s2;
	_ =	strace s9  }
0x27: {  	s1 =	sld [smem:$0x3FA3]  }
0x28: {  	s2 =	sld [smem:$0x3FA4]  }
0x29: {  	s4 =	sld [smem:$0x3FA6]  }
0x2a: {  	p0 =	seq.s32 s5, $0x0;
	s5 =	sld [smem:$0x3FA7]  }
0x2b: {  	s6 =	sld [smem:$0x3FA8]  }
0x2c: {  	s7 =	sld [smem:$0x3FA9]  }
0x2d: {  	s3 =	simm.s32 $0x108;
	s8 =	sld [smem:$0x3FAA]  }
0x2e: {  	s3 =	simm.s32 @!p0 $0x1082;
	s9 =	sld [smem:$0x3FAB]  }
0x2f: {  	lr =	sadd.s32 s0, s3;
	s0 =	sld [smem:$0x3FA2]  }
0x30: {  	s3 =	sld [smem:$0x3FA5]  }
0x31: {  	[smem:$0x3FAE] =	sst s10  }
0x32: {  	s10 =	sld [smem:$0x3FAC];
	_ =	sdelay $0x3  }
0x33: {  	p0 =	seq.s32 s10, $0x1;
	s10 =	sld [smem:$0x3FAE];
	_ =	sdelay $0x3  }
0x34: {  	[smem:$0x3FAE] =	sst s10  }
0x35: {  	s10 =	sld [smem:$0x3FAD];
	_ =	sdelay $0x3  }
0x36: {  	p1 =	seq.s32 s10, $0x1;
	s10 =	sld [smem:$0x3FAE];
	_ =	sdelay $0x3  }
0x37: {  	[smem:$0x3FAE] =	sst s10  }
0x38: {  	s10 =	sld [smem:$0x3FAF]  }
0x39: {  	_ = 	snop;
	(pc) =	sbr.ind lr, $3  }
0x3a: {  	_ = 	snop  }
0x3b: {  	_ = 	snop  }
0x3c: {  	p2 =	seq.s32 s10, $0x1;
	s10 =	sld [smem:$0x3FAE]  }
0x3d: {  	_ =	shalt  }
0x3e: {  	_ =	shalt  }
0x3f: {  	_ =	shalt  }
0x40: {  	_ =	shalt  }
0x41: {  	_ =	shalt  }
0x42: {  	_ =	shalt  }
0x43: {  	_ =	shalt  }
0x44: {  	_ =	shalt  }
0x45: {  	_ =	shalt  }
0x46: {  	_ =	shalt  }
0x47: {  	_ =	shalt  }
0x48: {  	_ =	shalt  }
0x49: {  	_ =	shalt  }
0x4a: {  	_ =	shalt  }
0x4b: {  	_ =	shalt  }
0x4c: {  	_ =	shalt  }
0x4d: {  	_ =	shalt  }
0x4e: {  	_ =	shalt  }
0x4f: {  	_ =	shalt  }
0x50: {  	_ =	shalt  }
0x51: {  	_ =	shalt  }
0x52: {  	_ =	shalt  }
0x53: {  	_ =	shalt  }
0x54: {  	_ =	shalt  }
0x55: {  	_ =	shalt  }
0x56: {  	_ =	shalt  }
0x57: {  	_ =	shalt  }
0x58: {  	_ =	shalt  }
0x59: {  	_ =	shalt  }
0x5a: {  	_ =	shalt  }
0x5b: {  	_ =	shalt  }
0x5c: {  	_ =	shalt  }
0x5d: {  	_ =	shalt  }
0x5e: {  	_ =	shalt  }
0x5f: {  	_ =	shalt  }
0x60: {  	_ =	shalt  }
0x61: {  	_ =	shalt  }
0x62: {  	_ =	shalt  }
0x63: {  	_ =	shalt  }
0x64: {  	_ =	shalt  }
0x65: {  	_ =	shalt  }
0x66: {  	_ =	shalt  }
0x67: {  	_ =	shalt  }
0x68: {  	_ =	shalt  }
0x69: {  	_ =	shalt  }
0x6a: {  	_ =	shalt  }
0x6b: {  	_ =	shalt  }
0x6c: {  	_ =	shalt  }
0x6d: {  	_ =	shalt  }
0x6e: {  	_ =	shalt  }
0x6f: {  	_ =	shalt  }
0x70: {  	_ =	shalt  }
0x71: {  	_ =	shalt  }
0x72: {  	_ =	shalt  }
0x73: {  	_ =	shalt  }
0x74: {  	_ =	shalt  }
0x75: {  	_ =	shalt  }
0x76: {  	_ =	shalt  }
0x77: {  	_ =	shalt  }
0x78: {  	_ =	shalt  }
0x79: {  	_ =	shalt  }
0x7a: {  	_ =	shalt  }
0x7b: {  	_ =	shalt  }
0x7c: {  	_ =	shalt  }
0x7d: {  	_ =	shalt  }
0x7e: {  	_ =	shalt  }
0x7f: {  	_ =	shalt  }
0x80: {  	_ =	shalt  }
0x81: {  	_ =	shalt  }
0x82: {  	_ =	shalt  }
0x83: {  	_ =	shalt  }
0x84: {  	_ =	shalt  }
0x85: {  	_ =	shalt  }
0x86: {  	_ =	shalt  }
0x87: {  	_ =	shalt  }
.Lfunc_end0:
.L_simem_size_0:
called_computation_lowered:
.L_overlay_start_0:
0x88: {  	s2 =	sld [smem:$0x3FD9]  }
0x89: {  	s3 =	sld [smem:$0x3FFE];
	_ =	sdelay $0x1  }
0x8a: {  	s1 =	srdreg.scid  }
0x8b: {  	s0 =	sand.u32 $0x1, s1  }
0x8c: {  	s17 =	sshll.u32 s0, $0xA;
	s2 =	sadd.s32 s3, s2  }
0x8d: {  	s2 =	sadd.s32 s2, s17  }
0x8e: {  	[smem:$0x3FBA] =	sst s2  }
0x8f: {  	_ = 	snop  }
0x90: {  	s2 =	sld [smem:$0x3FD0];
	(tm) =	ssettm $0x1  }
0x91: {  	s18 =	sld [smem:$0x3FFB];
	_ =	sdelay $0x3  }
0x92: {  	_ =	strace s18  }
0x93: {  	s3 =	sld [smem:$0x3FFC];
	_ =	sdelay $0x3  }
0x94: {  	_ =	strace s3  }
0x95: {  	s3 =	sld [smem:$0x3FFD];
	_ =	sdelay $0x3  }
0x96: {  	_ =	strace s3  }
0x97: {  	_ =	strace $0x8FFFFFFF  }
0x98: {  	s19 =	sld [smem:$0x3FDB];
	_ =	sdelay $0x1  }
0x99: {  	s4 =	simm.s32 $_scs_section_size  }
0x9a: {  	s5 =	simm.s32 $_size__tile_overlayer_lowered;
	s6 =	simm.s32 $_tile_overlayer_lowered  }
0x9b: {  	s22 =	simm.s32 $0x1BFF;
	s21 =	sshll.u32 s6, $0x1;
	s3 =	sadd.s32 s4, s19  }
0x9c: {  	s7 =	simm.s32 $0x0;
	s20 =	sshll.u32 s5, $0x1;
	s5 =	sadd.s32 s21, s3  }
0x9d: {  	[timem:s7], [sflag:s22] =	dma.local [hbm:s5], s20  }
0x9e: {  	_ =	swait.ge [sflag:s22], s20  }
0x9f: {  	s4 =	ssub.s32 $0x0, s20;
	[sflag:s22] =	ssyncset.done $0x0  }
0xa0: {  	[sflag:s22] =	ssyncadd.s32 s4;
	_ =	sdelay $0x1  }
0xa1: {  	s23 =	simm.s32 $0x1B8B  }
0xa2: {  	_ =	swait.ge [sflag:s23], $0x1  }
0xa3: {  	[sflag:s23] =	ssyncset.done $0x0  }
0xa4: {  	s25 =	simm.s32 $0x1B8E;
	s24 =	sld [smem:$0x3FFE];
	[sflag:s23] =	ssyncadd.s32 $0xFFFFFFFF  }
0xa5: {  	s26 =	simm.s32 $execute0_lowered;
	[smem:$0x3FD2] =	sst s25  }
0xa6: {  	s5 =	sshll.u32 s26, $0x1;
	_ =	strace $0x80000046;
	[dreg:$0x1] =	wrdreg $0xFFFFFFFF  }
0xa7: {  	s28 =	simm.s32 $_size_execute0_lowered;
	s3 =	sadd.s32 s3, s5;
	[dreg:$0x0] =	wrdreg $0x0  }
0xa8: {  	s5 =	sshll.u32 s28, $0x1;
	[dreg:$0x2] =	wrdreg s3  }
0xa9: {  	[dreg:$0x3] =	wrdreg s5  }
0xaa: {  	[dreg:$0x4] =	wrdreg $0xC0  }
0xab: {  	_ =	task [dreg:s7], $0x5FFFF  }
0xac: {  	[dreg:$0x1] =	wrdreg $0xFFFFFFFF  }
0xad: {  	[dreg:$0x0] =	wrdreg $0x60  }
0xae: {  	[dreg:$0x2] =	wrdreg s2  }
0xaf: {  	[dreg:$0x3] =	wrdreg s24  }
0xb0: {  	[dreg:$0x4] =	wrdreg $0xA8000  }
0xb1: {  	[dreg:$0x5] =	wrdreg $0x9  }
0xb2: {  	_ =	task.clear_ibuf [dreg:s7], $0x6FFFF;
	_ =	strace $0x90000046  }
0xb3: {  	s29 =	simm.s32 $0x9;
	_ =	strace $0x80000048  }
0xb4: {  	_ =	swait.ge [sflag:s29], $0x1  }
0xb5: {  	[sflag:s29] =	ssyncadd.s32 $0xFFFFFFFF  }
0xb6: {  	_ =	strace $0x90000048  }
0xb7: {  	_ =	sfence  }
0xb8: {  	s30 =	sld [smem:$0x0];
	_ =	sdelay $0x2  }
0xb9: {  	s31 =	sshll.u32 s1, $0xD;
	s1 =	sshrl.u32 s1, $0x2  }
0xba: {  	s3 =	sand.u32 $0x4000, s31;
	s1 =	sadd.s32 s1, s30  }
0xbb: {  	s0 =	sor.u32 s3, s0;
	s1 =	sshll.u32 s1, $0x11  }
0xbc: {  	s0 =	sor.u32 s1, s0  }
0xbd: {  	s0 =	sadd.s32 $0x8F2B, s0  }
0xbe: {  	[sflag:s0] =	ssyncadd.remote.s32 $0x1  }
0xbf: {  	_ =	sfence.sel $0xFFFF  }
0xc0: {  	[dreg:$0x0] =	wrdreg $0xFFFFFFFF;
	(pc) =	sbr.abs _section_cstart, $3  }
0xc1: {  	[dreg:$0x1] =	wrdreg $0xFFFFFFFF  }
0xc2: {  	_ =	task.clear_ibuf [dreg:s7], $0x2FFFF;
	_ =	strace $0x9FFFFFFF  }
0xc3: {  	(tm) =	ssettm $0x7FFFFFFF  }
tec
execute0_lowered:
.L_overlay_start_1:
0x0: {  	(tag) =	ssettag $0x1  }
0x1: {  	s1 =	rddreg [dreg:$0x0]  }
0x2: {  	s5 =	rddreg [dreg:$0x1]  }
0x3: {  	s3 =	rddreg [dreg:$0x2]  }
0x4: {  	s0 =	rddreg [dreg:$0x3]  }
0x5: {  	s4 =	simm.s32 $0x0;
	s2 =	stileid.u32;
	s7 =	srdreg.scid  }
0x6: {  	s18 =	simm.s32 $0x2800;
	s19 =	simm.s32 $0x6800;
	s20 =	simm.s32 $0x1  }
0x7: {  	s21 =	simm.s32 $0x2;
	[smem:$0x7FF] =	sst s4;
	s6 =	smul.u32 $0x2780, s2  }
0x8: {  	s9 =	sadd.s32 $0xD600, s5;
	s10 =	sadd.s32 $0x3600, s5;
	s11 =	smul.u32 $0x4F000, s2  }
0x9: {  	s7 =	sand.u32 $0x1, s7;
	s12 =	sadd.s32 $0x3EE00, s5;
	s17 =	smul.u32 $0x13800, s2  }
0xa: {  	s23 =	sshll.u32 s2, $0x6;
	s28 =	smul.u32 $0x4E000, s2;
	p0 =	sne.s32 s2, $0xF  }
0xb: {  	_ =	strace $0x80000047;
	s8 =	sshll.u32 s7, $0x4;
	s22 =	ssub.s32 $0x2, s7  }
0xc: {  	s24 =	smul.u32 $0x138800, s7;
	s6 =	sadd.s32 s6, s5;
	s8 =	sor.u32 s2, s8  }
0xd: {  	s13 =	sshrl.u32 s22, $0x1;
	s11 =	sshrl.u32 s11, $0x2;
	s31 =	sshrl.u32 s28, $0x2  }
0xe: {  	s14 =	smul.u32 $0x500, s8;
	s13 =	ssub.s32 s22, s13;
	s15 =	sadd.s32 s11, s3  }
0xf: {  	s8 =	smul.u32 $0x2800, s8;
	s5 =	sadd.s32 $0x17600, s6;
	s6 =	sor.u32 $0x1C03, s23  }
0x10: {  	s26 =	sadd.s32 s17, s24;
	s30 =	sshrl.u32 s24, $0x3;
	s24 =	sadd.s32 s31, s3  }
0x11: {  	s17 =	simm.s32 $0x80;
	s22 =	simm.s32 $0x2700;
	s23 =	simm.s32 $0x2780  }
0x12: {  	s29 =	sshrl.u32 s26, $0x3;
	s13 =	smax.u32 s13, $0x1;
	s24 =	sshrl.u32 s24, $0x3  }
0x13: {  	s26 =	simm.s32 $0x0;
	s16 =	sshrl.u32 s8, $0x3;
	s7 =	sadd.s32 s9, s14  }
0x14: {  	s8 =	sadd.s32 s10, s14;
	s11 =	sadd.s32 s12, s29;
	s12 =	sadd.s32 s12, s30  }
0x15: {  	s14 =	sshrl.u32 s15, $0x3;
	s15 =	simm.s32 $0x3;
	s25 =	sadd.s32 $0x280, s16  }
0x16: {  	s9 =	sadd.s32 s9, s25;
	s10 =	sadd.s32 s10, s25;
	s25 =	sadd.s32 $0x138000, s3  }
0x17: {  	s12 =	sadd.s32 $0x27000, s12;
	s16 =	simm.s32 $0x1400;
	s25 =	sshrl.u32 @!p0 s25, $0x3  }
.LBB2_1:
0x18: {  	[spmem:s14], [sflag:s6] =	dma.local [hbm:s5], $0x2780  }
0x19: {  	_ =	swait.ge [sflag:s15], $0x2780  }
0x1a: {  	[sflag:s15] =	ssyncset.done $0x0  }
0x1b: {  	[sflag:s15] =	ssyncadd.s32 $0xFFFFD880  }
0x1c: {  	[bflag:$0x0] =	sbarrier.arrive $0xFFFF  }
0x1d: {  	[tilespmem:s4], [sflag:$0x3] =	stream.linear.gather [hbm4b:s7+s4], $0x1400, $0x38;
	[tilespmem:$0x1E400] =	vst v63  }
0x1e: {  	_ =	swait.ge [sflag:s15], $0x1400  }
0x1f: {  	[sflag:s15] =	ssyncset.done $0x0  }
0x20: {  	[sflag:s15] =	ssyncadd.s32 $0xFFFFEC00  }
0x21: {  	[tilespmem:s16], [sflag:$0x3] =	stream.linear.gather [hbm4b:s8+s4], $0x1400, $0x38;
	[tilespmem:$0x1E400] =	vst v63  }
0x22: {  	_ =	swait.ge [sflag:s15], $0x1400  }
0x23: {  	[sflag:s15] =	ssyncset.done $0x0  }
0x24: {  	[sflag:s15] =	ssyncadd.s32 $0xFFFFEC00  }
0x25: {  	[tilespmem:s18], [sflag:$0x1] =	stream.indirect.gather [hbm4b:s1+s17], $0x80, s4, s17, $0xb8;
	[tilespmem:$0x1E400] =	vst v63  }
0x26: {  	_ = 	snop  }
0x27: {  	[tilespmem:s19], [sflag:$0x2] =	stream.indirect.gather [hbm4b:s1+s17], $0x80, s17, s17, $0xb8;
	[tilespmem:$0x1E400] =	vst v63  }
0x28: {  	_ =	swait.ge [sflag:s20], $0x4000  }
0x29: {  	[sflag:s20] =	ssyncset.done $0x0  }
0x2a: {  	s28 =	simm.s32 $0x1400;
	[sflag:s20] =	ssyncadd.s32 $0xFFFFC000  }
0x2b: {  	[spmem:s3] =	stream.indirect.scatter.add.f32 [tilespmem:s18], [sflag:$0x3], $0x80, s28, s17, $0xb8;
	[tilespmem:$0x1E400] =	vst v63  }
0x2c: {  	_ =	swait.ge [sflag:s15], $0x4000  }
0x2d: {  	[sflag:s15] =	ssyncset.done $0x0  }
0x2e: {  	s28 =	simm.s32 $0x100;
	[sflag:s15] =	ssyncadd.s32 $0xFFFFC000  }
0x2f: {  	[tilespmem:s18], [sflag:$0x1] =	stream.indirect.gather [hbm4b:s1+s17], $0x80, s28, s17, $0xb8;
	[tilespmem:$0x1E400] =	vst v63  }
0x30: {  	_ =	swait.ge [sflag:s21], $0x4000  }
0x31: {  	[sflag:s21] =	ssyncset.done $0x0  }
0x32: {  	s28 =	simm.s32 $0x1480;
	[sflag:s21] =	ssyncadd.s32 $0xFFFFC000  }
0x33: {  	[spmem:s3] =	stream.indirect.scatter.add.f32 [tilespmem:s19], [sflag:$0x3], $0x80, s28, s17, $0xb8;
	[tilespmem:$0x1E400] =	vst v63  }
0x34: {  	_ =	swait.ge [sflag:s15], $0x4000  }
0x35: {  	[sflag:s15] =	ssyncset.done $0x0  }
0x36: {  	s29 =	simm.s32 $0x180;
	s28 =	simm.s32 $0x400;
	[sflag:s15] =	ssyncadd.s32 $0xFFFFC000  }
.LBB2_2:
0x37: {  	[tilespmem:s19], [sflag:$0x2] =	stream.indirect.gather [hbm4b:s1+s17], $0x80, s29, s17, $0xb8;
	[tilespmem:$0x1E400] =	vst v63  }
0x38: {  	s29 =	smov.u32 s28  }
0x39: {  	p1 =	sne.s32 s28, $0x4800;
	s28 =	sadd.s32 $0x400, s28;
	_ =	swait.ge [sflag:s20], $0x4000  }
0x3a: {  	s29 =	sshra.s32 s29, $0x2;
	[sflag:s20] =	ssyncset.done $0x0  }
0x3b: {  	s30 =	sadd.s32 $0x1400, s29;
	[sflag:s20] =	ssyncadd.s32 $0xFFFFC000  }
0x3c: {  	[spmem:s3] =	stream.indirect.scatter.add.f32 [tilespmem:s18], [sflag:$0x3], $0x80, s30, s17, $0xb8;
	[tilespmem:$0x1E400] =	vst v63  }
0x3d: {  	_ =	swait.ge [sflag:s15], $0x4000  }
0x3e: {  	[sflag:s15] =	ssyncset.done $0x0  }
0x3f: {  	s30 =	sadd.s32 $0x100, s29;
	[sflag:s15] =	ssyncadd.s32 $0xFFFFC000  }
0x40: {  	[tilespmem:s18], [sflag:$0x1] =	stream.indirect.gather [hbm4b:s1+s17], $0x80, s30, s17, $0xb8;
	[tilespmem:$0x1E400] =	vst v63  }
0x41: {  	_ =	swait.ge [sflag:s21], $0x4000  }
0x42: {  	[sflag:s21] =	ssyncset.done $0x0  }
.Ltmp0:
0x43: {  	s30 =	sadd.s32 $0x1480, s29;
	[sflag:s21] =	ssyncadd.s32 $0xFFFFC000;
	(pc) =	sbr.rel @p1 .LBB2_2-.Ltmp0, $4  }
0x44: {  	[spmem:s3] =	stream.indirect.scatter.add.f32 [tilespmem:s19], [sflag:$0x3], $0x80, s30, s17, $0xb8;
	[tilespmem:$0x1E400] =	vst v63  }
0x45: {  	_ =	swait.ge [sflag:s15], $0x4000  }
0x46: {  	[sflag:s15] =	ssyncset.done $0x0  }
0x47: {  	s29 =	sadd.s32 $0x180, s29;
	[sflag:s15] =	ssyncadd.s32 $0xFFFFC000  }
0x48: {  	[tilespmem:s19], [sflag:$0x2] =	stream.indirect.gather [hbm4b:s1+s17], $0x80, s29, s17, $0xb8;
	[tilespmem:$0x1E400] =	vst v63  }
0x49: {  	_ =	swait.ge [sflag:s20], $0x4000  }
0x4a: {  	[sflag:s20] =	ssyncset.done $0x0  }
0x4b: {  	[sflag:s20] =	ssyncadd.s32 $0xFFFFC000  }
0x4c: {  	[spmem:s3] =	stream.indirect.scatter.add.f32 [tilespmem:s18], [sflag:$0x3], $0x80, s22, s17, $0xb8;
	[tilespmem:$0x1E400] =	vst v63  }
0x4d: {  	_ =	swait.ge [sflag:s15], $0x4000  }
0x4e: {  	[sflag:s15] =	ssyncset.done $0x0  }
0x4f: {  	[sflag:s15] =	ssyncadd.s32 $0xFFFFC000  }
0x50: {  	_ =	swait.ge [sflag:s21], $0x4000  }
0x51: {  	[sflag:s21] =	ssyncset.done $0x0  }
0x52: {  	[sflag:s21] =	ssyncadd.s32 $0xFFFFC000  }
0x53: {  	[spmem:s3] =	stream.indirect.scatter.add.f32 [tilespmem:s19], [sflag:$0x3], $0x80, s23, s17, $0xb8;
	[tilespmem:$0x1E400] =	vst v63  }
0x54: {  	_ =	swait.ge [sflag:s15], $0x4000  }
0x55: {  	[sflag:s15] =	ssyncset.done $0x0  }
0x56: {  	s28 =	simm.s32 $0x0;
	[sflag:s15] =	ssyncadd.s32 $0xFFFFC000  }
0x57: {  	[tilespmem:s28], [sflag:$0x3] =	stream.linear.gather [hbm4b:s9+s28], $0x1400, $0x38;
	[tilespmem:$0x1E400] =	vst v63  }
0x58: {  	_ =	swait.ge [sflag:s15], $0x1400  }
0x59: {  	[sflag:s15] =	ssyncset.done $0x0  }
0x5a: {  	[sflag:s15] =	ssyncadd.s32 $0xFFFFEC00  }
0x5b: {  	[tilespmem:s16], [sflag:$0x3] =	stream.linear.gather [hbm4b:s10+s28], $0x1400, $0x38;
	[tilespmem:$0x1E400] =	vst v63  }
0x5c: {  	_ =	swait.ge [sflag:s15], $0x1400  }
0x5d: {  	[sflag:s15] =	ssyncset.done $0x0  }
0x5e: {  	[sflag:s15] =	ssyncadd.s32 $0xFFFFEC00  }
0x5f: {  	[tilespmem:s18], [sflag:$0x1] =	stream.indirect.gather [hbm4b:s1+s17], $0x80, s28, s17, $0xb8;
	[tilespmem:$0x1E400] =	vst v63  }
0x60: {  	_ = 	snop  }
0x61: {  	[tilespmem:s19], [sflag:$0x2] =	stream.indirect.gather [hbm4b:s1+s17], $0x80, s17, s17, $0xb8;
	[tilespmem:$0x1E400] =	vst v63  }
0x62: {  	_ =	swait.ge [sflag:s20], $0x4000  }
0x63: {  	[sflag:s20] =	ssyncset.done $0x0  }
0x64: {  	s28 =	simm.s32 $0x1400;
	[sflag:s20] =	ssyncadd.s32 $0xFFFFC000  }
0x65: {  	[spmem:s3] =	stream.indirect.scatter.add.f32 [tilespmem:s18], [sflag:$0x3], $0x80, s28, s17, $0xb8;
	[tilespmem:$0x1E400] =	vst v63  }
0x66: {  	_ =	swait.ge [sflag:s15], $0x4000  }
0x67: {  	[sflag:s15] =	ssyncset.done $0x0  }
0x68: {  	s28 =	simm.s32 $0x100;
	[sflag:s15] =	ssyncadd.s32 $0xFFFFC000  }
0x69: {  	[tilespmem:s18], [sflag:$0x1] =	stream.indirect.gather [hbm4b:s1+s17], $0x80, s28, s17, $0xb8;
	[tilespmem:$0x1E400] =	vst v63  }
0x6a: {  	_ =	swait.ge [sflag:s21], $0x4000  }
0x6b: {  	[sflag:s21] =	ssyncset.done $0x0  }
0x6c: {  	s28 =	simm.s32 $0x1480;
	[sflag:s21] =	ssyncadd.s32 $0xFFFFC000  }
0x6d: {  	[spmem:s3] =	stream.indirect.scatter.add.f32 [tilespmem:s19], [sflag:$0x3], $0x80, s28, s17, $0xb8;
	[tilespmem:$0x1E400] =	vst v63  }
0x6e: {  	_ =	swait.ge [sflag:s15], $0x4000  }
0x6f: {  	[sflag:s15] =	ssyncset.done $0x0  }
0x70: {  	s29 =	simm.s32 $0x180;
	s28 =	simm.s32 $0x400;
	[sflag:s15] =	ssyncadd.s32 $0xFFFFC000  }
.LBB2_4:
0x71: {  	[tilespmem:s19], [sflag:$0x2] =	stream.indirect.gather [hbm4b:s1+s17], $0x80, s29, s17, $0xb8;
	[tilespmem:$0x1E400] =	vst v63  }
0x72: {  	s29 =	smov.u32 s28  }
0x73: {  	p1 =	sne.s32 s28, $0x4800;
	s28 =	sadd.s32 $0x400, s28;
	_ =	swait.ge [sflag:s20], $0x4000  }
0x74: {  	s29 =	sshra.s32 s29, $0x2;
	[sflag:s20] =	ssyncset.done $0x0  }
0x75: {  	s30 =	sadd.s32 $0x1400, s29;
	[sflag:s20] =	ssyncadd.s32 $0xFFFFC000  }
0x76: {  	[spmem:s3] =	stream.indirect.scatter.add.f32 [tilespmem:s18], [sflag:$0x3], $0x80, s30, s17, $0xb8;
	[tilespmem:$0x1E400] =	vst v63  }
0x77: {  	_ =	swait.ge [sflag:s15], $0x4000  }
0x78: {  	[sflag:s15] =	ssyncset.done $0x0  }
0x79: {  	s30 =	sadd.s32 $0x100, s29;
	[sflag:s15] =	ssyncadd.s32 $0xFFFFC000  }
0x7a: {  	[tilespmem:s18], [sflag:$0x1] =	stream.indirect.gather [hbm4b:s1+s17], $0x80, s30, s17, $0xb8;
	[tilespmem:$0x1E400] =	vst v63  }
0x7b: {  	_ =	swait.ge [sflag:s21], $0x4000  }
0x7c: {  	[sflag:s21] =	ssyncset.done $0x0  }
.Ltmp1:
0x7d: {  	s30 =	sadd.s32 $0x1480, s29;
	[sflag:s21] =	ssyncadd.s32 $0xFFFFC000;
	(pc) =	sbr.rel @p1 .LBB2_4-.Ltmp1, $4  }
0x7e: {  	[spmem:s3] =	stream.indirect.scatter.add.f32 [tilespmem:s19], [sflag:$0x3], $0x80, s30, s17, $0xb8;
	[tilespmem:$0x1E400] =	vst v63  }
0x7f: {  	_ =	swait.ge [sflag:s15], $0x4000  }
0x80: {  	[sflag:s15] =	ssyncset.done $0x0  }
0x81: {  	s29 =	sadd.s32 $0x180, s29;
	[sflag:s15] =	ssyncadd.s32 $0xFFFFC000  }
0x82: {  	[tilespmem:s19], [sflag:$0x2] =	stream.indirect.gather [hbm4b:s1+s17], $0x80, s29, s17, $0xb8;
	[tilespmem:$0x1E400] =	vst v63  }
0x83: {  	_ =	swait.ge [sflag:s20], $0x4000  }
0x84: {  	[sflag:s20] =	ssyncset.done $0x0  }
0x85: {  	[sflag:s20] =	ssyncadd.s32 $0xFFFFC000  }
0x86: {  	[spmem:s3] =	stream.indirect.scatter.add.f32 [tilespmem:s18], [sflag:$0x3], $0x80, s22, s17, $0xb8;
	[tilespmem:$0x1E400] =	vst v63  }
0x87: {  	_ =	swait.ge [sflag:s15], $0x4000  }
0x88: {  	[sflag:s15] =	ssyncset.done $0x0  }
0x89: {  	[sflag:s15] =	ssyncadd.s32 $0xFFFFC000  }
0x8a: {  	_ =	swait.ge [sflag:s21], $0x4000  }
0x8b: {  	[sflag:s21] =	ssyncset.done $0x0  }
0x8c: {  	[sflag:s21] =	ssyncadd.s32 $0xFFFFC000  }
0x8d: {  	[spmem:s3] =	stream.indirect.scatter.add.f32 [tilespmem:s19], [sflag:$0x3], $0x80, s23, s17, $0xb8;
	[tilespmem:$0x1E400] =	vst v63  }
0x8e: {  	_ =	swait.ge [sflag:s15], $0x4000  }
0x8f: {  	[sflag:s15] =	ssyncset.done $0x0  }
0x90: {  	[sflag:s15] =	ssyncadd.s32 $0xFFFFC000  }
0x91: {  	[bflag:$0x0] =	sbarrier.arrive $0xFFFF  }
0x92: {  	[hbm:s11], [sflag:s6] =	dma.local [spmem:s24], $0x2700  }
0x93: {  	s26 =	sadd.s32 $0x1, s26;
	_ =	swait.ge [sflag:s15], $0x2700  }
0x94: {  	p1 =	sne.s32 s26, s13;
	[sflag:s15] =	ssyncset.done $0x0  }
.Ltmp2:
0x95: {  	s28 =	simm.s32 @!p0 $0x3;
	[sflag:s15] =	ssyncadd.s32 $0xFFFFD900;
	(pc) =	sbr.rel @p1 .LBB2_1-.Ltmp2, $4  }
0x96: {  	[hbm:s12], [sflag:s6] =	dma.local @!p0 [spmem:s25], $0x100  }
0x97: {  	_ =	swait.ge @!p0 [sflag:s28], $0x100  }
0x98: {  	[sflag:s28] =	ssyncset.done @!p0 $0x0  }
0x99: {  	[sflag:s28] =	ssyncadd.s32 @!p0 $0xFFFFFF00  }
0x9a: {  	_ =	sfence.sel $0x180000  }
0x9b: {  	[bflag:$0x0] =	sbarrier.arrive $0xFFFF  }
0x9c: {  	p0 =	sne.s32 s2, $0x0;
	_ =	strace $0x90000047  }
0x9d: {  	s0 =	sadd.s32 @!p0 $0x100000, s0;
	[bflag:$0x2] =	sbarrier.arrive $0xFFFF  }
0x9e: {  	[sflag:s0] =	ssyncadd.tile.s32 @!p0 $0x1;
	_ =	shalt  }
.Lfunc_end2:
_tile_overlayer_lowered:
.L_overlay_start_2:
0x9f: {  	(tag) =	ssettag $0x2  }
0xa0: {  	s0 =	rddreg [dreg:$0x0];
	s2 =	stileid.u32  }
0xa1: {  	s1 =	rddreg [dreg:$0x1];
	p0 =	sne.s32 s2, $0x0  }
0xa2: {  	s3 =	rddreg [dreg:$0x2];
	[bflag:$0x3] =	sbarrier.arrive $0xFFFF;
	s2 =	simm.s32 @!p0 $0x1C03  }
0xa3: {  	[timem:s3], [sflag:s2] =	dma.local @!p0 [hbm:s0], s1  }
0xa4: {  	s0 =	simm.s32 @!p0 $0x3  }
0xa5: {  	_ =	swait.ge @!p0 [sflag:s0], s1  }
0xa6: {  	s1 =	ssub.s32 @!p0 $0x0, s1;
	[sflag:s0] =	ssyncset.done @!p0 $0x0  }
0xa7: {  	[sflag:s0] =	ssyncadd.s32 @!p0 s1  }
0xa8: {  	[bflag:$0x3] =	sbarrier.arrive $0xFFFF  }
0xa9: {  	_ =	shalt  }

</sc_bundles>
